<compile_context>
chip_gen: v7x
topology: tpu7x:2x2x1
jax: 0.10.2.dev20260603
libtpu: 0.0.44.dev20260713+nightly
codegen_flags: <defaults>
</compile_context>

<pallas_src>
import functools

import jax
import jax.numpy as jnp
import numpy as np
from jax import lax
from jax.experimental import pallas as pl
from jax.experimental.pallas import tpu as pltpu
from jax.experimental.pallas import tpu_sc as plsc

_RADIUS = 0.4
_MAXG = 96.0
_MAXC = 128
_B = 2
_N = 4096
_NW = 32
_WPB = _NW // _B
_OWN = _B * _N // _NW
_NCHUNK = 8
_ROWS = _N // _WPB // _NCHUNK
_NGRP = _N // 16

_SIGN = np.int32(-2147483648)
_R2 = np.float32(_RADIUS * _RADIUS)

_PACK = np.zeros((_N, _NGRP), np.float32)
_PACK[np.arange(_N), np.arange(_N) >> 4] = (2.0 ** (np.arange(_N) & 15))
_PACK2 = np.zeros((_NGRP, 16), np.float32)
_PACK2[np.arange(_NGRP), np.arange(_NGRP) >> 4] = (2.0 ** (np.arange(_NGRP) & 15))


def _cells_body(x_ref, y_ref, z_ref, key_ref):
    r32 = jnp.float32(_RADIUS)
    for b in range(_B):
        arrs = (x_ref[b], y_ref[b], z_ref[b])
        cells = []
        gds = []
        for arr in arrs:
            lo = jnp.min(arr)
            up = jnp.max(arr)
            gdim = jnp.ceil(jnp.clip((up - lo) / r32, 0.0, jnp.float32(_MAXG)))
            center = (lo + up) / 2.0
            low2 = center - gdim * r32 / 2.0
            cell = jnp.floor((arr - low2) / r32)
            cell = jnp.clip(cell, 0.0, gdim - 1.0)
            cells.append(cell.astype(jnp.int32))
            gds.append(gdim.astype(jnp.int32))
        cid = (cells[0] * gds[1] + cells[1]) * gds[2] + cells[2]
        pos = (lax.broadcasted_iota(jnp.int32, arrs[0].shape, 0) * arrs[0].shape[1]
               + lax.broadcasted_iota(jnp.int32, arrs[0].shape, 1))
        key_ref[b] = cid * 4096 + pos


def _compute_keys(xs, ys, zs):
    shape = (_B, _N // 128, 128)
    key = pl.pallas_call(
        _cells_body,
        out_shape=jax.ShapeDtypeStruct(shape, jnp.int32),
    )(xs.reshape(shape), ys.reshape(shape), zs.reshape(shape))
    return key.reshape(_B * _N)


def _rank_body(a_ref, b_ref, ones_ref, rank_ref):
    ki = a_ref[...] ^ _SIGN
    kj = b_ref[0] ^ _SIGN
    lt = jnp.where(kj < ki, 1.0, 0.0)
    rank = lax.dot_general(lt, ones_ref[...], (((1,), (0,)), ((), ())),
                           precision=lax.Precision.DEFAULT)
    rank_ref[...] = rank.astype(jnp.int32)


def _compute_rank(key):
    key_col = key.reshape(_B * _N, 1)
    key_row = key.reshape(_B, 1, _N)
    rank = pl.pallas_call(
        _rank_body,
        grid=(_B, _N // 128),
        in_specs=[
            pl.BlockSpec((128, 1), lambda b, r: (b * (_N // 128) + r, 0)),
            pl.BlockSpec((1, 1, _N), lambda b, r: (b, 0, 0)),
            pl.BlockSpec((_N, 1), lambda b, r: (0, 0)),
        ],
        out_specs=pl.BlockSpec((128, 1), lambda b, r: (b * (_N // 128) + r, 0)),
        out_shape=jax.ShapeDtypeStruct((_B * _N, 1), jnp.int32),
    )(key_col, key_row, jnp.ones((_N, 1), jnp.float32))
    return rank.reshape(_B * _N)


@functools.cache
def _make_scatter():
    mesh = plsc.VectorSubcoreMesh(core_axis_name="c", subcore_axis_name="s")
    return functools.partial(
        pl.kernel,
        out_type=[
            jax.ShapeDtypeStruct((_B * _N,), jnp.int32),
            jax.ShapeDtypeStruct((_B * _N,), jnp.float32),
            jax.ShapeDtypeStruct((_B * _N,), jnp.float32),
            jax.ShapeDtypeStruct((_B * _N,), jnp.float32),
        ],
        mesh=mesh,
        compiler_params=pltpu.CompilerParams(needs_layout_passes=False),
        scratch_types=[
            pltpu.VMEM((_OWN,), jnp.int32),
            pltpu.VMEM((_OWN,), jnp.int32),
            pltpu.VMEM((_OWN,), jnp.float32),
            pltpu.VMEM((_OWN,), jnp.float32),
            pltpu.VMEM((_OWN,), jnp.float32),
            pltpu.VMEM((2, 128), jnp.int32),
            pltpu.SemaphoreType.DMA,
        ],
    )(_scatter_body)


def _scatter_body(key_hbm, rank_hbm, x_hbm, y_hbm, z_hbm,
                  key_s_hbm, xs_hbm, ys_hbm, zs_hbm,
                  ko_v, ro_v, xo_v, yo_v, zo_v, idx_v, sem):
    wid = lax.axis_index("s") * 2 + lax.axis_index("c")
    b = wid // _WPB
    bbase = b * _N
    obase = (wid % _WPB) * _OWN

    own = pl.ds(bbase + obase, _OWN)
    ins = [pltpu.async_copy(key_hbm.at[own], ko_v, sem),
           pltpu.async_copy(rank_hbm.at[own], ro_v, sem),
           pltpu.async_copy(x_hbm.at[own], xo_v, sem),
           pltpu.async_copy(y_hbm.at[own], yo_v, sem),
           pltpu.async_copy(z_hbm.at[own], zo_v, sem)]
    for cp in ins:
        cp.wait()

    def mkidx(c, _):
        idx_v[c // 8, pl.ds((c % 8) * 16, 16)] = \
            ro_v[pl.ds(c * 16, 16)] + bbase
        return 0

    lax.fori_loop(0, _OWN // 16, mkidx, 0)

    cps = []
    for c in range(2):
        sl = pl.ds(c * 128, 128)
        cps.append(pltpu.async_copy(ko_v.at[sl], key_s_hbm.at[idx_v.at[c]], sem))
        cps.append(pltpu.async_copy(xo_v.at[sl], xs_hbm.at[idx_v.at[c]], sem))
        cps.append(pltpu.async_copy(yo_v.at[sl], ys_hbm.at[idx_v.at[c]], sem))
        cps.append(pltpu.async_copy(zo_v.at[sl], zs_hbm.at[idx_v.at[c]], sem))
    for cp in cps:
        cp.wait()


def _mask_body(a_ref, bT_ref, p_ref, p2_ref, bits_ref, l2_ref):
    a = a_ref[0]
    bT = bT_ref[0]
    x_i, y_i, z_i = a[:, 0:1], a[:, 1:2], a[:, 2:3]
    sq_i = (x_i * x_i + y_i * y_i) + z_i * z_i
    bx, by, bz = bT[0:1, :], bT[1:2, :], bT[2:3, :]
    sq_j = (bx * bx + by * by) + bz * bz
    dot = lax.dot_general(a, bT, (((1,), (0,)), ((), ())),
                          precision=lax.Precision.DEFAULT)
    d2 = sq_i + sq_j - 2.0 * dot
    maskf = jnp.where(d2 <= _R2, 1.0, 0.0)
    pack = lax.dot_general(maskf, p_ref[...], (((1,), (0,)), ((), ())),
                           precision=lax.Precision.DEFAULT)
    bits_ref[0] = pack.astype(jnp.int32)
    nzw = jnp.where(pack != 0.0, 1.0, 0.0)
    l2 = lax.dot_general(nzw, p2_ref[...], (((1,), (0,)), ((), ())),
                         precision=lax.Precision.DEFAULT)
    l2_ref[...] = l2.astype(jnp.int32)


def _compute_bits(locs_s, locs_sT):
    return pl.pallas_call(
        _mask_body,
        grid=(_B, _N // 128),
        in_specs=[
            pl.BlockSpec((1, 128, 3), lambda b, r: (b, r, 0)),
            pl.BlockSpec((1, 3, _N), lambda b, r: (b, 0, 0)),
            pl.BlockSpec((_N, _NGRP), lambda b, r: (0, 0)),
            pl.BlockSpec((_NGRP, 16), lambda b, r: (0, 0)),
        ],
        out_specs=[
            pl.BlockSpec((1, 128, _NGRP), lambda b, r: (b, r, 0)),
            pl.BlockSpec((128, 16), lambda b, r: (b * (_N // 128) + r, 0)),
        ],
        out_shape=[
            jax.ShapeDtypeStruct((_B, _N, _NGRP), jnp.int32),
            jax.ShapeDtypeStruct((_B * _N, 16), jnp.int32),
        ],
    )(locs_s, locs_sT, jnp.asarray(_PACK), jnp.asarray(_PACK2))


@functools.cache
def _make_emit():
    mesh = plsc.VectorSubcoreMesh(core_axis_name="c", subcore_axis_name="s")
    return functools.partial(
        pl.kernel,
        out_type=[
            jax.ShapeDtypeStruct((_B * _N,), jnp.float32),
            jax.ShapeDtypeStruct((_B * _N * _MAXC,), jnp.float32),
        ],
        mesh=mesh,
        compiler_params=pltpu.CompilerParams(needs_layout_passes=False),
        scratch_types=[
            pltpu.VMEM((_N,), jnp.int32),
            pltpu.VMEM((_N,), jnp.float32),
            pltpu.VMEM((_ROWS, _NGRP), jnp.int32),
            pltpu.VMEM((_ROWS, 16), jnp.int32),
            pltpu.VMEM((_ROWS * 144,), jnp.float32),
            pltpu.SemaphoreType.DMA,
        ],
    )(_emit_body)


def _emit_body(key_s_hbm, bits_hbm, l2_hbm, idxs_hbm, nbr_hbm,
               keys_v, ordf_v, rows_v, l2rows_v, out_v, sem):
    wid = lax.axis_index("s") * 2 + lax.axis_index("c")
    b = wid // _WPB
    ws = wid % _WPB
    bbase = b * _N

    pltpu.sync_copy(key_s_hbm.at[pl.ds(bbase, _N)], keys_v)

    iota = lax.iota(jnp.int32, 16)

    def unpack(c, _):
        sl = pl.ds(c * 16, 16)
        ordf_v[sl] = (keys_v[sl] & 4095).astype(jnp.float32)
        return 0

    lax.fori_loop(0, _N // 16, unpack, 0)

    def per_chunk(c, _):
        row0 = (c * _WPB + ws) * _ROWS
        cp = pltpu.async_copy(bits_hbm.at[pl.ds(bbase + row0, _ROWS)],
                              rows_v, sem)
        cp2 = pltpu.async_copy(l2_hbm.at[pl.ds(bbase + row0, _ROWS)],
                               l2rows_v, sem)

        def fill(k, _):
            out_v[pl.ds(k * 16, 16)] = jnp.full((16,), -1.0, jnp.float32)
            return 0

        lax.fori_loop(0, _ROWS * 144 // 16, fill, 0)
        cp.wait()
        cp2.wait()

        @plsc.parallel_loop(0, _ROWS, unroll=2)
        def per_row(p):
            bp16 = jnp.broadcast_to(p, (16,))
            l2 = l2rows_v[p, pl.ds(0, 16)]
            nz2 = l2 != 0
            n2 = plsc.all_reduce_population_count(nz2)[0]

            def cond2(carry):
                nz2, cnt, n2 = carry
                return (n2 > 0) & (cnt < _MAXC)

            def body2(carry):
                nz2, cnt, n2 = carry
                g = plsc.all_reduce_ffs(nz2)
                gbits = plsc.load_gather(l2rows_v, [bp16, g])
                nzw = ((lax.shift_right_logical(gbits, iota)) & 1) == 1
                nw = plsc.all_reduce_population_count(nzw)[0]

                def cond(carry):
                    nzw, cnt, nw = carry
                    return (nw > 0) & (cnt < _MAXC)

                def body(carry):
                    nzw, cnt, nw = carry
                    l = plsc.all_reduce_ffs(nzw)
                    w = plsc.load_gather(rows_v, [bp16, g * 16 + l])
                    hits = ((lax.shift_right_logical(w, iota)) & 1) == 1
                    jv = ((g * 16 + l) * 16 + iota).astype(jnp.float32)
                    plsc.store_compressed(
                        out_v.at[pl.ds(p * 144 + cnt, 16)], jv, mask=hits)
                    nhit = plsc.all_reduce_population_count(hits)[0]
                    return (nzw & (iota != l), cnt + nhit, nw - 1)

                _, cnt, _ = lax.while_loop(cond, body, (nzw, cnt, nw))
                return (nz2 & (iota != g), cnt, n2 - 1)

            lax.while_loop(cond2, body2, (nz2, jnp.int32(0), n2))

        pltpu.sync_copy(ordf_v.at[pl.ds(row0, _ROWS)],
                        idxs_hbm.at[pl.ds(bbase + row0, _ROWS)])
        cps = [pltpu.async_copy(
                   out_v.at[pl.ds(r * 144, _MAXC)],
                   nbr_hbm.at[pl.ds((bbase + row0 + r) * _MAXC, _MAXC)],
                   sem)
               for r in range(_ROWS)]
        for c2 in cps:
            c2.wait()
        return 0

    lax.fori_loop(0, _NCHUNK, per_chunk, 0)


@jax.jit
def kernel(locs):
    xs = locs[..., 0].reshape(_B * _N)
    ys = locs[..., 1].reshape(_B * _N)
    zs = locs[..., 2].reshape(_B * _N)
    key = _compute_keys(xs, ys, zs)
    rank = _compute_rank(key)
    key_s, xs_s, ys_s, zs_s = _make_scatter()(key, rank, xs, ys, zs)
    locs_s = jnp.stack(
        [xs_s.reshape(_B, _N), ys_s.reshape(_B, _N), zs_s.reshape(_B, _N)],
        axis=-1)
    locs_sT = jnp.stack(
        [xs_s.reshape(_B, _N), ys_s.reshape(_B, _N), zs_s.reshape(_B, _N)],
        axis=1)
    bits, l2 = _compute_bits(locs_s, locs_sT)
    idxs, nbrs = _make_emit()(key_s, bits.reshape(_B * _N, _NGRP), l2)
    return idxs.reshape(_B, _N), nbrs.reshape(_B, _N, _MAXC)

# --- scband reference (transcript-rebuilt; emitter-appended) ---
"""Pipeline reference for scband-particle-collision-83227876262109 (READ-ONLY COPY).

The authoritative reference and input builder live on the scoring server;
editing this copy changes nothing except your own understanding.
"""

import jax, jax.numpy as jnp
import numpy as np

NDIM = 3
RADIUS = 0.4
MAX_GRID_DIM = 96
MAX_COLLISIONS = 128
B = 2
N = 4096


def setup_inputs(seed: int = 0):
    key = jax.random.key(seed)
    locs = jax.random.normal(key, (B, N, NDIM), dtype=jnp.float32)
    return {"locs": locs}


def _collide(locs):
    b, n, d = locs.shape
    lower = locs.min(axis=1)
    upper = locs.max(axis=1)
    grid_dims = jnp.ceil(jnp.clip((upper - lower) / RADIUS, 0.0, MAX_GRID_DIM))
    center = (lower + upper) / 2.0
    lower = center - grid_dims * RADIUS / 2.0
    # hash-grid cell coordinates per particle
    cell = jnp.floor((locs - lower[:, None, :]) / RADIUS)
    cell = jnp.clip(cell, 0.0, grid_dims[:, None, :] - 1.0).astype(jnp.int32)
    gd = grid_dims.astype(jnp.int32)
    cid = cell[..., 0]
    for i in range(1, d):
        cid = cid * gd[:, i][:, None] + cell[..., i]
    # reorder particles by cell id (stable radix-sort semantics)
    order = jnp.argsort(cid, axis=1, stable=True)  # original index of each loc in new order
    idxs = order
    locs_s = jnp.take_along_axis(locs, order[..., None], axis=1)
    # fixed-radius neighbor search among reordered particles
    sq = jnp.sum(locs_s * locs_s, axis=-1)
    dot = jnp.einsum('bnd,bmd->bnm', locs_s, locs_s)
    dist2 = sq[:, :, None] + sq[:, None, :] - 2.0 * dot
    mask = dist2 <= RADIUS * RADIUS
    # first MAX_COLLISIONS neighbor indices in ascending order (stable sort puts True-mask first)
    norder = jnp.argsort(jnp.logical_not(mask), axis=-1, stable=True)[:, :, :MAX_COLLISIONS]
    count = jnp.sum(mask, axis=-1)
    pos = jnp.arange(MAX_COLLISIONS)[None, None, :]
    neighbors = jnp.where(pos < count[..., None], norder, -1)
    # original module allocates outputs with locs.new -> float dtype
    return idxs.astype(jnp.float32), neighbors.astype(jnp.float32)


def reference(locs):
    return _collide(locs)

if __name__ == "__main__":
    import jax
    _d = setup_inputs()
    print(jax.jit(kernel)(*tuple(_d.values())))

</pallas_src>

<mosaic_0001>
#map = affine_map<(d0, d1) -> (0)>
#map1 = affine_map<(d0, d1) -> (0, 0)>
module attributes {stable_mosaic.version = 14 : i64} {
  func.func @_emit_body(%arg0: i32, %arg1: i32, %arg2: memref<8192xi32, #tpu.memory_space<hbm>>, %arg3: memref<8192x256xi32, #tpu.memory_space<hbm>>, %arg4: memref<8192x16xi32, #tpu.memory_space<hbm>>, %arg5: memref<8192xf32, #tpu.memory_space<hbm>>, %arg6: memref<1048576xf32, #tpu.memory_space<hbm>>, %arg7: memref<4096xi32, #tpu.memory_space<vmem>>, %arg8: memref<4096xf32, #tpu.memory_space<vmem>>, %arg9: memref<32x256xi32, #tpu.memory_space<vmem>>, %arg10: memref<32x16xi32, #tpu.memory_space<vmem>>, %arg11: memref<4608xf32, #tpu.memory_space<vmem>>, %arg12: memref<!tpu.dma_semaphore, #tpu.memory_space<semaphore_mem>>) attributes {dimension_semantics = [#tpu.dimension_semantics<core_parallel>, #tpu.dimension_semantics<subcore_parallel>], iteration_bounds = array<i64: 2, 16>, scalar_prefetch = 0 : i64, scratch_operands = 6 : i64, tpu.core_type = #tpu.core_type<sc_vector_subcore>, window_params = [{transform_indices = #map}, {transform_indices = #map1}, {transform_indices = #map1}, {transform_indices = #map}, {transform_indices = #map}]} {
    %mul3A = arith.constant 2 : i32
    %mul3A_0 = arith.muli %arg1, %mul3A : i32
    %add3A = arith.addi %mul3A_0, %arg0 : i32
    %jit3A = arith.constant 16 : i32
    %div3A = arith.divsi %add3A, %jit3A : i32
    %sign3A = arith.constant 0 : i32
    %sign3A_1 = arith.cmpi sgt, %add3A, %sign3A : i32
    %sign3A_2 = arith.extui %sign3A_1 : i1 to i32
    %sign3A_3 = arith.constant 0 : i32
    %sign3A_4 = arith.cmpi slt, %add3A, %sign3A_3 : i32
    %sign3A_5 = arith.extui %sign3A_4 : i1 to i32
    %sign3A_6 = arith.subi %sign3A_2, %sign3A_5 : i32
    %sign3A_7 = arith.constant 0 : i32
    %sign3A_8 = arith.cmpi sgt, %jit3A, %sign3A_7 : i32
    %sign3A_9 = arith.extui %sign3A_8 : i1 to i32
    %sign3A_10 = arith.constant 0 : i32
    %sign3A_11 = arith.cmpi slt, %jit3A, %sign3A_10 : i32
    %sign3A_12 = arith.extui %sign3A_11 : i1 to i32
    %sign3A_13 = arith.subi %sign3A_9, %sign3A_12 : i32
    %ne3A = arith.cmpi ne, %sign3A_6, %sign3A_13 : i32
    %rem3A = arith.remsi %add3A, %jit3A : i32
    %ne3A_14 = arith.constant 0 : i32
    %ne3A_15 = arith.cmpi ne, %rem3A, %ne3A_14 : i32
    %and3A = arith.andi %ne3A, %ne3A_15 : i1
    %sub3A = arith.constant 1 : i32
    %sub3A_16 = arith.subi %div3A, %sub3A : i32
    %select_n3A = arith.select %and3A, %sub3A_16, %div3A : i32
    %jit3A_17 = arith.constant 16 : i32
    %eq3A = arith.constant 0 : i32
    %eq3A_18 = arith.cmpi eq, %jit3A_17, %eq3A : i32
    %jit3A_19 = arith.constant 1 : i32
    %select_n3A_20 = arith.select %eq3A_18, %jit3A_19, %jit3A_17 : i32
    %rem3A_21 = arith.remsi %add3A, %select_n3A_20 : i32
    %ne3A_22 = arith.constant 0 : i32
    %ne3A_23 = arith.cmpi ne, %rem3A_21, %ne3A_22 : i32
    %lt3A = arith.constant 0 : i32
    %lt3A_24 = arith.cmpi slt, %rem3A_21, %lt3A : i32
    %lt3A_25 = arith.constant 0 : i32
    %lt3A_26 = arith.cmpi slt, %select_n3A_20, %lt3A_25 : i32
    %ne3A_27 = arith.xori %lt3A_24, %lt3A_26 : i1
    %and3A_28 = arith.andi %ne3A_27, %ne3A_23 : i1
    %add3A_29 = arith.addi %rem3A_21, %select_n3A_20 : i32
    %select_n3A_30 = arith.select %and3A_28, %add3A_29, %rem3A_21 : i32
    %mul3A_31 = arith.constant 4096 : i32
    %mul3A_32 = arith.muli %select_n3A, %mul3A_31 : i32
    "tpu.region"() ({
      %run_scoped3A = tpu.sem_alloc : memref<!tpu.dma_semaphore, #tpu.memory_space<semaphore_mem>>
      %dma_start3A = tpu.memref_slice %arg2[%mul3A_32] : memref<8192xi32, #tpu.memory_space<hbm>> -> memref<4096xi32, #tpu.memory_space<hbm>>
      %dma_start3A_46 = tpu.memref_slice %arg2[%mul3A_32] : memref<8192xi32, #tpu.memory_space<hbm>> -> memref<4096xi32, #tpu.memory_space<hbm>>
      tpu.enqueue_dma source(%dma_start3A_46 : memref<4096xi32, #tpu.memory_space<hbm>>) target(%arg7 : memref<4096xi32, #tpu.memory_space<vmem>>) target_semaphore(%run_scoped3A : memref<!tpu.dma_semaphore, #tpu.memory_space<semaphore_mem>>)
      %dma_wait3A = tpu.memref_slice %arg2[%mul3A_32] : memref<8192xi32, #tpu.memory_space<hbm>> -> memref<4096xi32, #tpu.memory_space<hbm>>
      %dma_wait3A_47 = tpu.memref_slice %arg2[%mul3A_32] : memref<8192xi32, #tpu.memory_space<hbm>> -> memref<4096xi32, #tpu.memory_space<hbm>>
      tpu.wait_dma2 semaphore(%run_scoped3A : memref<!tpu.dma_semaphore, #tpu.memory_space<semaphore_mem>>) src(%dma_wait3A_47 : memref<4096xi32, #tpu.memory_space<hbm>>) dst(%arg7 : memref<4096xi32, #tpu.memory_space<vmem>>)
      tpu.yield
    }) : () -> ()
    %iota3A = tpu.iota {dimensions = array<i32: 0>} : vector<16xi32>
    %scan3A = arith.constant 0 : i32
    %scan3A_33 = arith.constant 0 : i32
    %scan3A_34 = arith.constant 256 : i32
    %scan3A_35 = arith.addi %scan3A_33, %scan3A_34 : i32
    %scan3A_36 = arith.constant 1 : i32
    %scan3A_37 = scf.for %scan3A_46 = %scan3A_33 to %scan3A_35 step %scan3A_36 iter_args(%scan3A_47 = %scan3A) -> (i32)  : i32 {
      %mul3A_48 = arith.constant 16 : i32
      %mul3A_49 = arith.muli %scan3A_46, %mul3A_48 : i32
      %get3A = arith.index_cast %mul3A_49 : i32 to index
      %get3A_50 = tpu.vector_load %arg7[%get3A] {strides = array<i32>} : memref<4096xi32, #tpu.memory_space<vmem>>, vector<16xi32>,
      %and3A_51 = arith.constant 4095 : i32
      %and3A_52 = vector.broadcast %and3A_51 : i32 to vector<16xi32>
      %and3A_53 = arith.andi %get3A_50, %and3A_52 : vector<16xi32>
      %convert_element_type3A = arith.sitofp %and3A_53 : vector<16xi32> to vector<16xf32>
      %swap3A = arith.index_cast %mul3A_49 : i32 to index
      %swap3A_54 = tpu.vector_load %arg8[%swap3A] {strides = array<i32>} : memref<4096xf32, #tpu.memory_space<vmem>>, vector<16xf32>,
      tpu.vector_store %arg8[%swap3A], %convert_element_type3A {strides = array<i32>} : memref<4096xf32, #tpu.memory_space<vmem>>, vector<16xf32>,
      %scan3A_55 = arith.constant 0 : i32
      scf.yield %scan3A_55 : i32
    }
    %scan3A_38 = arith.constant 256 : i32
    %scan3A_39 = arith.constant 0 : i32
    %scan3A_40 = arith.constant 0 : i32
    %scan3A_41 = arith.constant 8 : i32
    %scan3A_42 = arith.addi %scan3A_40, %scan3A_41 : i32
    %scan3A_43 = arith.constant 1 : i32
    %scan3A_44 = scf.for %scan3A_46 = %scan3A_40 to %scan3A_42 step %scan3A_43 iter_args(%scan3A_47 = %scan3A_39) -> (i32)  : i32 {
      %mul3A_48 = arith.constant 16 : i32
      %mul3A_49 = arith.muli %scan3A_46, %mul3A_48 : i32
      %add3A_50 = arith.addi %mul3A_49, %select_n3A_30 : i32
      %mul3A_51 = arith.constant 32 : i32
      %mul3A_52 = arith.muli %add3A_50, %mul3A_51 : i32
      %add3A_53 = arith.addi %mul3A_32, %mul3A_52 : i32
      %dma_start3A = arith.constant 0 : i32
      %dma_start3A_54 = tpu.memref_slice %arg3[%add3A_53, %dma_start3A] : memref<8192x256xi32, #tpu.memory_space<hbm>> -> memref<32x256xi32, #tpu.memory_space<hbm>>
      %dma_start3A_55 = arith.constant 0 : i32
      %dma_start3A_56 = tpu.memref_slice %arg3[%add3A_53, %dma_start3A_55] : memref<8192x256xi32, #tpu.memory_space<hbm>> -> memref<32x256xi32, #tpu.memory_space<hbm>>
      tpu.enqueue_dma source(%dma_start3A_56 : memref<32x256xi32, #tpu.memory_space<hbm>>) target(%arg9 : memref<32x256xi32, #tpu.memory_space<vmem>>) target_semaphore(%arg12 : memref<!tpu.dma_semaphore, #tpu.memory_space<semaphore_mem>>)
      %add3A_57 = arith.addi %mul3A_32, %mul3A_52 : i32
      %dma_start3A_58 = arith.constant 0 : i32
      %dma_start3A_59 = tpu.memref_slice %arg4[%add3A_57, %dma_start3A_58] : memref<8192x16xi32, #tpu.memory_space<hbm>> -> memref<32x16xi32, #tpu.memory_space<hbm>>
      %dma_start3A_60 = arith.constant 0 : i32
      %dma_start3A_61 = tpu.memref_slice %arg4[%add3A_57, %dma_start3A_60] : memref<8192x16xi32, #tpu.memory_space<hbm>> -> memref<32x16xi32, #tpu.memory_space<hbm>>
      tpu.enqueue_dma source(%dma_start3A_61 : memref<32x16xi32, #tpu.memory_space<hbm>>) target(%arg10 : memref<32x16xi32, #tpu.memory_space<vmem>>) target_semaphore(%arg12 : memref<!tpu.dma_semaphore, #tpu.memory_space<semaphore_mem>>)
      %scan3A_62 = arith.constant 0 : i32
      %scan3A_63 = arith.constant 0 : i32
      %scan3A_64 = arith.constant 288 : i32
      %scan3A_65 = arith.addi %scan3A_63, %scan3A_64 : i32
      %scan3A_66 = arith.constant 1 : i32
      %scan3A_67 = scf.for %scan3A_624 = %scan3A_63 to %scan3A_65 step %scan3A_66 iter_args(%scan3A_625 = %scan3A_62) -> (i32)  : i32 {
        %broadcast_in_dim3A = arith.constant -1.000000e+00 : f32
        %broadcast_in_dim3A_626 = vector.broadcast %broadcast_in_dim3A : f32 to vector<16xf32>
        %mul3A_627 = arith.constant 16 : i32
        %mul3A_628 = arith.muli %scan3A_624, %mul3A_627 : i32
        %swap3A = arith.index_cast %mul3A_628 : i32 to index
        %swap3A_629 = tpu.vector_load %arg11[%swap3A] {strides = array<i32>} : memref<4608xf32, #tpu.memory_space<vmem>>, vector<16xf32>,
        tpu.vector_store %arg11[%swap3A], %broadcast_in_dim3A_626 {strides = array<i32>} : memref<4608xf32, #tpu.memory_space<vmem>>, vector<16xf32>,
        %scan3A_630 = arith.constant 0 : i32
        scf.yield %scan3A_630 : i32
      }
      %scan3A_68 = arith.constant 288 : i32
      %dma_wait3A = arith.constant 0 : i32
      %dma_wait3A_69 = tpu.memref_slice %arg3[%add3A_53, %dma_wait3A] : memref<8192x256xi32, #tpu.memory_space<hbm>> -> memref<32x256xi32, #tpu.memory_space<hbm>>
      %dma_wait3A_70 = arith.constant 0 : i32
      %dma_wait3A_71 = tpu.memref_slice %arg3[%add3A_53, %dma_wait3A_70] : memref<8192x256xi32, #tpu.memory_space<hbm>> -> memref<32x256xi32, #tpu.memory_space<hbm>>
      tpu.wait_dma2 semaphore(%arg12 : memref<!tpu.dma_semaphore, #tpu.memory_space<semaphore_mem>>) src(%dma_wait3A_71 : memref<32x256xi32, #tpu.memory_space<hbm>>) dst(%arg9 : memref<32x256xi32, #tpu.memory_space<vmem>>)
      %dma_wait3A_72 = arith.constant 0 : i32
      %dma_wait3A_73 = tpu.memref_slice %arg4[%add3A_57, %dma_wait3A_72] : memref<8192x16xi32, #tpu.memory_space<hbm>> -> memref<32x16xi32, #tpu.memory_space<hbm>>
      %dma_wait3A_74 = arith.constant 0 : i32
      %dma_wait3A_75 = tpu.memref_slice %arg4[%add3A_57, %dma_wait3A_74] : memref<8192x16xi32, #tpu.memory_space<hbm>> -> memref<32x16xi32, #tpu.memory_space<hbm>>
      tpu.wait_dma2 semaphore(%arg12 : memref<!tpu.dma_semaphore, #tpu.memory_space<semaphore_mem>>) src(%dma_wait3A_75 : memref<32x16xi32, #tpu.memory_space<hbm>>) dst(%arg10 : memref<32x16xi32, #tpu.memory_space<vmem>>)
      %parallel_loop3A = arith.constant 0 : i32
      %parallel_loop3A_76 = arith.constant 32 : i32
      %parallel_loop3A_77 = arith.constant 1 : i32
      scf.for %parallel_loop3A_624 = %parallel_loop3A to %parallel_loop3A_76 step %parallel_loop3A_77  : i32 {
        %parallel_loop3A_625 = vector.broadcast %parallel_loop3A_624 : i32 to vector<16xi32>
        %parallel_loop3A_626 = arith.index_cast %parallel_loop3A_624 : i32 to index
        %parallel_loop3A_627 = arith.constant 0 : index
        %parallel_loop3A_628 = tpu.vector_load %arg10[%parallel_loop3A_626, %parallel_loop3A_627] {strides = array<i32>} : memref<32x16xi32, #tpu.memory_space<vmem>>, vector<16xi32>,
        %parallel_loop3A_629 = arith.constant 0 : i32
        %parallel_loop3A_630 = vector.broadcast %parallel_loop3A_629 : i32 to vector<16xi32>
        %parallel_loop3A_631 = arith.cmpi ne, %parallel_loop3A_628, %parallel_loop3A_630 : vector<16xi32>
        %parallel_loop3A_632 = tpu.all_reduce %parallel_loop3A_631 {dim = 0 : i64, kind = #tpu.reduction_kind<sum>} : vector<16xi1> -> vector<16xi32>
        %parallel_loop3A_633 = vector.extract_strided_slice %parallel_loop3A_632 {offsets = [0], sizes = [1], strides = [1]} : vector<16xi32> to vector<1xi32>
        %parallel_loop3A_634 = vector.extract %parallel_loop3A_633[0] : i32 from vector<1xi32>
        %parallel_loop3A_635 = arith.constant 0 : i32
        %parallel_loop3A_636:3 = scf.while (%while3A = %parallel_loop3A_631, %while3A_637 = %parallel_loop3A_635, %while3A_638 = %parallel_loop3A_634) : (vector<16xi1>, i32, i32) -> (vector<16xi1>, i32, i32) {
          %parallel_loop3A_639 = arith.constant 0 : i32
          %parallel_loop3A_640 = arith.cmpi sgt, %while3A_638, %parallel_loop3A_639 : i32
          %parallel_loop3A_641 = arith.constant 128 : i32
          %parallel_loop3A_642 = arith.cmpi slt, %while3A_637, %parallel_loop3A_641 : i32
          %parallel_loop3A_643 = arith.andi %parallel_loop3A_640, %parallel_loop3A_642 : i1
          scf.condition(%parallel_loop3A_643) %while3A, %while3A_637, %while3A_638 : vector<16xi1>, i32, i32
        } do {
        ^bb0(%while3A: vector<16xi1>, %while3A_637: i32, %while3A_638: i32):
          %parallel_loop3A_639 = tpu.all_reduce %while3A {dim = 0 : i64, kind = #tpu.reduction_kind<find_first_set>} : vector<16xi1> -> vector<16xi32>
          %parallel_loop3A_640 = tpu.vector_load_idx %arg10[%parallel_loop3A_625, %parallel_loop3A_639] : memref<32x16xi32, #tpu.memory_space<vmem>>[vector<16xi32>, vector<16xi32>], vector<16xi32>,
          %parallel_loop3A_641 = arith.shrui %parallel_loop3A_640, %iota3A : vector<16xi32>
          %parallel_loop3A_642 = arith.constant 1 : i32
          %parallel_loop3A_643 = vector.broadcast %parallel_loop3A_642 : i32 to vector<16xi32>
          %parallel_loop3A_644 = arith.andi %parallel_loop3A_641, %parallel_loop3A_643 : vector<16xi32>
          %parallel_loop3A_645 = arith.constant 1 : i32
          %parallel_loop3A_646 = vector.broadcast %parallel_loop3A_645 : i32 to vector<16xi32>
          %parallel_loop3A_647 = arith.cmpi eq, %parallel_loop3A_644, %parallel_loop3A_646 : vector<16xi32>
          %parallel_loop3A_648 = tpu.all_reduce %parallel_loop3A_647 {dim = 0 : i64, kind = #tpu.reduction_kind<sum>} : vector<16xi1> -> vector<16xi32>
          %parallel_loop3A_649 = vector.extract_strided_slice %parallel_loop3A_648 {offsets = [0], sizes = [1], strides = [1]} : vector<16xi32> to vector<1xi32>
          %parallel_loop3A_650 = vector.extract %parallel_loop3A_649[0] : i32 from vector<1xi32>
          %parallel_loop3A_651:3 = scf.while (%while3A_656 = %parallel_loop3A_647, %while3A_657 = %while3A_637, %while3A_658 = %parallel_loop3A_650) : (vector<16xi1>, i32, i32) -> (vector<16xi1>, i32, i32) {
            %parallel_loop3A_659 = arith.constant 0 : i32
            %parallel_loop3A_660 = arith.cmpi sgt, %while3A_658, %parallel_loop3A_659 : i32
            %parallel_loop3A_661 = arith.constant 128 : i32
            %parallel_loop3A_662 = arith.cmpi slt, %while3A_657, %parallel_loop3A_661 : i32
            %parallel_loop3A_663 = arith.andi %parallel_loop3A_660, %parallel_loop3A_662 : i1
            scf.condition(%parallel_loop3A_663) %while3A_656, %while3A_657, %while3A_658 : vector<16xi1>, i32, i32
          } do {
          ^bb0(%while3A_656: vector<16xi1>, %while3A_657: i32, %while3A_658: i32):
            %parallel_loop3A_659 = tpu.all_reduce %while3A_656 {dim = 0 : i64, kind = #tpu.reduction_kind<find_first_set>} : vector<16xi1> -> vector<16xi32>
            %parallel_loop3A_660 = arith.constant 16 : i32
            %parallel_loop3A_661 = vector.broadcast %parallel_loop3A_660 : i32 to vector<16xi32>
            %parallel_loop3A_662 = arith.muli %parallel_loop3A_639, %parallel_loop3A_661 : vector<16xi32>
            %parallel_loop3A_663 = arith.addi %parallel_loop3A_662, %parallel_loop3A_659 : vector<16xi32>
            %parallel_loop3A_664 = tpu.vector_load_idx %arg9[%parallel_loop3A_625, %parallel_loop3A_663] : memref<32x256xi32, #tpu.memory_space<vmem>>[vector<16xi32>, vector<16xi32>], vector<16xi32>,
            %parallel_loop3A_665 = arith.shrui %parallel_loop3A_664, %iota3A : vector<16xi32>
            %parallel_loop3A_666 = arith.constant 1 : i32
            %parallel_loop3A_667 = vector.broadcast %parallel_loop3A_666 : i32 to vector<16xi32>
            %parallel_loop3A_668 = arith.andi %parallel_loop3A_665, %parallel_loop3A_667 : vector<16xi32>
            %parallel_loop3A_669 = arith.constant 1 : i32
            %parallel_loop3A_670 = vector.broadcast %parallel_loop3A_669 : i32 to vector<16xi32>
            %parallel_loop3A_671 = arith.cmpi eq, %parallel_loop3A_668, %parallel_loop3A_670 : vector<16xi32>
            %parallel_loop3A_672 = arith.constant 16 : i32
            %parallel_loop3A_673 = vector.broadcast %parallel_loop3A_672 : i32 to vector<16xi32>
            %parallel_loop3A_674 = arith.muli %parallel_loop3A_639, %parallel_loop3A_673 : vector<16xi32>
            %parallel_loop3A_675 = arith.addi %parallel_loop3A_674, %parallel_loop3A_659 : vector<16xi32>
            %parallel_loop3A_676 = arith.constant 16 : i32
            %parallel_loop3A_677 = vector.broadcast %parallel_loop3A_676 : i32 to vector<16xi32>
            %parallel_loop3A_678 = arith.muli %parallel_loop3A_675, %parallel_loop3A_677 : vector<16xi32>
            %parallel_loop3A_679 = arith.addi %parallel_loop3A_678, %iota3A : vector<16xi32>
            %parallel_loop3A_680 = arith.sitofp %parallel_loop3A_679 : vector<16xi32> to vector<16xf32>
            %parallel_loop3A_681 = arith.constant 144 : i32
            %parallel_loop3A_682 = arith.muli %parallel_loop3A_624, %parallel_loop3A_681 : i32
            %parallel_loop3A_683 = arith.addi %parallel_loop3A_682, %while3A_657 : i32
            %parallel_loop3A_684 = arith.index_cast %parallel_loop3A_683 : i32 to index
            %parallel_loop3A_685 = tpu.vector_load %arg11[%parallel_loop3A_684] masked %parallel_loop3A_671 {strides = array<i32>} : memref<4608xf32, #tpu.memory_space<vmem>>, vector<16xf32>, vector<16xi1>
            tpu.vector_store %arg11[%parallel_loop3A_684], %parallel_loop3A_680 masked %parallel_loop3A_671 {strides = array<i32>} : memref<4608xf32, #tpu.memory_space<vmem>>, vector<16xf32>, vector<16xi1>
            %parallel_loop3A_686 = tpu.all_reduce %parallel_loop3A_671 {dim = 0 : i64, kind = #tpu.reduction_kind<sum>} : vector<16xi1> -> vector<16xi32>
            %parallel_loop3A_687 = vector.extract_strided_slice %parallel_loop3A_686 {offsets = [0], sizes = [1], strides = [1]} : vector<16xi32> to vector<1xi32>
            %parallel_loop3A_688 = vector.extract %parallel_loop3A_687[0] : i32 from vector<1xi32>
            %parallel_loop3A_689 = arith.cmpi ne, %iota3A, %parallel_loop3A_659 : vector<16xi32>
            %parallel_loop3A_690 = arith.andi %while3A_656, %parallel_loop3A_689 : vector<16xi1>
            %parallel_loop3A_691 = arith.addi %while3A_657, %parallel_loop3A_688 : i32
            %parallel_loop3A_692 = arith.constant 1 : i32
            %parallel_loop3A_693 = arith.subi %while3A_658, %parallel_loop3A_692 : i32
            scf.yield %parallel_loop3A_690, %parallel_loop3A_691, %parallel_loop3A_693 : vector<16xi1>, i32, i32
          }
          %parallel_loop3A_652 = arith.cmpi ne, %iota3A, %parallel_loop3A_639 : vector<16xi32>
          %parallel_loop3A_653 = arith.andi %while3A, %parallel_loop3A_652 : vector<16xi1>
          %parallel_loop3A_654 = arith.constant 1 : i32
          %parallel_loop3A_655 = arith.subi %while3A_638, %parallel_loop3A_654 : i32
          scf.yield %parallel_loop3A_653, %parallel_loop3A_651#1, %parallel_loop3A_655 : vector<16xi1>, i32, i32
        }
      } {sc.loop_unroll_factor = 2 : i64, sc.parallel_access}
      %add3A_78 = arith.addi %mul3A_32, %mul3A_52 : i32
      "tpu.region"() ({
        %run_scoped3A = tpu.sem_alloc : memref<!tpu.dma_semaphore, #tpu.memory_space<semaphore_mem>>
        %dma_start3A_624 = tpu.memref_slice %arg8[%mul3A_52] : memref<4096xf32, #tpu.memory_space<vmem>> -> memref<32xf32, #tpu.memory_space<vmem>>
        %dma_start3A_625 = tpu.memref_slice %arg5[%add3A_78] : memref<8192xf32, #tpu.memory_space<hbm>> -> memref<32xf32, #tpu.memory_space<hbm>>
        %dma_start3A_626 = tpu.memref_slice %arg5[%add3A_78] : memref<8192xf32, #tpu.memory_space<hbm>> -> memref<32xf32, #tpu.memory_space<hbm>>
        %dma_start3A_627 = tpu.memref_slice %arg8[%mul3A_52] : memref<4096xf32, #tpu.memory_space<vmem>> -> memref<32xf32, #tpu.memory_space<vmem>>
        tpu.enqueue_dma source(%dma_start3A_627 : memref<32xf32, #tpu.memory_space<vmem>>) target(%dma_start3A_626 : memref<32xf32, #tpu.memory_space<hbm>>) target_semaphore(%run_scoped3A : memref<!tpu.dma_semaphore, #tpu.memory_space<semaphore_mem>>)
        %dma_wait3A_628 = tpu.memref_slice %arg8[%mul3A_52] : memref<4096xf32, #tpu.memory_space<vmem>> -> memref<32xf32, #tpu.memory_space<vmem>>
        %dma_wait3A_629 = tpu.memref_slice %arg5[%add3A_78] : memref<8192xf32, #tpu.memory_space<hbm>> -> memref<32xf32, #tpu.memory_space<hbm>>
        %dma_wait3A_630 = tpu.memref_slice %arg5[%add3A_78] : memref<8192xf32, #tpu.memory_space<hbm>> -> memref<32xf32, #tpu.memory_space<hbm>>
        %dma_wait3A_631 = tpu.memref_slice %arg8[%mul3A_52] : memref<4096xf32, #tpu.memory_space<vmem>> -> memref<32xf32, #tpu.memory_space<vmem>>
        tpu.wait_dma2 semaphore(%run_scoped3A : memref<!tpu.dma_semaphore, #tpu.memory_space<semaphore_mem>>) src(%dma_wait3A_631 : memref<32xf32, #tpu.memory_space<vmem>>) dst(%dma_wait3A_630 : memref<32xf32, #tpu.memory_space<hbm>>)
        tpu.yield
      }) : () -> ()
      %add3A_79 = arith.addi %mul3A_32, %mul3A_52 : i32
      %add3A_80 = arith.constant 0 : i32
      %add3A_81 = arith.addi %add3A_79, %add3A_80 : i32
      %mul3A_82 = arith.constant 128 : i32
      %mul3A_83 = arith.muli %add3A_81, %mul3A_82 : i32
      %dma_start3A_84 = arith.constant 0 : i32
      %dma_start3A_85 = tpu.memref_slice %arg11[%dma_start3A_84] : memref<4608xf32, #tpu.memory_space<vmem>> -> memref<128xf32, #tpu.memory_space<vmem>>
      %dma_start3A_86 = tpu.memref_slice %arg6[%mul3A_83] : memref<1048576xf32, #tpu.memory_space<hbm>> -> memref<128xf32, #tpu.memory_space<hbm>>
      %dma_start3A_87 = tpu.memref_slice %arg6[%mul3A_83] : memref<1048576xf32, #tpu.memory_space<hbm>> -> memref<128xf32, #tpu.memory_space<hbm>>
      %dma_start3A_88 = arith.constant 0 : i32
      %dma_start3A_89 = tpu.memref_slice %arg11[%dma_start3A_88] : memref<4608xf32, #tpu.memory_space<vmem>> -> memref<128xf32, #tpu.memory_space<vmem>>
      tpu.enqueue_dma source(%dma_start3A_89 : memref<128xf32, #tpu.memory_space<vmem>>) target(%dma_start3A_87 : memref<128xf32, #tpu.memory_space<hbm>>) target_semaphore(%arg12 : memref<!tpu.dma_semaphore, #tpu.memory_space<semaphore_mem>>)
      %add3A_90 = arith.addi %mul3A_32, %mul3A_52 : i32
      %add3A_91 = arith.constant 1 : i32
      %add3A_92 = arith.addi %add3A_90, %add3A_91 : i32
      %mul3A_93 = arith.constant 128 : i32
      %mul3A_94 = arith.muli %add3A_92, %mul3A_93 : i32
      %dma_start3A_95 = arith.constant 144 : i32
      %dma_start3A_96 = tpu.memref_slice %arg11[%dma_start3A_95] : memref<4608xf32, #tpu.memory_space<vmem>> -> memref<128xf32, #tpu.memory_space<vmem>>
      %dma_start3A_97 = tpu.memref_slice %arg6[%mul3A_94] : memref<1048576xf32, #tpu.memory_space<hbm>> -> memref<128xf32, #tpu.memory_space<hbm>>
      %dma_start3A_98 = tpu.memref_slice %arg6[%mul3A_94] : memref<1048576xf32, #tpu.memory_space<hbm>> -> memref<128xf32, #tpu.memory_space<hbm>>
      %dma_start3A_99 = arith.constant 144 : i32
      %dma_start3A_100 = tpu.memref_slice %arg11[%dma_start3A_99] : memref<4608xf32, #tpu.memory_space<vmem>> -> memref<128xf32, #tpu.memory_space<vmem>>
      tpu.enqueue_dma source(%dma_start3A_100 : memref<128xf32, #tpu.memory_space<vmem>>) target(%dma_start3A_98 : memref<128xf32, #tpu.memory_space<hbm>>) target_semaphore(%arg12 : memref<!tpu.dma_semaphore, #tpu.memory_space<semaphore_mem>>)
      %add3A_101 = arith.addi %mul3A_32, %mul3A_52 : i32
      %add3A_102 = arith.constant 2 : i32
      %add3A_103 = arith.addi %add3A_101, %add3A_102 : i32
      %mul3A_104 = arith.constant 128 : i32
      %mul3A_105 = arith.muli %add3A_103, %mul3A_104 : i32
      %dma_start3A_106 = arith.constant 288 : i32
      %dma_start3A_107 = tpu.memref_slice %arg11[%dma_start3A_106] : memref<4608xf32, #tpu.memory_space<vmem>> -> memref<128xf32, #tpu.memory_space<vmem>>
      %dma_start3A_108 = tpu.memref_slice %arg6[%mul3A_105] : memref<1048576xf32, #tpu.memory_space<hbm>> -> memref<128xf32, #tpu.memory_space<hbm>>
      %dma_start3A_109 = tpu.memref_slice %arg6[%mul3A_105] : memref<1048576xf32, #tpu.memory_space<hbm>> -> memref<128xf32, #tpu.memory_space<hbm>>
      %dma_start3A_110 = arith.constant 288 : i32
      %dma_start3A_111 = tpu.memref_slice %arg11[%dma_start3A_110] : memref<4608xf32, #tpu.memory_space<vmem>> -> memref<128xf32, #tpu.memory_space<vmem>>
      tpu.enqueue_dma source(%dma_start3A_111 : memref<128xf32, #tpu.memory_space<vmem>>) target(%dma_start3A_109 : memref<128xf32, #tpu.memory_space<hbm>>) target_semaphore(%arg12 : memref<!tpu.dma_semaphore, #tpu.memory_space<semaphore_mem>>)
      %add3A_112 = arith.addi %mul3A_32, %mul3A_52 : i32
      %add3A_113 = arith.constant 3 : i32
      %add3A_114 = arith.addi %add3A_112, %add3A_113 : i32
      %mul3A_115 = arith.constant 128 : i32
      %mul3A_116 = arith.muli %add3A_114, %mul3A_115 : i32
      %dma_start3A_117 = arith.constant 432 : i32
      %dma_start3A_118 = tpu.memref_slice %arg11[%dma_start3A_117] : memref<4608xf32, #tpu.memory_space<vmem>> -> memref<128xf32, #tpu.memory_space<vmem>>
      %dma_start3A_119 = tpu.memref_slice %arg6[%mul3A_116] : memref<1048576xf32, #tpu.memory_space<hbm>> -> memref<128xf32, #tpu.memory_space<hbm>>
      %dma_start3A_120 = tpu.memref_slice %arg6[%mul3A_116] : memref<1048576xf32, #tpu.memory_space<hbm>> -> memref<128xf32, #tpu.memory_space<hbm>>
      %dma_start3A_121 = arith.constant 432 : i32
      %dma_start3A_122 = tpu.memref_slice %arg11[%dma_start3A_121] : memref<4608xf32, #tpu.memory_space<vmem>> -> memref<128xf32, #tpu.memory_space<vmem>>
      tpu.enqueue_dma source(%dma_start3A_122 : memref<128xf32, #tpu.memory_space<vmem>>) target(%dma_start3A_120 : memref<128xf32, #tpu.memory_space<hbm>>) target_semaphore(%arg12 : memref<!tpu.dma_semaphore, #tpu.memory_space<semaphore_mem>>)
      %add3A_123 = arith.addi %mul3A_32, %mul3A_52 : i32
      %add3A_124 = arith.constant 4 : i32
      %add3A_125 = arith.addi %add3A_123, %add3A_124 : i32
      %mul3A_126 = arith.constant 128 : i32
      %mul3A_127 = arith.muli %add3A_125, %mul3A_126 : i32
      %dma_start3A_128 = arith.constant 576 : i32
      %dma_start3A_129 = tpu.memref_slice %arg11[%dma_start3A_128] : memref<4608xf32, #tpu.memory_space<vmem>> -> memref<128xf32, #tpu.memory_space<vmem>>
      %dma_start3A_130 = tpu.memref_slice %arg6[%mul3A_127] : memref<1048576xf32, #tpu.memory_space<hbm>> -> memref<128xf32, #tpu.memory_space<hbm>>
      %dma_start3A_131 = tpu.memref_slice %arg6[%mul3A_127] : memref<1048576xf32, #tpu.memory_space<hbm>> -> memref<128xf32, #tpu.memory_space<hbm>>
      %dma_start3A_132 = arith.constant 576 : i32
      %dma_start3A_133 = tpu.memref_slice %arg11[%dma_start3A_132] : memref<4608xf32, #tpu.memory_space<vmem>> -> memref<128xf32, #tpu.memory_space<vmem>>
      tpu.enqueue_dma source(%dma_start3A_133 : memref<128xf32, #tpu.memory_space<vmem>>) target(%dma_start3A_131 : memref<128xf32, #tpu.memory_space<hbm>>) target_semaphore(%arg12 : memref<!tpu.dma_semaphore, #tpu.memory_space<semaphore_mem>>)
      %add3A_134 = arith.addi %mul3A_32, %mul3A_52 : i32
      %add3A_135 = arith.constant 5 : i32
      %add3A_136 = arith.addi %add3A_134, %add3A_135 : i32
      %mul3A_137 = arith.constant 128 : i32
      %mul3A_138 = arith.muli %add3A_136, %mul3A_137 : i32
      %dma_start3A_139 = arith.constant 720 : i32
      %dma_start3A_140 = tpu.memref_slice %arg11[%dma_start3A_139] : memref<4608xf32, #tpu.memory_space<vmem>> -> memref<128xf32, #tpu.memory_space<vmem>>
      %dma_start3A_141 = tpu.memref_slice %arg6[%mul3A_138] : memref<1048576xf32, #tpu.memory_space<hbm>> -> memref<128xf32, #tpu.memory_space<hbm>>
      %dma_start3A_142 = tpu.memref_slice %arg6[%mul3A_138] : memref<1048576xf32, #tpu.memory_space<hbm>> -> memref<128xf32, #tpu.memory_space<hbm>>
      %dma_start3A_143 = arith.constant 720 : i32
      %dma_start3A_144 = tpu.memref_slice %arg11[%dma_start3A_143] : memref<4608xf32, #tpu.memory_space<vmem>> -> memref<128xf32, #tpu.memory_space<vmem>>
      tpu.enqueue_dma source(%dma_start3A_144 : memref<128xf32, #tpu.memory_space<vmem>>) target(%dma_start3A_142 : memref<128xf32, #tpu.memory_space<hbm>>) target_semaphore(%arg12 : memref<!tpu.dma_semaphore, #tpu.memory_space<semaphore_mem>>)
      %add3A_145 = arith.addi %mul3A_32, %mul3A_52 : i32
      %add3A_146 = arith.constant 6 : i32
      %add3A_147 = arith.addi %add3A_145, %add3A_146 : i32
      %mul3A_148 = arith.constant 128 : i32
      %mul3A_149 = arith.muli %add3A_147, %mul3A_148 : i32
      %dma_start3A_150 = arith.constant 864 : i32
      %dma_start3A_151 = tpu.memref_slice %arg11[%dma_start3A_150] : memref<4608xf32, #tpu.memory_space<vmem>> -> memref<128xf32, #tpu.memory_space<vmem>>
      %dma_start3A_152 = tpu.memref_slice %arg6[%mul3A_149] : memref<1048576xf32, #tpu.memory_space<hbm>> -> memref<128xf32, #tpu.memory_space<hbm>>
      %dma_start3A_153 = tpu.memref_slice %arg6[%mul3A_149] : memref<1048576xf32, #tpu.memory_space<hbm>> -> memref<128xf32, #tpu.memory_space<hbm>>
      %dma_start3A_154 = arith.constant 864 : i32
      %dma_start3A_155 = tpu.memref_slice %arg11[%dma_start3A_154] : memref<4608xf32, #tpu.memory_space<vmem>> -> memref<128xf32, #tpu.memory_space<vmem>>
      tpu.enqueue_dma source(%dma_start3A_155 : memref<128xf32, #tpu.memory_space<vmem>>) target(%dma_start3A_153 : memref<128xf32, #tpu.memory_space<hbm>>) target_semaphore(%arg12 : memref<!tpu.dma_semaphore, #tpu.memory_space<semaphore_mem>>)
      %add3A_156 = arith.addi %mul3A_32, %mul3A_52 : i32
      %add3A_157 = arith.constant 7 : i32
      %add3A_158 = arith.addi %add3A_156, %add3A_157 : i32
      %mul3A_159 = arith.constant 128 : i32
      %mul3A_160 = arith.muli %add3A_158, %mul3A_159 : i32
      %dma_start3A_161 = arith.constant 1008 : i32
      %dma_start3A_162 = tpu.memref_slice %arg11[%dma_start3A_161] : memref<4608xf32, #tpu.memory_space<vmem>> -> memref<128xf32, #tpu.memory_space<vmem>>
      %dma_start3A_163 = tpu.memref_slice %arg6[%mul3A_160] : memref<1048576xf32, #tpu.memory_space<hbm>> -> memref<128xf32, #tpu.memory_space<hbm>>
      %dma_start3A_164 = tpu.memref_slice %arg6[%mul3A_160] : memref<1048576xf32, #tpu.memory_space<hbm>> -> memref<128xf32, #tpu.memory_space<hbm>>
      %dma_start3A_165 = arith.constant 1008 : i32
      %dma_start3A_166 = tpu.memref_slice %arg11[%dma_start3A_165] : memref<4608xf32, #tpu.memory_space<vmem>> -> memref<128xf32, #tpu.memory_space<vmem>>
      tpu.enqueue_dma source(%dma_start3A_166 : memref<128xf32, #tpu.memory_space<vmem>>) target(%dma_start3A_164 : memref<128xf32, #tpu.memory_space<hbm>>) target_semaphore(%arg12 : memref<!tpu.dma_semaphore, #tpu.memory_space<semaphore_mem>>)
      %add3A_167 = arith.addi %mul3A_32, %mul3A_52 : i32
      %add3A_168 = arith.constant 8 : i32
      %add3A_169 = arith.addi %add3A_167, %add3A_168 : i32
      %mul3A_170 = arith.constant 128 : i32
      %mul3A_171 = arith.muli %add3A_169, %mul3A_170 : i32
      %dma_start3A_172 = arith.constant 1152 : i32
      %dma_start3A_173 = tpu.memref_slice %arg11[%dma_start3A_172] : memref<4608xf32, #tpu.memory_space<vmem>> -> memref<128xf32, #tpu.memory_space<vmem>>
      %dma_start3A_174 = tpu.memref_slice %arg6[%mul3A_171] : memref<1048576xf32, #tpu.memory_space<hbm>> -> memref<128xf32, #tpu.memory_space<hbm>>
      %dma_start3A_175 = tpu.memref_slice %arg6[%mul3A_171] : memref<1048576xf32, #tpu.memory_space<hbm>> -> memref<128xf32, #tpu.memory_space<hbm>>
      %dma_start3A_176 = arith.constant 1152 : i32
      %dma_start3A_177 = tpu.memref_slice %arg11[%dma_start3A_176] : memref<4608xf32, #tpu.memory_space<vmem>> -> memref<128xf32, #tpu.memory_space<vmem>>
      tpu.enqueue_dma source(%dma_start3A_177 : memref<128xf32, #tpu.memory_space<vmem>>) target(%dma_start3A_175 : memref<128xf32, #tpu.memory_space<hbm>>) target_semaphore(%arg12 : memref<!tpu.dma_semaphore, #tpu.memory_space<semaphore_mem>>)
      %add3A_178 = arith.addi %mul3A_32, %mul3A_52 : i32
      %add3A_179 = arith.constant 9 : i32
      %add3A_180 = arith.addi %add3A_178, %add3A_179 : i32
      %mul3A_181 = arith.constant 128 : i32
      %mul3A_182 = arith.muli %add3A_180, %mul3A_181 : i32
      %dma_start3A_183 = arith.constant 1296 : i32
      %dma_start3A_184 = tpu.memref_slice %arg11[%dma_start3A_183] : memref<4608xf32, #tpu.memory_space<vmem>> -> memref<128xf32, #tpu.memory_space<vmem>>
      %dma_start3A_185 = tpu.memref_slice %arg6[%mul3A_182] : memref<1048576xf32, #tpu.memory_space<hbm>> -> memref<128xf32, #tpu.memory_space<hbm>>
      %dma_start3A_186 = tpu.memref_slice %arg6[%mul3A_182] : memref<1048576xf32, #tpu.memory_space<hbm>> -> memref<128xf32, #tpu.memory_space<hbm>>
      %dma_start3A_187 = arith.constant 1296 : i32
      %dma_start3A_188 = tpu.memref_slice %arg11[%dma_start3A_187] : memref<4608xf32, #tpu.memory_space<vmem>> -> memref<128xf32, #tpu.memory_space<vmem>>
      tpu.enqueue_dma source(%dma_start3A_188 : memref<128xf32, #tpu.memory_space<vmem>>) target(%dma_start3A_186 : memref<128xf32, #tpu.memory_space<hbm>>) target_semaphore(%arg12 : memref<!tpu.dma_semaphore, #tpu.memory_space<semaphore_mem>>)
      %add3A_189 = arith.addi %mul3A_32, %mul3A_52 : i32
      %add3A_190 = arith.constant 10 : i32
      %add3A_191 = arith.addi %add3A_189, %add3A_190 : i32
      %mul3A_192 = arith.constant 128 : i32
      %mul3A_193 = arith.muli %add3A_191, %mul3A_192 : i32
      %dma_start3A_194 = arith.constant 1440 : i32
      %dma_start3A_195 = tpu.memref_slice %arg11[%dma_start3A_194] : memref<4608xf32, #tpu.memory_space<vmem>> -> memref<128xf32, #tpu.memory_space<vmem>>
      %dma_start3A_196 = tpu.memref_slice %arg6[%mul3A_193] : memref<1048576xf32, #tpu.memory_space<hbm>> -> memref<128xf32, #tpu.memory_space<hbm>>
      %dma_start3A_197 = tpu.memref_slice %arg6[%mul3A_193] : memref<1048576xf32, #tpu.memory_space<hbm>> -> memref<128xf32, #tpu.memory_space<hbm>>
      %dma_start3A_198 = arith.constant 1440 : i32
      %dma_start3A_199 = tpu.memref_slice %arg11[%dma_start3A_198] : memref<4608xf32, #tpu.memory_space<vmem>> -> memref<128xf32, #tpu.memory_space<vmem>>
      tpu.enqueue_dma source(%dma_start3A_199 : memref<128xf32, #tpu.memory_space<vmem>>) target(%dma_start3A_197 : memref<128xf32, #tpu.memory_space<hbm>>) target_semaphore(%arg12 : memref<!tpu.dma_semaphore, #tpu.memory_space<semaphore_mem>>)
      %add3A_200 = arith.addi %mul3A_32, %mul3A_52 : i32
      %add3A_201 = arith.constant 11 : i32
      %add3A_202 = arith.addi %add3A_200, %add3A_201 : i32
      %mul3A_203 = arith.constant 128 : i32
      %mul3A_204 = arith.muli %add3A_202, %mul3A_203 : i32
      %dma_start3A_205 = arith.constant 1584 : i32
      %dma_start3A_206 = tpu.memref_slice %arg11[%dma_start3A_205] : memref<4608xf32, #tpu.memory_space<vmem>> -> memref<128xf32, #tpu.memory_space<vmem>>
      %dma_start3A_207 = tpu.memref_slice %arg6[%mul3A_204] : memref<1048576xf32, #tpu.memory_space<hbm>> -> memref<128xf32, #tpu.memory_space<hbm>>
      %dma_start3A_208 = tpu.memref_slice %arg6[%mul3A_204] : memref<1048576xf32, #tpu.memory_space<hbm>> -> memref<128xf32, #tpu.memory_space<hbm>>
      %dma_start3A_209 = arith.constant 1584 : i32
      %dma_start3A_210 = tpu.memref_slice %arg11[%dma_start3A_209] : memref<4608xf32, #tpu.memory_space<vmem>> -> memref<128xf32, #tpu.memory_space<vmem>>
      tpu.enqueue_dma source(%dma_start3A_210 : memref<128xf32, #tpu.memory_space<vmem>>) target(%dma_start3A_208 : memref<128xf32, #tpu.memory_space<hbm>>) target_semaphore(%arg12 : memref<!tpu.dma_semaphore, #tpu.memory_space<semaphore_mem>>)
      %add3A_211 = arith.addi %mul3A_32, %mul3A_52 : i32
      %add3A_212 = arith.constant 12 : i32
      %add3A_213 = arith.addi %add3A_211, %add3A_212 : i32
      %mul3A_214 = arith.constant 128 : i32
      %mul3A_215 = arith.muli %add3A_213, %mul3A_214 : i32
      %dma_start3A_216 = arith.constant 1728 : i32
      %dma_start3A_217 = tpu.memref_slice %arg11[%dma_start3A_216] : memref<4608xf32, #tpu.memory_space<vmem>> -> memref<128xf32, #tpu.memory_space<vmem>>
      %dma_start3A_218 = tpu.memref_slice %arg6[%mul3A_215] : memref<1048576xf32, #tpu.memory_space<hbm>> -> memref<128xf32, #tpu.memory_space<hbm>>
      %dma_start3A_219 = tpu.memref_slice %arg6[%mul3A_215] : memref<1048576xf32, #tpu.memory_space<hbm>> -> memref<128xf32, #tpu.memory_space<hbm>>
      %dma_start3A_220 = arith.constant 1728 : i32
      %dma_start3A_221 = tpu.memref_slice %arg11[%dma_start3A_220] : memref<4608xf32, #tpu.memory_space<vmem>> -> memref<128xf32, #tpu.memory_space<vmem>>
      tpu.enqueue_dma source(%dma_start3A_221 : memref<128xf32, #tpu.memory_space<vmem>>) target(%dma_start3A_219 : memref<128xf32, #tpu.memory_space<hbm>>) target_semaphore(%arg12 : memref<!tpu.dma_semaphore, #tpu.memory_space<semaphore_mem>>)
      %add3A_222 = arith.addi %mul3A_32, %mul3A_52 : i32
      %add3A_223 = arith.constant 13 : i32
      %add3A_224 = arith.addi %add3A_222, %add3A_223 : i32
      %mul3A_225 = arith.constant 128 : i32
      %mul3A_226 = arith.muli %add3A_224, %mul3A_225 : i32
      %dma_start3A_227 = arith.constant 1872 : i32
      %dma_start3A_228 = tpu.memref_slice %arg11[%dma_start3A_227] : memref<4608xf32, #tpu.memory_space<vmem>> -> memref<128xf32, #tpu.memory_space<vmem>>
      %dma_start3A_229 = tpu.memref_slice %arg6[%mul3A_226] : memref<1048576xf32, #tpu.memory_space<hbm>> -> memref<128xf32, #tpu.memory_space<hbm>>
      %dma_start3A_230 = tpu.memref_slice %arg6[%mul3A_226] : memref<1048576xf32, #tpu.memory_space<hbm>> -> memref<128xf32, #tpu.memory_space<hbm>>
      %dma_start3A_231 = arith.constant 1872 : i32
      %dma_start3A_232 = tpu.memref_slice %arg11[%dma_start3A_231] : memref<4608xf32, #tpu.memory_space<vmem>> -> memref<128xf32, #tpu.memory_space<vmem>>
      tpu.enqueue_dma source(%dma_start3A_232 : memref<128xf32, #tpu.memory_space<vmem>>) target(%dma_start3A_230 : memref<128xf32, #tpu.memory_space<hbm>>) target_semaphore(%arg12 : memref<!tpu.dma_semaphore, #tpu.memory_space<semaphore_mem>>)
      %add3A_233 = arith.addi %mul3A_32, %mul3A_52 : i32
      %add3A_234 = arith.constant 14 : i32
      %add3A_235 = arith.addi %add3A_233, %add3A_234 : i32
      %mul3A_236 = arith.constant 128 : i32
      %mul3A_237 = arith.muli %add3A_235, %mul3A_236 : i32
      %dma_start3A_238 = arith.constant 2016 : i32
      %dma_start3A_239 = tpu.memref_slice %arg11[%dma_start3A_238] : memref<4608xf32, #tpu.memory_space<vmem>> -> memref<128xf32, #tpu.memory_space<vmem>>
      %dma_start3A_240 = tpu.memref_slice %arg6[%mul3A_237] : memref<1048576xf32, #tpu.memory_space<hbm>> -> memref<128xf32, #tpu.memory_space<hbm>>
      %dma_start3A_241 = tpu.memref_slice %arg6[%mul3A_237] : memref<1048576xf32, #tpu.memory_space<hbm>> -> memref<128xf32, #tpu.memory_space<hbm>>
      %dma_start3A_242 = arith.constant 2016 : i32
      %dma_start3A_243 = tpu.memref_slice %arg11[%dma_start3A_242] : memref<4608xf32, #tpu.memory_space<vmem>> -> memref<128xf32, #tpu.memory_space<vmem>>
      tpu.enqueue_dma source(%dma_start3A_243 : memref<128xf32, #tpu.memory_space<vmem>>) target(%dma_start3A_241 : memref<128xf32, #tpu.memory_space<hbm>>) target_semaphore(%arg12 : memref<!tpu.dma_semaphore, #tpu.memory_space<semaphore_mem>>)
      %add3A_244 = arith.addi %mul3A_32, %mul3A_52 : i32
      %add3A_245 = arith.constant 15 : i32
      %add3A_246 = arith.addi %add3A_244, %add3A_245 : i32
      %mul3A_247 = arith.constant 128 : i32
      %mul3A_248 = arith.muli %add3A_246, %mul3A_247 : i32
      %dma_start3A_249 = arith.constant 2160 : i32
      %dma_start3A_250 = tpu.memref_slice %arg11[%dma_start3A_249] : memref<4608xf32, #tpu.memory_space<vmem>> -> memref<128xf32, #tpu.memory_space<vmem>>
      %dma_start3A_251 = tpu.memref_slice %arg6[%mul3A_248] : memref<1048576xf32, #tpu.memory_space<hbm>> -> memref<128xf32, #tpu.memory_space<hbm>>
      %dma_start3A_252 = tpu.memref_slice %arg6[%mul3A_248] : memref<1048576xf32, #tpu.memory_space<hbm>> -> memref<128xf32, #tpu.memory_space<hbm>>
      %dma_start3A_253 = arith.constant 2160 : i32
      %dma_start3A_254 = tpu.memref_slice %arg11[%dma_start3A_253] : memref<4608xf32, #tpu.memory_space<vmem>> -> memref<128xf32, #tpu.memory_space<vmem>>
      tpu.enqueue_dma source(%dma_start3A_254 : memref<128xf32, #tpu.memory_space<vmem>>) target(%dma_start3A_252 : memref<128xf32, #tpu.memory_space<hbm>>) target_semaphore(%arg12 : memref<!tpu.dma_semaphore, #tpu.memory_space<semaphore_mem>>)
      %add3A_255 = arith.addi %mul3A_32, %mul3A_52 : i32
      %add3A_256 = arith.constant 16 : i32
      %add3A_257 = arith.addi %add3A_255, %add3A_256 : i32
      %mul3A_258 = arith.constant 128 : i32
      %mul3A_259 = arith.muli %add3A_257, %mul3A_258 : i32
      %dma_start3A_260 = arith.constant 2304 : i32
      %dma_start3A_261 = tpu.memref_slice %arg11[%dma_start3A_260] : memref<4608xf32, #tpu.memory_space<vmem>> -> memref<128xf32, #tpu.memory_space<vmem>>
      %dma_start3A_262 = tpu.memref_slice %arg6[%mul3A_259] : memref<1048576xf32, #tpu.memory_space<hbm>> -> memref<128xf32, #tpu.memory_space<hbm>>
      %dma_start3A_263 = tpu.memref_slice %arg6[%mul3A_259] : memref<1048576xf32, #tpu.memory_space<hbm>> -> memref<128xf32, #tpu.memory_space<hbm>>
      %dma_start3A_264 = arith.constant 2304 : i32
      %dma_start3A_265 = tpu.memref_slice %arg11[%dma_start3A_264] : memref<4608xf32, #tpu.memory_space<vmem>> -> memref<128xf32, #tpu.memory_space<vmem>>
      tpu.enqueue_dma source(%dma_start3A_265 : memref<128xf32, #tpu.memory_space<vmem>>) target(%dma_start3A_263 : memref<128xf32, #tpu.memory_space<hbm>>) target_semaphore(%arg12 : memref<!tpu.dma_semaphore, #tpu.memory_space<semaphore_mem>>)
      %add3A_266 = arith.addi %mul3A_32, %mul3A_52 : i32
      %add3A_267 = arith.constant 17 : i32
      %add3A_268 = arith.addi %add3A_266, %add3A_267 : i32
      %mul3A_269 = arith.constant 128 : i32
      %mul3A_270 = arith.muli %add3A_268, %mul3A_269 : i32
      %dma_start3A_271 = arith.constant 2448 : i32
      %dma_start3A_272 = tpu.memref_slice %arg11[%dma_start3A_271] : memref<4608xf32, #tpu.memory_space<vmem>> -> memref<128xf32, #tpu.memory_space<vmem>>
      %dma_start3A_273 = tpu.memref_slice %arg6[%mul3A_270] : memref<1048576xf32, #tpu.memory_space<hbm>> -> memref<128xf32, #tpu.memory_space<hbm>>
      %dma_start3A_274 = tpu.memref_slice %arg6[%mul3A_270] : memref<1048576xf32, #tpu.memory_space<hbm>> -> memref<128xf32, #tpu.memory_space<hbm>>
      %dma_start3A_275 = arith.constant 2448 : i32
      %dma_start3A_276 = tpu.memref_slice %arg11[%dma_start3A_275] : memref<4608xf32, #tpu.memory_space<vmem>> -> memref<128xf32, #tpu.memory_space<vmem>>
      tpu.enqueue_dma source(%dma_start3A_276 : memref<128xf32, #tpu.memory_space<vmem>>) target(%dma_start3A_274 : memref<128xf32, #tpu.memory_space<hbm>>) target_semaphore(%arg12 : memref<!tpu.dma_semaphore, #tpu.memory_space<semaphore_mem>>)
      %add3A_277 = arith.addi %mul3A_32, %mul3A_52 : i32
      %add3A_278 = arith.constant 18 : i32
      %add3A_279 = arith.addi %add3A_277, %add3A_278 : i32
      %mul3A_280 = arith.constant 128 : i32
      %mul3A_281 = arith.muli %add3A_279, %mul3A_280 : i32
      %dma_start3A_282 = arith.constant 2592 : i32
      %dma_start3A_283 = tpu.memref_slice %arg11[%dma_start3A_282] : memref<4608xf32, #tpu.memory_space<vmem>> -> memref<128xf32, #tpu.memory_space<vmem>>
      %dma_start3A_284 = tpu.memref_slice %arg6[%mul3A_281] : memref<1048576xf32, #tpu.memory_space<hbm>> -> memref<128xf32, #tpu.memory_space<hbm>>
      %dma_start3A_285 = tpu.memref_slice %arg6[%mul3A_281] : memref<1048576xf32, #tpu.memory_space<hbm>> -> memref<128xf32, #tpu.memory_space<hbm>>
      %dma_start3A_286 = arith.constant 2592 : i32
      %dma_start3A_287 = tpu.memref_slice %arg11[%dma_start3A_286] : memref<4608xf32, #tpu.memory_space<vmem>> -> memref<128xf32, #tpu.memory_space<vmem>>
      tpu.enqueue_dma source(%dma_start3A_287 : memref<128xf32, #tpu.memory_space<vmem>>) target(%dma_start3A_285 : memref<128xf32, #tpu.memory_space<hbm>>) target_semaphore(%arg12 : memref<!tpu.dma_semaphore, #tpu.memory_space<semaphore_mem>>)
      %add3A_288 = arith.addi %mul3A_32, %mul3A_52 : i32
      %add3A_289 = arith.constant 19 : i32
      %add3A_290 = arith.addi %add3A_288, %add3A_289 : i32
      %mul3A_291 = arith.constant 128 : i32
      %mul3A_292 = arith.muli %add3A_290, %mul3A_291 : i32
      %dma_start3A_293 = arith.constant 2736 : i32
      %dma_start3A_294 = tpu.memref_slice %arg11[%dma_start3A_293] : memref<4608xf32, #tpu.memory_space<vmem>> -> memref<128xf32, #tpu.memory_space<vmem>>
      %dma_start3A_295 = tpu.memref_slice %arg6[%mul3A_292] : memref<1048576xf32, #tpu.memory_space<hbm>> -> memref<128xf32, #tpu.memory_space<hbm>>
      %dma_start3A_296 = tpu.memref_slice %arg6[%mul3A_292] : memref<1048576xf32, #tpu.memory_space<hbm>> -> memref<128xf32, #tpu.memory_space<hbm>>
      %dma_start3A_297 = arith.constant 2736 : i32
      %dma_start3A_298 = tpu.memref_slice %arg11[%dma_start3A_297] : memref<4608xf32, #tpu.memory_space<vmem>> -> memref<128xf32, #tpu.memory_space<vmem>>
      tpu.enqueue_dma source(%dma_start3A_298 : memref<128xf32, #tpu.memory_space<vmem>>) target(%dma_start3A_296 : memref<128xf32, #tpu.memory_space<hbm>>) target_semaphore(%arg12 : memref<!tpu.dma_semaphore, #tpu.memory_space<semaphore_mem>>)
      %add3A_299 = arith.addi %mul3A_32, %mul3A_52 : i32
      %add3A_300 = arith.constant 20 : i32
      %add3A_301 = arith.addi %add3A_299, %add3A_300 : i32
      %mul3A_302 = arith.constant 128 : i32
      %mul3A_303 = arith.muli %add3A_301, %mul3A_302 : i32
      %dma_start3A_304 = arith.constant 2880 : i32
      %dma_start3A_305 = tpu.memref_slice %arg11[%dma_start3A_304] : memref<4608xf32, #tpu.memory_space<vmem>> -> memref<128xf32, #tpu.memory_space<vmem>>
      %dma_start3A_306 = tpu.memref_slice %arg6[%mul3A_303] : memref<1048576xf32, #tpu.memory_space<hbm>> -> memref<128xf32, #tpu.memory_space<hbm>>
      %dma_start3A_307 = tpu.memref_slice %arg6[%mul3A_303] : memref<1048576xf32, #tpu.memory_space<hbm>> -> memref<128xf32, #tpu.memory_space<hbm>>
      %dma_start3A_308 = arith.constant 2880 : i32
      %dma_start3A_309 = tpu.memref_slice %arg11[%dma_start3A_308] : memref<4608xf32, #tpu.memory_space<vmem>> -> memref<128xf32, #tpu.memory_space<vmem>>
      tpu.enqueue_dma source(%dma_start3A_309 : memref<128xf32, #tpu.memory_space<vmem>>) target(%dma_start3A_307 : memref<128xf32, #tpu.memory_space<hbm>>) target_semaphore(%arg12 : memref<!tpu.dma_semaphore, #tpu.memory_space<semaphore_mem>>)
      %add3A_310 = arith.addi %mul3A_32, %mul3A_52 : i32
      %add3A_311 = arith.constant 21 : i32
      %add3A_312 = arith.addi %add3A_310, %add3A_311 : i32
      %mul3A_313 = arith.constant 128 : i32
      %mul3A_314 = arith.muli %add3A_312, %mul3A_313 : i32
      %dma_start3A_315 = arith.constant 3024 : i32
      %dma_start3A_316 = tpu.memref_slice %arg11[%dma_start3A_315] : memref<4608xf32, #tpu.memory_space<vmem>> -> memref<128xf32, #tpu.memory_space<vmem>>
      %dma_start3A_317 = tpu.memref_slice %arg6[%mul3A_314] : memref<1048576xf32, #tpu.memory_space<hbm>> -> memref<128xf32, #tpu.memory_space<hbm>>
      %dma_start3A_318 = tpu.memref_slice %arg6[%mul3A_314] : memref<1048576xf32, #tpu.memory_space<hbm>> -> memref<128xf32, #tpu.memory_space<hbm>>
      %dma_start3A_319 = arith.constant 3024 : i32
      %dma_start3A_320 = tpu.memref_slice %arg11[%dma_start3A_319] : memref<4608xf32, #tpu.memory_space<vmem>> -> memref<128xf32, #tpu.memory_space<vmem>>
      tpu.enqueue_dma source(%dma_start3A_320 : memref<128xf32, #tpu.memory_space<vmem>>) target(%dma_start3A_318 : memref<128xf32, #tpu.memory_space<hbm>>) target_semaphore(%arg12 : memref<!tpu.dma_semaphore, #tpu.memory_space<semaphore_mem>>)
      %add3A_321 = arith.addi %mul3A_32, %mul3A_52 : i32
      %add3A_322 = arith.constant 22 : i32
      %add3A_323 = arith.addi %add3A_321, %add3A_322 : i32
      %mul3A_324 = arith.constant 128 : i32
      %mul3A_325 = arith.muli %add3A_323, %mul3A_324 : i32
      %dma_start3A_326 = arith.constant 3168 : i32
      %dma_start3A_327 = tpu.memref_slice %arg11[%dma_start3A_326] : memref<4608xf32, #tpu.memory_space<vmem>> -> memref<128xf32, #tpu.memory_space<vmem>>
      %dma_start3A_328 = tpu.memref_slice %arg6[%mul3A_325] : memref<1048576xf32, #tpu.memory_space<hbm>> -> memref<128xf32, #tpu.memory_space<hbm>>
      %dma_start3A_329 = tpu.memref_slice %arg6[%mul3A_325] : memref<1048576xf32, #tpu.memory_space<hbm>> -> memref<128xf32, #tpu.memory_space<hbm>>
      %dma_start3A_330 = arith.constant 3168 : i32
      %dma_start3A_331 = tpu.memref_slice %arg11[%dma_start3A_330] : memref<4608xf32, #tpu.memory_space<vmem>> -> memref<128xf32, #tpu.memory_space<vmem>>
      tpu.enqueue_dma source(%dma_start3A_331 : memref<128xf32, #tpu.memory_space<vmem>>) target(%dma_start3A_329 : memref<128xf32, #tpu.memory_space<hbm>>) target_semaphore(%arg12 : memref<!tpu.dma_semaphore, #tpu.memory_space<semaphore_mem>>)
      %add3A_332 = arith.addi %mul3A_32, %mul3A_52 : i32
      %add3A_333 = arith.constant 23 : i32
      %add3A_334 = arith.addi %add3A_332, %add3A_333 : i32
      %mul3A_335 = arith.constant 128 : i32
      %mul3A_336 = arith.muli %add3A_334, %mul3A_335 : i32
      %dma_start3A_337 = arith.constant 3312 : i32
      %dma_start3A_338 = tpu.memref_slice %arg11[%dma_start3A_337] : memref<4608xf32, #tpu.memory_space<vmem>> -> memref<128xf32, #tpu.memory_space<vmem>>
      %dma_start3A_339 = tpu.memref_slice %arg6[%mul3A_336] : memref<1048576xf32, #tpu.memory_space<hbm>> -> memref<128xf32, #tpu.memory_space<hbm>>
      %dma_start3A_340 = tpu.memref_slice %arg6[%mul3A_336] : memref<1048576xf32, #tpu.memory_space<hbm>> -> memref<128xf32, #tpu.memory_space<hbm>>
      %dma_start3A_341 = arith.constant 3312 : i32
      %dma_start3A_342 = tpu.memref_slice %arg11[%dma_start3A_341] : memref<4608xf32, #tpu.memory_space<vmem>> -> memref<128xf32, #tpu.memory_space<vmem>>
      tpu.enqueue_dma source(%dma_start3A_342 : memref<128xf32, #tpu.memory_space<vmem>>) target(%dma_start3A_340 : memref<128xf32, #tpu.memory_space<hbm>>) target_semaphore(%arg12 : memref<!tpu.dma_semaphore, #tpu.memory_space<semaphore_mem>>)
      %add3A_343 = arith.addi %mul3A_32, %mul3A_52 : i32
      %add3A_344 = arith.constant 24 : i32
      %add3A_345 = arith.addi %add3A_343, %add3A_344 : i32
      %mul3A_346 = arith.constant 128 : i32
      %mul3A_347 = arith.muli %add3A_345, %mul3A_346 : i32
      %dma_start3A_348 = arith.constant 3456 : i32
      %dma_start3A_349 = tpu.memref_slice %arg11[%dma_start3A_348] : memref<4608xf32, #tpu.memory_space<vmem>> -> memref<128xf32, #tpu.memory_space<vmem>>
      %dma_start3A_350 = tpu.memref_slice %arg6[%mul3A_347] : memref<1048576xf32, #tpu.memory_space<hbm>> -> memref<128xf32, #tpu.memory_space<hbm>>
      %dma_start3A_351 = tpu.memref_slice %arg6[%mul3A_347] : memref<1048576xf32, #tpu.memory_space<hbm>> -> memref<128xf32, #tpu.memory_space<hbm>>
      %dma_start3A_352 = arith.constant 3456 : i32
      %dma_start3A_353 = tpu.memref_slice %arg11[%dma_start3A_352] : memref<4608xf32, #tpu.memory_space<vmem>> -> memref<128xf32, #tpu.memory_space<vmem>>
      tpu.enqueue_dma source(%dma_start3A_353 : memref<128xf32, #tpu.memory_space<vmem>>) target(%dma_start3A_351 : memref<128xf32, #tpu.memory_space<hbm>>) target_semaphore(%arg12 : memref<!tpu.dma_semaphore, #tpu.memory_space<semaphore_mem>>)
      %add3A_354 = arith.addi %mul3A_32, %mul3A_52 : i32
      %add3A_355 = arith.constant 25 : i32
      %add3A_356 = arith.addi %add3A_354, %add3A_355 : i32
      %mul3A_357 = arith.constant 128 : i32
      %mul3A_358 = arith.muli %add3A_356, %mul3A_357 : i32
      %dma_start3A_359 = arith.constant 3600 : i32
      %dma_start3A_360 = tpu.memref_slice %arg11[%dma_start3A_359] : memref<4608xf32, #tpu.memory_space<vmem>> -> memref<128xf32, #tpu.memory_space<vmem>>
      %dma_start3A_361 = tpu.memref_slice %arg6[%mul3A_358] : memref<1048576xf32, #tpu.memory_space<hbm>> -> memref<128xf32, #tpu.memory_space<hbm>>
      %dma_start3A_362 = tpu.memref_slice %arg6[%mul3A_358] : memref<1048576xf32, #tpu.memory_space<hbm>> -> memref<128xf32, #tpu.memory_space<hbm>>
      %dma_start3A_363 = arith.constant 3600 : i32
      %dma_start3A_364 = tpu.memref_slice %arg11[%dma_start3A_363] : memref<4608xf32, #tpu.memory_space<vmem>> -> memref<128xf32, #tpu.memory_space<vmem>>
      tpu.enqueue_dma source(%dma_start3A_364 : memref<128xf32, #tpu.memory_space<vmem>>) target(%dma_start3A_362 : memref<128xf32, #tpu.memory_space<hbm>>) target_semaphore(%arg12 : memref<!tpu.dma_semaphore, #tpu.memory_space<semaphore_mem>>)
      %add3A_365 = arith.addi %mul3A_32, %mul3A_52 : i32
      %add3A_366 = arith.constant 26 : i32
      %add3A_367 = arith.addi %add3A_365, %add3A_366 : i32
      %mul3A_368 = arith.constant 128 : i32
      %mul3A_369 = arith.muli %add3A_367, %mul3A_368 : i32
      %dma_start3A_370 = arith.constant 3744 : i32
      %dma_start3A_371 = tpu.memref_slice %arg11[%dma_start3A_370] : memref<4608xf32, #tpu.memory_space<vmem>> -> memref<128xf32, #tpu.memory_space<vmem>>
      %dma_start3A_372 = tpu.memref_slice %arg6[%mul3A_369] : memref<1048576xf32, #tpu.memory_space<hbm>> -> memref<128xf32, #tpu.memory_space<hbm>>
      %dma_start3A_373 = tpu.memref_slice %arg6[%mul3A_369] : memref<1048576xf32, #tpu.memory_space<hbm>> -> memref<128xf32, #tpu.memory_space<hbm>>
      %dma_start3A_374 = arith.constant 3744 : i32
      %dma_start3A_375 = tpu.memref_slice %arg11[%dma_start3A_374] : memref<4608xf32, #tpu.memory_space<vmem>> -> memref<128xf32, #tpu.memory_space<vmem>>
      tpu.enqueue_dma source(%dma_start3A_375 : memref<128xf32, #tpu.memory_space<vmem>>) target(%dma_start3A_373 : memref<128xf32, #tpu.memory_space<hbm>>) target_semaphore(%arg12 : memref<!tpu.dma_semaphore, #tpu.memory_space<semaphore_mem>>)
      %add3A_376 = arith.addi %mul3A_32, %mul3A_52 : i32
      %add3A_377 = arith.constant 27 : i32
      %add3A_378 = arith.addi %add3A_376, %add3A_377 : i32
      %mul3A_379 = arith.constant 128 : i32
      %mul3A_380 = arith.muli %add3A_378, %mul3A_379 : i32
      %dma_start3A_381 = arith.constant 3888 : i32
      %dma_start3A_382 = tpu.memref_slice %arg11[%dma_start3A_381] : memref<4608xf32, #tpu.memory_space<vmem>> -> memref<128xf32, #tpu.memory_space<vmem>>
      %dma_start3A_383 = tpu.memref_slice %arg6[%mul3A_380] : memref<1048576xf32, #tpu.memory_space<hbm>> -> memref<128xf32, #tpu.memory_space<hbm>>
      %dma_start3A_384 = tpu.memref_slice %arg6[%mul3A_380] : memref<1048576xf32, #tpu.memory_space<hbm>> -> memref<128xf32, #tpu.memory_space<hbm>>
      %dma_start3A_385 = arith.constant 3888 : i32
      %dma_start3A_386 = tpu.memref_slice %arg11[%dma_start3A_385] : memref<4608xf32, #tpu.memory_space<vmem>> -> memref<128xf32, #tpu.memory_space<vmem>>
      tpu.enqueue_dma source(%dma_start3A_386 : memref<128xf32, #tpu.memory_space<vmem>>) target(%dma_start3A_384 : memref<128xf32, #tpu.memory_space<hbm>>) target_semaphore(%arg12 : memref<!tpu.dma_semaphore, #tpu.memory_space<semaphore_mem>>)
      %add3A_387 = arith.addi %mul3A_32, %mul3A_52 : i32
      %add3A_388 = arith.constant 28 : i32
      %add3A_389 = arith.addi %add3A_387, %add3A_388 : i32
      %mul3A_390 = arith.constant 128 : i32
      %mul3A_391 = arith.muli %add3A_389, %mul3A_390 : i32
      %dma_start3A_392 = arith.constant 4032 : i32
      %dma_start3A_393 = tpu.memref_slice %arg11[%dma_start3A_392] : memref<4608xf32, #tpu.memory_space<vmem>> -> memref<128xf32, #tpu.memory_space<vmem>>
      %dma_start3A_394 = tpu.memref_slice %arg6[%mul3A_391] : memref<1048576xf32, #tpu.memory_space<hbm>> -> memref<128xf32, #tpu.memory_space<hbm>>
      %dma_start3A_395 = tpu.memref_slice %arg6[%mul3A_391] : memref<1048576xf32, #tpu.memory_space<hbm>> -> memref<128xf32, #tpu.memory_space<hbm>>
      %dma_start3A_396 = arith.constant 4032 : i32
      %dma_start3A_397 = tpu.memref_slice %arg11[%dma_start3A_396] : memref<4608xf32, #tpu.memory_space<vmem>> -> memref<128xf32, #tpu.memory_space<vmem>>
      tpu.enqueue_dma source(%dma_start3A_397 : memref<128xf32, #tpu.memory_space<vmem>>) target(%dma_start3A_395 : memref<128xf32, #tpu.memory_space<hbm>>) target_semaphore(%arg12 : memref<!tpu.dma_semaphore, #tpu.memory_space<semaphore_mem>>)
      %add3A_398 = arith.addi %mul3A_32, %mul3A_52 : i32
      %add3A_399 = arith.constant 29 : i32
      %add3A_400 = arith.addi %add3A_398, %add3A_399 : i32
      %mul3A_401 = arith.constant 128 : i32
      %mul3A_402 = arith.muli %add3A_400, %mul3A_401 : i32
      %dma_start3A_403 = arith.constant 4176 : i32
      %dma_start3A_404 = tpu.memref_slice %arg11[%dma_start3A_403] : memref<4608xf32, #tpu.memory_space<vmem>> -> memref<128xf32, #tpu.memory_space<vmem>>
      %dma_start3A_405 = tpu.memref_slice %arg6[%mul3A_402] : memref<1048576xf32, #tpu.memory_space<hbm>> -> memref<128xf32, #tpu.memory_space<hbm>>
      %dma_start3A_406 = tpu.memref_slice %arg6[%mul3A_402] : memref<1048576xf32, #tpu.memory_space<hbm>> -> memref<128xf32, #tpu.memory_space<hbm>>
      %dma_start3A_407 = arith.constant 4176 : i32
      %dma_start3A_408 = tpu.memref_slice %arg11[%dma_start3A_407] : memref<4608xf32, #tpu.memory_space<vmem>> -> memref<128xf32, #tpu.memory_space<vmem>>
      tpu.enqueue_dma source(%dma_start3A_408 : memref<128xf32, #tpu.memory_space<vmem>>) target(%dma_start3A_406 : memref<128xf32, #tpu.memory_space<hbm>>) target_semaphore(%arg12 : memref<!tpu.dma_semaphore, #tpu.memory_space<semaphore_mem>>)
      %add3A_409 = arith.addi %mul3A_32, %mul3A_52 : i32
      %add3A_410 = arith.constant 30 : i32
      %add3A_411 = arith.addi %add3A_409, %add3A_410 : i32
      %mul3A_412 = arith.constant 128 : i32
      %mul3A_413 = arith.muli %add3A_411, %mul3A_412 : i32
      %dma_start3A_414 = arith.constant 4320 : i32
      %dma_start3A_415 = tpu.memref_slice %arg11[%dma_start3A_414] : memref<4608xf32, #tpu.memory_space<vmem>> -> memref<128xf32, #tpu.memory_space<vmem>>
      %dma_start3A_416 = tpu.memref_slice %arg6[%mul3A_413] : memref<1048576xf32, #tpu.memory_space<hbm>> -> memref<128xf32, #tpu.memory_space<hbm>>
      %dma_start3A_417 = tpu.memref_slice %arg6[%mul3A_413] : memref<1048576xf32, #tpu.memory_space<hbm>> -> memref<128xf32, #tpu.memory_space<hbm>>
      %dma_start3A_418 = arith.constant 4320 : i32
      %dma_start3A_419 = tpu.memref_slice %arg11[%dma_start3A_418] : memref<4608xf32, #tpu.memory_space<vmem>> -> memref<128xf32, #tpu.memory_space<vmem>>
      tpu.enqueue_dma source(%dma_start3A_419 : memref<128xf32, #tpu.memory_space<vmem>>) target(%dma_start3A_417 : memref<128xf32, #tpu.memory_space<hbm>>) target_semaphore(%arg12 : memref<!tpu.dma_semaphore, #tpu.memory_space<semaphore_mem>>)
      %add3A_420 = arith.addi %mul3A_32, %mul3A_52 : i32
      %add3A_421 = arith.constant 31 : i32
      %add3A_422 = arith.addi %add3A_420, %add3A_421 : i32
      %mul3A_423 = arith.constant 128 : i32
      %mul3A_424 = arith.muli %add3A_422, %mul3A_423 : i32
      %dma_start3A_425 = arith.constant 4464 : i32
      %dma_start3A_426 = tpu.memref_slice %arg11[%dma_start3A_425] : memref<4608xf32, #tpu.memory_space<vmem>> -> memref<128xf32, #tpu.memory_space<vmem>>
      %dma_start3A_427 = tpu.memref_slice %arg6[%mul3A_424] : memref<1048576xf32, #tpu.memory_space<hbm>> -> memref<128xf32, #tpu.memory_space<hbm>>
      %dma_start3A_428 = tpu.memref_slice %arg6[%mul3A_424] : memref<1048576xf32, #tpu.memory_space<hbm>> -> memref<128xf32, #tpu.memory_space<hbm>>
      %dma_start3A_429 = arith.constant 4464 : i32
      %dma_start3A_430 = tpu.memref_slice %arg11[%dma_start3A_429] : memref<4608xf32, #tpu.memory_space<vmem>> -> memref<128xf32, #tpu.memory_space<vmem>>
      tpu.enqueue_dma source(%dma_start3A_430 : memref<128xf32, #tpu.memory_space<vmem>>) target(%dma_start3A_428 : memref<128xf32, #tpu.memory_space<hbm>>) target_semaphore(%arg12 : memref<!tpu.dma_semaphore, #tpu.memory_space<semaphore_mem>>)
      %dma_wait3A_431 = arith.constant 0 : i32
      %dma_wait3A_432 = tpu.memref_slice %arg11[%dma_wait3A_431] : memref<4608xf32, #tpu.memory_space<vmem>> -> memref<128xf32, #tpu.memory_space<vmem>>
      %dma_wait3A_433 = tpu.memref_slice %arg6[%mul3A_83] : memref<1048576xf32, #tpu.memory_space<hbm>> -> memref<128xf32, #tpu.memory_space<hbm>>
      %dma_wait3A_434 = tpu.memref_slice %arg6[%mul3A_83] : memref<1048576xf32, #tpu.memory_space<hbm>> -> memref<128xf32, #tpu.memory_space<hbm>>
      %dma_wait3A_435 = arith.constant 0 : i32
      %dma_wait3A_436 = tpu.memref_slice %arg11[%dma_wait3A_435] : memref<4608xf32, #tpu.memory_space<vmem>> -> memref<128xf32, #tpu.memory_space<vmem>>
      tpu.wait_dma2 semaphore(%arg12 : memref<!tpu.dma_semaphore, #tpu.memory_space<semaphore_mem>>) src(%dma_wait3A_436 : memref<128xf32, #tpu.memory_space<vmem>>) dst(%dma_wait3A_434 : memref<128xf32, #tpu.memory_space<hbm>>)
      %dma_wait3A_437 = arith.constant 144 : i32
      %dma_wait3A_438 = tpu.memref_slice %arg11[%dma_wait3A_437] : memref<4608xf32, #tpu.memory_space<vmem>> -> memref<128xf32, #tpu.memory_space<vmem>>
      %dma_wait3A_439 = tpu.memref_slice %arg6[%mul3A_94] : memref<1048576xf32, #tpu.memory_space<hbm>> -> memref<128xf32, #tpu.memory_space<hbm>>
      %dma_wait3A_440 = tpu.memref_slice %arg6[%mul3A_94] : memref<1048576xf32, #tpu.memory_space<hbm>> -> memref<128xf32, #tpu.memory_space<hbm>>
      %dma_wait3A_441 = arith.constant 144 : i32
      %dma_wait3A_442 = tpu.memref_slice %arg11[%dma_wait3A_441] : memref<4608xf32, #tpu.memory_space<vmem>> -> memref<128xf32, #tpu.memory_space<vmem>>
      tpu.wait_dma2 semaphore(%arg12 : memref<!tpu.dma_semaphore, #tpu.memory_space<semaphore_mem>>) src(%dma_wait3A_442 : memref<128xf32, #tpu.memory_space<vmem>>) dst(%dma_wait3A_440 : memref<128xf32, #tpu.memory_space<hbm>>)
      %dma_wait3A_443 = arith.constant 288 : i32
      %dma_wait3A_444 = tpu.memref_slice %arg11[%dma_wait3A_443] : memref<4608xf32, #tpu.memory_space<vmem>> -> memref<128xf32, #tpu.memory_space<vmem>>
      %dma_wait3A_445 = tpu.memref_slice %arg6[%mul3A_105] : memref<1048576xf32, #tpu.memory_space<hbm>> -> memref<128xf32, #tpu.memory_space<hbm>>
      %dma_wait3A_446 = tpu.memref_slice %arg6[%mul3A_105] : memref<1048576xf32, #tpu.memory_space<hbm>> -> memref<128xf32, #tpu.memory_space<hbm>>
      %dma_wait3A_447 = arith.constant 288 : i32
      %dma_wait3A_448 = tpu.memref_slice %arg11[%dma_wait3A_447] : memref<4608xf32, #tpu.memory_space<vmem>> -> memref<128xf32, #tpu.memory_space<vmem>>
      tpu.wait_dma2 semaphore(%arg12 : memref<!tpu.dma_semaphore, #tpu.memory_space<semaphore_mem>>) src(%dma_wait3A_448 : memref<128xf32, #tpu.memory_space<vmem>>) dst(%dma_wait3A_446 : memref<128xf32, #tpu.memory_space<hbm>>)
      %dma_wait3A_449 = arith.constant 432 : i32
      %dma_wait3A_450 = tpu.memref_slice %arg11[%dma_wait3A_449] : memref<4608xf32, #tpu.memory_space<vmem>> -> memref<128xf32, #tpu.memory_space<vmem>>
      %dma_wait3A_451 = tpu.memref_slice %arg6[%mul3A_116] : memref<1048576xf32, #tpu.memory_space<hbm>> -> memref<128xf32, #tpu.memory_space<hbm>>
      %dma_wait3A_452 = tpu.memref_slice %arg6[%mul3A_116] : memref<1048576xf32, #tpu.memory_space<hbm>> -> memref<128xf32, #tpu.memory_space<hbm>>
      %dma_wait3A_453 = arith.constant 432 : i32
      %dma_wait3A_454 = tpu.memref_slice %arg11[%dma_wait3A_453] : memref<4608xf32, #tpu.memory_space<vmem>> -> memref<128xf32, #tpu.memory_space<vmem>>
      tpu.wait_dma2 semaphore(%arg12 : memref<!tpu.dma_semaphore, #tpu.memory_space<semaphore_mem>>) src(%dma_wait3A_454 : memref<128xf32, #tpu.memory_space<vmem>>) dst(%dma_wait3A_452 : memref<128xf32, #tpu.memory_space<hbm>>)
      %dma_wait3A_455 = arith.constant 576 : i32
      %dma_wait3A_456 = tpu.memref_slice %arg11[%dma_wait3A_455] : memref<4608xf32, #tpu.memory_space<vmem>> -> memref<128xf32, #tpu.memory_space<vmem>>
      %dma_wait3A_457 = tpu.memref_slice %arg6[%mul3A_127] : memref<1048576xf32, #tpu.memory_space<hbm>> -> memref<128xf32, #tpu.memory_space<hbm>>
      %dma_wait3A_458 = tpu.memref_slice %arg6[%mul3A_127] : memref<1048576xf32, #tpu.memory_space<hbm>> -> memref<128xf32, #tpu.memory_space<hbm>>
      %dma_wait3A_459 = arith.constant 576 : i32
      %dma_wait3A_460 = tpu.memref_slice %arg11[%dma_wait3A_459] : memref<4608xf32, #tpu.memory_space<vmem>> -> memref<128xf32, #tpu.memory_space<vmem>>
      tpu.wait_dma2 semaphore(%arg12 : memref<!tpu.dma_semaphore, #tpu.memory_space<semaphore_mem>>) src(%dma_wait3A_460 : memref<128xf32, #tpu.memory_space<vmem>>) dst(%dma_wait3A_458 : memref<128xf32, #tpu.memory_space<hbm>>)
      %dma_wait3A_461 = arith.constant 720 : i32
      %dma_wait3A_462 = tpu.memref_slice %arg11[%dma_wait3A_461] : memref<4608xf32, #tpu.memory_space<vmem>> -> memref<128xf32, #tpu.memory_space<vmem>>
      %dma_wait3A_463 = tpu.memref_slice %arg6[%mul3A_138] : memref<1048576xf32, #tpu.memory_space<hbm>> -> memref<128xf32, #tpu.memory_space<hbm>>
      %dma_wait3A_464 = tpu.memref_slice %arg6[%mul3A_138] : memref<1048576xf32, #tpu.memory_space<hbm>> -> memref<128xf32, #tpu.memory_space<hbm>>
      %dma_wait3A_465 = arith.constant 720 : i32
      %dma_wait3A_466 = tpu.memref_slice %arg11[%dma_wait3A_465] : memref<4608xf32, #tpu.memory_space<vmem>> -> memref<128xf32, #tpu.memory_space<vmem>>
      tpu.wait_dma2 semaphore(%arg12 : memref<!tpu.dma_semaphore, #tpu.memory_space<semaphore_mem>>) src(%dma_wait3A_466 : memref<128xf32, #tpu.memory_space<vmem>>) dst(%dma_wait3A_464 : memref<128xf32, #tpu.memory_space<hbm>>)
      %dma_wait3A_467 = arith.constant 864 : i32
      %dma_wait3A_468 = tpu.memref_slice %arg11[%dma_wait3A_467] : memref<4608xf32, #tpu.memory_space<vmem>> -> memref<128xf32, #tpu.memory_space<vmem>>
      %dma_wait3A_469 = tpu.memref_slice %arg6[%mul3A_149] : memref<1048576xf32, #tpu.memory_space<hbm>> -> memref<128xf32, #tpu.memory_space<hbm>>
      %dma_wait3A_470 = tpu.memref_slice %arg6[%mul3A_149] : memref<1048576xf32, #tpu.memory_space<hbm>> -> memref<128xf32, #tpu.memory_space<hbm>>
      %dma_wait3A_471 = arith.constant 864 : i32
      %dma_wait3A_472 = tpu.memref_slice %arg11[%dma_wait3A_471] : memref<4608xf32, #tpu.memory_space<vmem>> -> memref<128xf32, #tpu.memory_space<vmem>>
      tpu.wait_dma2 semaphore(%arg12 : memref<!tpu.dma_semaphore, #tpu.memory_space<semaphore_mem>>) src(%dma_wait3A_472 : memref<128xf32, #tpu.memory_space<vmem>>) dst(%dma_wait3A_470 : memref<128xf32, #tpu.memory_space<hbm>>)
      %dma_wait3A_473 = arith.constant 1008 : i32
      %dma_wait3A_474 = tpu.memref_slice %arg11[%dma_wait3A_473] : memref<4608xf32, #tpu.memory_space<vmem>> -> memref<128xf32, #tpu.memory_space<vmem>>
      %dma_wait3A_475 = tpu.memref_slice %arg6[%mul3A_160] : memref<1048576xf32, #tpu.memory_space<hbm>> -> memref<128xf32, #tpu.memory_space<hbm>>
      %dma_wait3A_476 = tpu.memref_slice %arg6[%mul3A_160] : memref<1048576xf32, #tpu.memory_space<hbm>> -> memref<128xf32, #tpu.memory_space<hbm>>
      %dma_wait3A_477 = arith.constant 1008 : i32
      %dma_wait3A_478 = tpu.memref_slice %arg11[%dma_wait3A_477] : memref<4608xf32, #tpu.memory_space<vmem>> -> memref<128xf32, #tpu.memory_space<vmem>>
      tpu.wait_dma2 semaphore(%arg12 : memref<!tpu.dma_semaphore, #tpu.memory_space<semaphore_mem>>) src(%dma_wait3A_478 : memref<128xf32, #tpu.memory_space<vmem>>) dst(%dma_wait3A_476 : memref<128xf32, #tpu.memory_space<hbm>>)
      %dma_wait3A_479 = arith.constant 1152 : i32
      %dma_wait3A_480 = tpu.memref_slice %arg11[%dma_wait3A_479] : memref<4608xf32, #tpu.memory_space<vmem>> -> memref<128xf32, #tpu.memory_space<vmem>>
      %dma_wait3A_481 = tpu.memref_slice %arg6[%mul3A_171] : memref<1048576xf32, #tpu.memory_space<hbm>> -> memref<128xf32, #tpu.memory_space<hbm>>
      %dma_wait3A_482 = tpu.memref_slice %arg6[%mul3A_171] : memref<1048576xf32, #tpu.memory_space<hbm>> -> memref<128xf32, #tpu.memory_space<hbm>>
      %dma_wait3A_483 = arith.constant 1152 : i32
      %dma_wait3A_484 = tpu.memref_slice %arg11[%dma_wait3A_483] : memref<4608xf32, #tpu.memory_space<vmem>> -> memref<128xf32, #tpu.memory_space<vmem>>
      tpu.wait_dma2 semaphore(%arg12 : memref<!tpu.dma_semaphore, #tpu.memory_space<semaphore_mem>>) src(%dma_wait3A_484 : memref<128xf32, #tpu.memory_space<vmem>>) dst(%dma_wait3A_482 : memref<128xf32, #tpu.memory_space<hbm>>)
      %dma_wait3A_485 = arith.constant 1296 : i32
      %dma_wait3A_486 = tpu.memref_slice %arg11[%dma_wait3A_485] : memref<4608xf32, #tpu.memory_space<vmem>> -> memref<128xf32, #tpu.memory_space<vmem>>
      %dma_wait3A_487 = tpu.memref_slice %arg6[%mul3A_182] : memref<1048576xf32, #tpu.memory_space<hbm>> -> memref<128xf32, #tpu.memory_space<hbm>>
      %dma_wait3A_488 = tpu.memref_slice %arg6[%mul3A_182] : memref<1048576xf32, #tpu.memory_space<hbm>> -> memref<128xf32, #tpu.memory_space<hbm>>
      %dma_wait3A_489 = arith.constant 1296 : i32
      %dma_wait3A_490 = tpu.memref_slice %arg11[%dma_wait3A_489] : memref<4608xf32, #tpu.memory_space<vmem>> -> memref<128xf32, #tpu.memory_space<vmem>>
      tpu.wait_dma2 semaphore(%arg12 : memref<!tpu.dma_semaphore, #tpu.memory_space<semaphore_mem>>) src(%dma_wait3A_490 : memref<128xf32, #tpu.memory_space<vmem>>) dst(%dma_wait3A_488 : memref<128xf32, #tpu.memory_space<hbm>>)
      %dma_wait3A_491 = arith.constant 1440 : i32
      %dma_wait3A_492 = tpu.memref_slice %arg11[%dma_wait3A_491] : memref<4608xf32, #tpu.memory_space<vmem>> -> memref<128xf32, #tpu.memory_space<vmem>>
      %dma_wait3A_493 = tpu.memref_slice %arg6[%mul3A_193] : memref<1048576xf32, #tpu.memory_space<hbm>> -> memref<128xf32, #tpu.memory_space<hbm>>
      %dma_wait3A_494 = tpu.memref_slice %arg6[%mul3A_193] : memref<1048576xf32, #tpu.memory_space<hbm>> -> memref<128xf32, #tpu.memory_space<hbm>>
      %dma_wait3A_495 = arith.constant 1440 : i32
      %dma_wait3A_496 = tpu.memref_slice %arg11[%dma_wait3A_495] : memref<4608xf32, #tpu.memory_space<vmem>> -> memref<128xf32, #tpu.memory_space<vmem>>
      tpu.wait_dma2 semaphore(%arg12 : memref<!tpu.dma_semaphore, #tpu.memory_space<semaphore_mem>>) src(%dma_wait3A_496 : memref<128xf32, #tpu.memory_space<vmem>>) dst(%dma_wait3A_494 : memref<128xf32, #tpu.memory_space<hbm>>)
      %dma_wait3A_497 = arith.constant 1584 : i32
      %dma_wait3A_498 = tpu.memref_slice %arg11[%dma_wait3A_497] : memref<4608xf32, #tpu.memory_space<vmem>> -> memref<128xf32, #tpu.memory_space<vmem>>
      %dma_wait3A_499 = tpu.memref_slice %arg6[%mul3A_204] : memref<1048576xf32, #tpu.memory_space<hbm>> -> memref<128xf32, #tpu.memory_space<hbm>>
      %dma_wait3A_500 = tpu.memref_slice %arg6[%mul3A_204] : memref<1048576xf32, #tpu.memory_space<hbm>> -> memref<128xf32, #tpu.memory_space<hbm>>
      %dma_wait3A_501 = arith.constant 1584 : i32
      %dma_wait3A_502 = tpu.memref_slice %arg11[%dma_wait3A_501] : memref<4608xf32, #tpu.memory_space<vmem>> -> memref<128xf32, #tpu.memory_space<vmem>>
      tpu.wait_dma2 semaphore(%arg12 : memref<!tpu.dma_semaphore, #tpu.memory_space<semaphore_mem>>) src(%dma_wait3A_502 : memref<128xf32, #tpu.memory_space<vmem>>) dst(%dma_wait3A_500 : memref<128xf32, #tpu.memory_space<hbm>>)
      %dma_wait3A_503 = arith.constant 1728 : i32
      %dma_wait3A_504 = tpu.memref_slice %arg11[%dma_wait3A_503] : memref<4608xf32, #tpu.memory_space<vmem>> -> memref<128xf32, #tpu.memory_space<vmem>>
      %dma_wait3A_505 = tpu.memref_slice %arg6[%mul3A_215] : memref<1048576xf32, #tpu.memory_space<hbm>> -> memref<128xf32, #tpu.memory_space<hbm>>
      %dma_wait3A_506 = tpu.memref_slice %arg6[%mul3A_215] : memref<1048576xf32, #tpu.memory_space<hbm>> -> memref<128xf32, #tpu.memory_space<hbm>>
      %dma_wait3A_507 = arith.constant 1728 : i32
      %dma_wait3A_508 = tpu.memref_slice %arg11[%dma_wait3A_507] : memref<4608xf32, #tpu.memory_space<vmem>> -> memref<128xf32, #tpu.memory_space<vmem>>
      tpu.wait_dma2 semaphore(%arg12 : memref<!tpu.dma_semaphore, #tpu.memory_space<semaphore_mem>>) src(%dma_wait3A_508 : memref<128xf32, #tpu.memory_space<vmem>>) dst(%dma_wait3A_506 : memref<128xf32, #tpu.memory_space<hbm>>)
      %dma_wait3A_509 = arith.constant 1872 : i32
      %dma_wait3A_510 = tpu.memref_slice %arg11[%dma_wait3A_509] : memref<4608xf32, #tpu.memory_space<vmem>> -> memref<128xf32, #tpu.memory_space<vmem>>
      %dma_wait3A_511 = tpu.memref_slice %arg6[%mul3A_226] : memref<1048576xf32, #tpu.memory_space<hbm>> -> memref<128xf32, #tpu.memory_space<hbm>>
      %dma_wait3A_512 = tpu.memref_slice %arg6[%mul3A_226] : memref<1048576xf32, #tpu.memory_space<hbm>> -> memref<128xf32, #tpu.memory_space<hbm>>
      %dma_wait3A_513 = arith.constant 1872 : i32
      %dma_wait3A_514 = tpu.memref_slice %arg11[%dma_wait3A_513] : memref<4608xf32, #tpu.memory_space<vmem>> -> memref<128xf32, #tpu.memory_space<vmem>>
      tpu.wait_dma2 semaphore(%arg12 : memref<!tpu.dma_semaphore, #tpu.memory_space<semaphore_mem>>) src(%dma_wait3A_514 : memref<128xf32, #tpu.memory_space<vmem>>) dst(%dma_wait3A_512 : memref<128xf32, #tpu.memory_space<hbm>>)
      %dma_wait3A_515 = arith.constant 2016 : i32
      %dma_wait3A_516 = tpu.memref_slice %arg11[%dma_wait3A_515] : memref<4608xf32, #tpu.memory_space<vmem>> -> memref<128xf32, #tpu.memory_space<vmem>>
      %dma_wait3A_517 = tpu.memref_slice %arg6[%mul3A_237] : memref<1048576xf32, #tpu.memory_space<hbm>> -> memref<128xf32, #tpu.memory_space<hbm>>
      %dma_wait3A_518 = tpu.memref_slice %arg6[%mul3A_237] : memref<1048576xf32, #tpu.memory_space<hbm>> -> memref<128xf32, #tpu.memory_space<hbm>>
      %dma_wait3A_519 = arith.constant 2016 : i32
      %dma_wait3A_520 = tpu.memref_slice %arg11[%dma_wait3A_519] : memref<4608xf32, #tpu.memory_space<vmem>> -> memref<128xf32, #tpu.memory_space<vmem>>
      tpu.wait_dma2 semaphore(%arg12 : memref<!tpu.dma_semaphore, #tpu.memory_space<semaphore_mem>>) src(%dma_wait3A_520 : memref<128xf32, #tpu.memory_space<vmem>>) dst(%dma_wait3A_518 : memref<128xf32, #tpu.memory_space<hbm>>)
      %dma_wait3A_521 = arith.constant 2160 : i32
      %dma_wait3A_522 = tpu.memref_slice %arg11[%dma_wait3A_521] : memref<4608xf32, #tpu.memory_space<vmem>> -> memref<128xf32, #tpu.memory_space<vmem>>
      %dma_wait3A_523 = tpu.memref_slice %arg6[%mul3A_248] : memref<1048576xf32, #tpu.memory_space<hbm>> -> memref<128xf32, #tpu.memory_space<hbm>>
      %dma_wait3A_524 = tpu.memref_slice %arg6[%mul3A_248] : memref<1048576xf32, #tpu.memory_space<hbm>> -> memref<128xf32, #tpu.memory_space<hbm>>
      %dma_wait3A_525 = arith.constant 2160 : i32
      %dma_wait3A_526 = tpu.memref_slice %arg11[%dma_wait3A_525] : memref<4608xf32, #tpu.memory_space<vmem>> -> memref<128xf32, #tpu.memory_space<vmem>>
      tpu.wait_dma2 semaphore(%arg12 : memref<!tpu.dma_semaphore, #tpu.memory_space<semaphore_mem>>) src(%dma_wait3A_526 : memref<128xf32, #tpu.memory_space<vmem>>) dst(%dma_wait3A_524 : memref<128xf32, #tpu.memory_space<hbm>>)
      %dma_wait3A_527 = arith.constant 2304 : i32
      %dma_wait3A_528 = tpu.memref_slice %arg11[%dma_wait3A_527] : memref<4608xf32, #tpu.memory_space<vmem>> -> memref<128xf32, #tpu.memory_space<vmem>>
      %dma_wait3A_529 = tpu.memref_slice %arg6[%mul3A_259] : memref<1048576xf32, #tpu.memory_space<hbm>> -> memref<128xf32, #tpu.memory_space<hbm>>
      %dma_wait3A_530 = tpu.memref_slice %arg6[%mul3A_259] : memref<1048576xf32, #tpu.memory_space<hbm>> -> memref<128xf32, #tpu.memory_space<hbm>>
      %dma_wait3A_531 = arith.constant 2304 : i32
      %dma_wait3A_532 = tpu.memref_slice %arg11[%dma_wait3A_531] : memref<4608xf32, #tpu.memory_space<vmem>> -> memref<128xf32, #tpu.memory_space<vmem>>
      tpu.wait_dma2 semaphore(%arg12 : memref<!tpu.dma_semaphore, #tpu.memory_space<semaphore_mem>>) src(%dma_wait3A_532 : memref<128xf32, #tpu.memory_space<vmem>>) dst(%dma_wait3A_530 : memref<128xf32, #tpu.memory_space<hbm>>)
      %dma_wait3A_533 = arith.constant 2448 : i32
      %dma_wait3A_534 = tpu.memref_slice %arg11[%dma_wait3A_533] : memref<4608xf32, #tpu.memory_space<vmem>> -> memref<128xf32, #tpu.memory_space<vmem>>
      %dma_wait3A_535 = tpu.memref_slice %arg6[%mul3A_270] : memref<1048576xf32, #tpu.memory_space<hbm>> -> memref<128xf32, #tpu.memory_space<hbm>>
      %dma_wait3A_536 = tpu.memref_slice %arg6[%mul3A_270] : memref<1048576xf32, #tpu.memory_space<hbm>> -> memref<128xf32, #tpu.memory_space<hbm>>
      %dma_wait3A_537 = arith.constant 2448 : i32
      %dma_wait3A_538 = tpu.memref_slice %arg11[%dma_wait3A_537] : memref<4608xf32, #tpu.memory_space<vmem>> -> memref<128xf32, #tpu.memory_space<vmem>>
      tpu.wait_dma2 semaphore(%arg12 : memref<!tpu.dma_semaphore, #tpu.memory_space<semaphore_mem>>) src(%dma_wait3A_538 : memref<128xf32, #tpu.memory_space<vmem>>) dst(%dma_wait3A_536 : memref<128xf32, #tpu.memory_space<hbm>>)
      %dma_wait3A_539 = arith.constant 2592 : i32
      %dma_wait3A_540 = tpu.memref_slice %arg11[%dma_wait3A_539] : memref<4608xf32, #tpu.memory_space<vmem>> -> memref<128xf32, #tpu.memory_space<vmem>>
      %dma_wait3A_541 = tpu.memref_slice %arg6[%mul3A_281] : memref<1048576xf32, #tpu.memory_space<hbm>> -> memref<128xf32, #tpu.memory_space<hbm>>
      %dma_wait3A_542 = tpu.memref_slice %arg6[%mul3A_281] : memref<1048576xf32, #tpu.memory_space<hbm>> -> memref<128xf32, #tpu.memory_space<hbm>>
      %dma_wait3A_543 = arith.constant 2592 : i32
      %dma_wait3A_544 = tpu.memref_slice %arg11[%dma_wait3A_543] : memref<4608xf32, #tpu.memory_space<vmem>> -> memref<128xf32, #tpu.memory_space<vmem>>
      tpu.wait_dma2 semaphore(%arg12 : memref<!tpu.dma_semaphore, #tpu.memory_space<semaphore_mem>>) src(%dma_wait3A_544 : memref<128xf32, #tpu.memory_space<vmem>>) dst(%dma_wait3A_542 : memref<128xf32, #tpu.memory_space<hbm>>)
      %dma_wait3A_545 = arith.constant 2736 : i32
      %dma_wait3A_546 = tpu.memref_slice %arg11[%dma_wait3A_545] : memref<4608xf32, #tpu.memory_space<vmem>> -> memref<128xf32, #tpu.memory_space<vmem>>
      %dma_wait3A_547 = tpu.memref_slice %arg6[%mul3A_292] : memref<1048576xf32, #tpu.memory_space<hbm>> -> memref<128xf32, #tpu.memory_space<hbm>>
      %dma_wait3A_548 = tpu.memref_slice %arg6[%mul3A_292] : memref<1048576xf32, #tpu.memory_space<hbm>> -> memref<128xf32, #tpu.memory_space<hbm>>
      %dma_wait3A_549 = arith.constant 2736 : i32
      %dma_wait3A_550 = tpu.memref_slice %arg11[%dma_wait3A_549] : memref<4608xf32, #tpu.memory_space<vmem>> -> memref<128xf32, #tpu.memory_space<vmem>>
      tpu.wait_dma2 semaphore(%arg12 : memref<!tpu.dma_semaphore, #tpu.memory_space<semaphore_mem>>) src(%dma_wait3A_550 : memref<128xf32, #tpu.memory_space<vmem>>) dst(%dma_wait3A_548 : memref<128xf32, #tpu.memory_space<hbm>>)
      %dma_wait3A_551 = arith.constant 2880 : i32
      %dma_wait3A_552 = tpu.memref_slice %arg11[%dma_wait3A_551] : memref<4608xf32, #tpu.memory_space<vmem>> -> memref<128xf32, #tpu.memory_space<vmem>>
      %dma_wait3A_553 = tpu.memref_slice %arg6[%mul3A_303] : memref<1048576xf32, #tpu.memory_space<hbm>> -> memref<128xf32, #tpu.memory_space<hbm>>
      %dma_wait3A_554 = tpu.memref_slice %arg6[%mul3A_303] : memref<1048576xf32, #tpu.memory_space<hbm>> -> memref<128xf32, #tpu.memory_space<hbm>>
      %dma_wait3A_555 = arith.constant 2880 : i32
      %dma_wait3A_556 = tpu.memref_slice %arg11[%dma_wait3A_555] : memref<4608xf32, #tpu.memory_space<vmem>> -> memref<128xf32, #tpu.memory_space<vmem>>
      tpu.wait_dma2 semaphore(%arg12 : memref<!tpu.dma_semaphore, #tpu.memory_space<semaphore_mem>>) src(%dma_wait3A_556 : memref<128xf32, #tpu.memory_space<vmem>>) dst(%dma_wait3A_554 : memref<128xf32, #tpu.memory_space<hbm>>)
      %dma_wait3A_557 = arith.constant 3024 : i32
      %dma_wait3A_558 = tpu.memref_slice %arg11[%dma_wait3A_557] : memref<4608xf32, #tpu.memory_space<vmem>> -> memref<128xf32, #tpu.memory_space<vmem>>
      %dma_wait3A_559 = tpu.memref_slice %arg6[%mul3A_314] : memref<1048576xf32, #tpu.memory_space<hbm>> -> memref<128xf32, #tpu.memory_space<hbm>>
      %dma_wait3A_560 = tpu.memref_slice %arg6[%mul3A_314] : memref<1048576xf32, #tpu.memory_space<hbm>> -> memref<128xf32, #tpu.memory_space<hbm>>
      %dma_wait3A_561 = arith.constant 3024 : i32
      %dma_wait3A_562 = tpu.memref_slice %arg11[%dma_wait3A_561] : memref<4608xf32, #tpu.memory_space<vmem>> -> memref<128xf32, #tpu.memory_space<vmem>>
      tpu.wait_dma2 semaphore(%arg12 : memref<!tpu.dma_semaphore, #tpu.memory_space<semaphore_mem>>) src(%dma_wait3A_562 : memref<128xf32, #tpu.memory_space<vmem>>) dst(%dma_wait3A_560 : memref<128xf32, #tpu.memory_space<hbm>>)
      %dma_wait3A_563 = arith.constant 3168 : i32
      %dma_wait3A_564 = tpu.memref_slice %arg11[%dma_wait3A_563] : memref<4608xf32, #tpu.memory_space<vmem>> -> memref<128xf32, #tpu.memory_space<vmem>>
      %dma_wait3A_565 = tpu.memref_slice %arg6[%mul3A_325] : memref<1048576xf32, #tpu.memory_space<hbm>> -> memref<128xf32, #tpu.memory_space<hbm>>
      %dma_wait3A_566 = tpu.memref_slice %arg6[%mul3A_325] : memref<1048576xf32, #tpu.memory_space<hbm>> -> memref<128xf32, #tpu.memory_space<hbm>>
      %dma_wait3A_567 = arith.constant 3168 : i32
      %dma_wait3A_568 = tpu.memref_slice %arg11[%dma_wait3A_567] : memref<4608xf32, #tpu.memory_space<vmem>> -> memref<128xf32, #tpu.memory_space<vmem>>
      tpu.wait_dma2 semaphore(%arg12 : memref<!tpu.dma_semaphore, #tpu.memory_space<semaphore_mem>>) src(%dma_wait3A_568 : memref<128xf32, #tpu.memory_space<vmem>>) dst(%dma_wait3A_566 : memref<128xf32, #tpu.memory_space<hbm>>)
      %dma_wait3A_569 = arith.constant 3312 : i32
      %dma_wait3A_570 = tpu.memref_slice %arg11[%dma_wait3A_569] : memref<4608xf32, #tpu.memory_space<vmem>> -> memref<128xf32, #tpu.memory_space<vmem>>
      %dma_wait3A_571 = tpu.memref_slice %arg6[%mul3A_336] : memref<1048576xf32, #tpu.memory_space<hbm>> -> memref<128xf32, #tpu.memory_space<hbm>>
      %dma_wait3A_572 = tpu.memref_slice %arg6[%mul3A_336] : memref<1048576xf32, #tpu.memory_space<hbm>> -> memref<128xf32, #tpu.memory_space<hbm>>
      %dma_wait3A_573 = arith.constant 3312 : i32
      %dma_wait3A_574 = tpu.memref_slice %arg11[%dma_wait3A_573] : memref<4608xf32, #tpu.memory_space<vmem>> -> memref<128xf32, #tpu.memory_space<vmem>>
      tpu.wait_dma2 semaphore(%arg12 : memref<!tpu.dma_semaphore, #tpu.memory_space<semaphore_mem>>) src(%dma_wait3A_574 : memref<128xf32, #tpu.memory_space<vmem>>) dst(%dma_wait3A_572 : memref<128xf32, #tpu.memory_space<hbm>>)
      %dma_wait3A_575 = arith.constant 3456 : i32
      %dma_wait3A_576 = tpu.memref_slice %arg11[%dma_wait3A_575] : memref<4608xf32, #tpu.memory_space<vmem>> -> memref<128xf32, #tpu.memory_space<vmem>>
      %dma_wait3A_577 = tpu.memref_slice %arg6[%mul3A_347] : memref<1048576xf32, #tpu.memory_space<hbm>> -> memref<128xf32, #tpu.memory_space<hbm>>
      %dma_wait3A_578 = tpu.memref_slice %arg6[%mul3A_347] : memref<1048576xf32, #tpu.memory_space<hbm>> -> memref<128xf32, #tpu.memory_space<hbm>>
      %dma_wait3A_579 = arith.constant 3456 : i32
      %dma_wait3A_580 = tpu.memref_slice %arg11[%dma_wait3A_579] : memref<4608xf32, #tpu.memory_space<vmem>> -> memref<128xf32, #tpu.memory_space<vmem>>
      tpu.wait_dma2 semaphore(%arg12 : memref<!tpu.dma_semaphore, #tpu.memory_space<semaphore_mem>>) src(%dma_wait3A_580 : memref<128xf32, #tpu.memory_space<vmem>>) dst(%dma_wait3A_578 : memref<128xf32, #tpu.memory_space<hbm>>)
      %dma_wait3A_581 = arith.constant 3600 : i32
      %dma_wait3A_582 = tpu.memref_slice %arg11[%dma_wait3A_581] : memref<4608xf32, #tpu.memory_space<vmem>> -> memref<128xf32, #tpu.memory_space<vmem>>
      %dma_wait3A_583 = tpu.memref_slice %arg6[%mul3A_358] : memref<1048576xf32, #tpu.memory_space<hbm>> -> memref<128xf32, #tpu.memory_space<hbm>>
      %dma_wait3A_584 = tpu.memref_slice %arg6[%mul3A_358] : memref<1048576xf32, #tpu.memory_space<hbm>> -> memref<128xf32, #tpu.memory_space<hbm>>
      %dma_wait3A_585 = arith.constant 3600 : i32
      %dma_wait3A_586 = tpu.memref_slice %arg11[%dma_wait3A_585] : memref<4608xf32, #tpu.memory_space<vmem>> -> memref<128xf32, #tpu.memory_space<vmem>>
      tpu.wait_dma2 semaphore(%arg12 : memref<!tpu.dma_semaphore, #tpu.memory_space<semaphore_mem>>) src(%dma_wait3A_586 : memref<128xf32, #tpu.memory_space<vmem>>) dst(%dma_wait3A_584 : memref<128xf32, #tpu.memory_space<hbm>>)
      %dma_wait3A_587 = arith.constant 3744 : i32
      %dma_wait3A_588 = tpu.memref_slice %arg11[%dma_wait3A_587] : memref<4608xf32, #tpu.memory_space<vmem>> -> memref<128xf32, #tpu.memory_space<vmem>>
      %dma_wait3A_589 = tpu.memref_slice %arg6[%mul3A_369] : memref<1048576xf32, #tpu.memory_space<hbm>> -> memref<128xf32, #tpu.memory_space<hbm>>
      %dma_wait3A_590 = tpu.memref_slice %arg6[%mul3A_369] : memref<1048576xf32, #tpu.memory_space<hbm>> -> memref<128xf32, #tpu.memory_space<hbm>>
      %dma_wait3A_591 = arith.constant 3744 : i32
      %dma_wait3A_592 = tpu.memref_slice %arg11[%dma_wait3A_591] : memref<4608xf32, #tpu.memory_space<vmem>> -> memref<128xf32, #tpu.memory_space<vmem>>
      tpu.wait_dma2 semaphore(%arg12 : memref<!tpu.dma_semaphore, #tpu.memory_space<semaphore_mem>>) src(%dma_wait3A_592 : memref<128xf32, #tpu.memory_space<vmem>>) dst(%dma_wait3A_590 : memref<128xf32, #tpu.memory_space<hbm>>)
      %dma_wait3A_593 = arith.constant 3888 : i32
      %dma_wait3A_594 = tpu.memref_slice %arg11[%dma_wait3A_593] : memref<4608xf32, #tpu.memory_space<vmem>> -> memref<128xf32, #tpu.memory_space<vmem>>
      %dma_wait3A_595 = tpu.memref_slice %arg6[%mul3A_380] : memref<1048576xf32, #tpu.memory_space<hbm>> -> memref<128xf32, #tpu.memory_space<hbm>>
      %dma_wait3A_596 = tpu.memref_slice %arg6[%mul3A_380] : memref<1048576xf32, #tpu.memory_space<hbm>> -> memref<128xf32, #tpu.memory_space<hbm>>
      %dma_wait3A_597 = arith.constant 3888 : i32
      %dma_wait3A_598 = tpu.memref_slice %arg11[%dma_wait3A_597] : memref<4608xf32, #tpu.memory_space<vmem>> -> memref<128xf32, #tpu.memory_space<vmem>>
      tpu.wait_dma2 semaphore(%arg12 : memref<!tpu.dma_semaphore, #tpu.memory_space<semaphore_mem>>) src(%dma_wait3A_598 : memref<128xf32, #tpu.memory_space<vmem>>) dst(%dma_wait3A_596 : memref<128xf32, #tpu.memory_space<hbm>>)
      %dma_wait3A_599 = arith.constant 4032 : i32
      %dma_wait3A_600 = tpu.memref_slice %arg11[%dma_wait3A_599] : memref<4608xf32, #tpu.memory_space<vmem>> -> memref<128xf32, #tpu.memory_space<vmem>>
      %dma_wait3A_601 = tpu.memref_slice %arg6[%mul3A_391] : memref<1048576xf32, #tpu.memory_space<hbm>> -> memref<128xf32, #tpu.memory_space<hbm>>
      %dma_wait3A_602 = tpu.memref_slice %arg6[%mul3A_391] : memref<1048576xf32, #tpu.memory_space<hbm>> -> memref<128xf32, #tpu.memory_space<hbm>>
      %dma_wait3A_603 = arith.constant 4032 : i32
      %dma_wait3A_604 = tpu.memref_slice %arg11[%dma_wait3A_603] : memref<4608xf32, #tpu.memory_space<vmem>> -> memref<128xf32, #tpu.memory_space<vmem>>
      tpu.wait_dma2 semaphore(%arg12 : memref<!tpu.dma_semaphore, #tpu.memory_space<semaphore_mem>>) src(%dma_wait3A_604 : memref<128xf32, #tpu.memory_space<vmem>>) dst(%dma_wait3A_602 : memref<128xf32, #tpu.memory_space<hbm>>)
      %dma_wait3A_605 = arith.constant 4176 : i32
      %dma_wait3A_606 = tpu.memref_slice %arg11[%dma_wait3A_605] : memref<4608xf32, #tpu.memory_space<vmem>> -> memref<128xf32, #tpu.memory_space<vmem>>
      %dma_wait3A_607 = tpu.memref_slice %arg6[%mul3A_402] : memref<1048576xf32, #tpu.memory_space<hbm>> -> memref<128xf32, #tpu.memory_space<hbm>>
      %dma_wait3A_608 = tpu.memref_slice %arg6[%mul3A_402] : memref<1048576xf32, #tpu.memory_space<hbm>> -> memref<128xf32, #tpu.memory_space<hbm>>
      %dma_wait3A_609 = arith.constant 4176 : i32
      %dma_wait3A_610 = tpu.memref_slice %arg11[%dma_wait3A_609] : memref<4608xf32, #tpu.memory_space<vmem>> -> memref<128xf32, #tpu.memory_space<vmem>>
      tpu.wait_dma2 semaphore(%arg12 : memref<!tpu.dma_semaphore, #tpu.memory_space<semaphore_mem>>) src(%dma_wait3A_610 : memref<128xf32, #tpu.memory_space<vmem>>) dst(%dma_wait3A_608 : memref<128xf32, #tpu.memory_space<hbm>>)
      %dma_wait3A_611 = arith.constant 4320 : i32
      %dma_wait3A_612 = tpu.memref_slice %arg11[%dma_wait3A_611] : memref<4608xf32, #tpu.memory_space<vmem>> -> memref<128xf32, #tpu.memory_space<vmem>>
      %dma_wait3A_613 = tpu.memref_slice %arg6[%mul3A_413] : memref<1048576xf32, #tpu.memory_space<hbm>> -> memref<128xf32, #tpu.memory_space<hbm>>
      %dma_wait3A_614 = tpu.memref_slice %arg6[%mul3A_413] : memref<1048576xf32, #tpu.memory_space<hbm>> -> memref<128xf32, #tpu.memory_space<hbm>>
      %dma_wait3A_615 = arith.constant 4320 : i32
      %dma_wait3A_616 = tpu.memref_slice %arg11[%dma_wait3A_615] : memref<4608xf32, #tpu.memory_space<vmem>> -> memref<128xf32, #tpu.memory_space<vmem>>
      tpu.wait_dma2 semaphore(%arg12 : memref<!tpu.dma_semaphore, #tpu.memory_space<semaphore_mem>>) src(%dma_wait3A_616 : memref<128xf32, #tpu.memory_space<vmem>>) dst(%dma_wait3A_614 : memref<128xf32, #tpu.memory_space<hbm>>)
      %dma_wait3A_617 = arith.constant 4464 : i32
      %dma_wait3A_618 = tpu.memref_slice %arg11[%dma_wait3A_617] : memref<4608xf32, #tpu.memory_space<vmem>> -> memref<128xf32, #tpu.memory_space<vmem>>
      %dma_wait3A_619 = tpu.memref_slice %arg6[%mul3A_424] : memref<1048576xf32, #tpu.memory_space<hbm>> -> memref<128xf32, #tpu.memory_space<hbm>>
      %dma_wait3A_620 = tpu.memref_slice %arg6[%mul3A_424] : memref<1048576xf32, #tpu.memory_space<hbm>> -> memref<128xf32, #tpu.memory_space<hbm>>
      %dma_wait3A_621 = arith.constant 4464 : i32
      %dma_wait3A_622 = tpu.memref_slice %arg11[%dma_wait3A_621] : memref<4608xf32, #tpu.memory_space<vmem>> -> memref<128xf32, #tpu.memory_space<vmem>>
      tpu.wait_dma2 semaphore(%arg12 : memref<!tpu.dma_semaphore, #tpu.memory_space<semaphore_mem>>) src(%dma_wait3A_622 : memref<128xf32, #tpu.memory_space<vmem>>) dst(%dma_wait3A_620 : memref<128xf32, #tpu.memory_space<hbm>>)
      %scan3A_623 = arith.constant 0 : i32
      scf.yield %scan3A_623 : i32
    }
    %scan3A_45 = arith.constant 8 : i32
    return
  }
}

#map = affine_map<(d0, d1) -> (0)>
module attributes {stable_mosaic.version = 14 : i64} {
  func.func @_scatter_body(%arg0: i32, %arg1: i32, %arg2: memref<8192xi32, #tpu.memory_space<hbm>>, %arg3: memref<8192xi32, #tpu.memory_space<hbm>>, %arg4: memref<8192xf32, #tpu.memory_space<hbm>>, %arg5: memref<8192xf32, #tpu.memory_space<hbm>>, %arg6: memref<8192xf32, #tpu.memory_space<hbm>>, %arg7: memref<8192xi32, #tpu.memory_space<hbm>>, %arg8: memref<8192xf32, #tpu.memory_space<hbm>>, %arg9: memref<8192xf32, #tpu.memory_space<hbm>>, %arg10: memref<8192xf32, #tpu.memory_space<hbm>>, %arg11: memref<256xi32, #tpu.memory_space<vmem>>, %arg12: memref<256xi32, #tpu.memory_space<vmem>>, %arg13: memref<256xf32, #tpu.memory_space<vmem>>, %arg14: memref<256xf32, #tpu.memory_space<vmem>>, %arg15: memref<256xf32, #tpu.memory_space<vmem>>, %arg16: memref<2x128xi32, #tpu.memory_space<vmem>>, %arg17: memref<!tpu.dma_semaphore, #tpu.memory_space<semaphore_mem>>) attributes {dimension_semantics = [#tpu.dimension_semantics<core_parallel>, #tpu.dimension_semantics<subcore_parallel>], iteration_bounds = array<i64: 2, 16>, scalar_prefetch = 0 : i64, scratch_operands = 7 : i64, tpu.core_type = #tpu.core_type<sc_vector_subcore>, window_params = [{transform_indices = #map}, {transform_indices = #map}, {transform_indices = #map}, {transform_indices = #map}, {transform_indices = #map}, {transform_indices = #map}, {transform_indices = #map}, {transform_indices = #map}, {transform_indices = #map}]} {
    %mul3A = arith.constant 2 : i32
    %mul3A_0 = arith.muli %arg1, %mul3A : i32
    %add3A = arith.addi %mul3A_0, %arg0 : i32
    %jit3A = arith.constant 16 : i32
    %div3A = arith.divsi %add3A, %jit3A : i32
    %sign3A = arith.constant 0 : i32
    %sign3A_1 = arith.cmpi sgt, %add3A, %sign3A : i32
    %sign3A_2 = arith.extui %sign3A_1 : i1 to i32
    %sign3A_3 = arith.constant 0 : i32
    %sign3A_4 = arith.cmpi slt, %add3A, %sign3A_3 : i32
    %sign3A_5 = arith.extui %sign3A_4 : i1 to i32
    %sign3A_6 = arith.subi %sign3A_2, %sign3A_5 : i32
    %sign3A_7 = arith.constant 0 : i32
    %sign3A_8 = arith.cmpi sgt, %jit3A, %sign3A_7 : i32
    %sign3A_9 = arith.extui %sign3A_8 : i1 to i32
    %sign3A_10 = arith.constant 0 : i32
    %sign3A_11 = arith.cmpi slt, %jit3A, %sign3A_10 : i32
    %sign3A_12 = arith.extui %sign3A_11 : i1 to i32
    %sign3A_13 = arith.subi %sign3A_9, %sign3A_12 : i32
    %ne3A = arith.cmpi ne, %sign3A_6, %sign3A_13 : i32
    %rem3A = arith.remsi %add3A, %jit3A : i32
    %ne3A_14 = arith.constant 0 : i32
    %ne3A_15 = arith.cmpi ne, %rem3A, %ne3A_14 : i32
    %and3A = arith.andi %ne3A, %ne3A_15 : i1
    %sub3A = arith.constant 1 : i32
    %sub3A_16 = arith.subi %div3A, %sub3A : i32
    %select_n3A = arith.select %and3A, %sub3A_16, %div3A : i32
    %mul3A_17 = arith.constant 4096 : i32
    %mul3A_18 = arith.muli %select_n3A, %mul3A_17 : i32
    %jit3A_19 = arith.constant 16 : i32
    %eq3A = arith.constant 0 : i32
    %eq3A_20 = arith.cmpi eq, %jit3A_19, %eq3A : i32
    %jit3A_21 = arith.constant 1 : i32
    %select_n3A_22 = arith.select %eq3A_20, %jit3A_21, %jit3A_19 : i32
    %rem3A_23 = arith.remsi %add3A, %select_n3A_22 : i32
    %ne3A_24 = arith.constant 0 : i32
    %ne3A_25 = arith.cmpi ne, %rem3A_23, %ne3A_24 : i32
    %lt3A = arith.constant 0 : i32
    %lt3A_26 = arith.cmpi slt, %rem3A_23, %lt3A : i32
    %lt3A_27 = arith.constant 0 : i32
    %lt3A_28 = arith.cmpi slt, %select_n3A_22, %lt3A_27 : i32
    %ne3A_29 = arith.xori %lt3A_26, %lt3A_28 : i1
    %and3A_30 = arith.andi %ne3A_29, %ne3A_25 : i1
    %add3A_31 = arith.addi %rem3A_23, %select_n3A_22 : i32
    %select_n3A_32 = arith.select %and3A_30, %add3A_31, %rem3A_23 : i32
    %mul3A_33 = arith.constant 256 : i32
    %mul3A_34 = arith.muli %select_n3A_32, %mul3A_33 : i32
    %add3A_35 = arith.addi %mul3A_18, %mul3A_34 : i32
    %dma_start3A = tpu.memref_slice %arg2[%add3A_35] : memref<8192xi32, #tpu.memory_space<hbm>> -> memref<256xi32, #tpu.memory_space<hbm>>
    %dma_start3A_36 = tpu.memref_slice %arg2[%add3A_35] : memref<8192xi32, #tpu.memory_space<hbm>> -> memref<256xi32, #tpu.memory_space<hbm>>
    tpu.enqueue_dma source(%dma_start3A_36 : memref<256xi32, #tpu.memory_space<hbm>>) target(%arg11 : memref<256xi32, #tpu.memory_space<vmem>>) target_semaphore(%arg17 : memref<!tpu.dma_semaphore, #tpu.memory_space<semaphore_mem>>)
    %dma_start3A_37 = tpu.memref_slice %arg3[%add3A_35] : memref<8192xi32, #tpu.memory_space<hbm>> -> memref<256xi32, #tpu.memory_space<hbm>>
    %dma_start3A_38 = tpu.memref_slice %arg3[%add3A_35] : memref<8192xi32, #tpu.memory_space<hbm>> -> memref<256xi32, #tpu.memory_space<hbm>>
    tpu.enqueue_dma source(%dma_start3A_38 : memref<256xi32, #tpu.memory_space<hbm>>) target(%arg12 : memref<256xi32, #tpu.memory_space<vmem>>) target_semaphore(%arg17 : memref<!tpu.dma_semaphore, #tpu.memory_space<semaphore_mem>>)
    %dma_start3A_39 = tpu.memref_slice %arg4[%add3A_35] : memref<8192xf32, #tpu.memory_space<hbm>> -> memref<256xf32, #tpu.memory_space<hbm>>
    %dma_start3A_40 = tpu.memref_slice %arg4[%add3A_35] : memref<8192xf32, #tpu.memory_space<hbm>> -> memref<256xf32, #tpu.memory_space<hbm>>
    tpu.enqueue_dma source(%dma_start3A_40 : memref<256xf32, #tpu.memory_space<hbm>>) target(%arg13 : memref<256xf32, #tpu.memory_space<vmem>>) target_semaphore(%arg17 : memref<!tpu.dma_semaphore, #tpu.memory_space<semaphore_mem>>)
    %dma_start3A_41 = tpu.memref_slice %arg5[%add3A_35] : memref<8192xf32, #tpu.memory_space<hbm>> -> memref<256xf32, #tpu.memory_space<hbm>>
    %dma_start3A_42 = tpu.memref_slice %arg5[%add3A_35] : memref<8192xf32, #tpu.memory_space<hbm>> -> memref<256xf32, #tpu.memory_space<hbm>>
    tpu.enqueue_dma source(%dma_start3A_42 : memref<256xf32, #tpu.memory_space<hbm>>) target(%arg14 : memref<256xf32, #tpu.memory_space<vmem>>) target_semaphore(%arg17 : memref<!tpu.dma_semaphore, #tpu.memory_space<semaphore_mem>>)
    %dma_start3A_43 = tpu.memref_slice %arg6[%add3A_35] : memref<8192xf32, #tpu.memory_space<hbm>> -> memref<256xf32, #tpu.memory_space<hbm>>
    %dma_start3A_44 = tpu.memref_slice %arg6[%add3A_35] : memref<8192xf32, #tpu.memory_space<hbm>> -> memref<256xf32, #tpu.memory_space<hbm>>
    tpu.enqueue_dma source(%dma_start3A_44 : memref<256xf32, #tpu.memory_space<hbm>>) target(%arg15 : memref<256xf32, #tpu.memory_space<vmem>>) target_semaphore(%arg17 : memref<!tpu.dma_semaphore, #tpu.memory_space<semaphore_mem>>)
    %dma_wait3A = tpu.memref_slice %arg2[%add3A_35] : memref<8192xi32, #tpu.memory_space<hbm>> -> memref<256xi32, #tpu.memory_space<hbm>>
    %dma_wait3A_45 = tpu.memref_slice %arg2[%add3A_35] : memref<8192xi32, #tpu.memory_space<hbm>> -> memref<256xi32, #tpu.memory_space<hbm>>
    tpu.wait_dma2 semaphore(%arg17 : memref<!tpu.dma_semaphore, #tpu.memory_space<semaphore_mem>>) src(%dma_wait3A_45 : memref<256xi32, #tpu.memory_space<hbm>>) dst(%arg11 : memref<256xi32, #tpu.memory_space<vmem>>)
    %dma_wait3A_46 = tpu.memref_slice %arg3[%add3A_35] : memref<8192xi32, #tpu.memory_space<hbm>> -> memref<256xi32, #tpu.memory_space<hbm>>
    %dma_wait3A_47 = tpu.memref_slice %arg3[%add3A_35] : memref<8192xi32, #tpu.memory_space<hbm>> -> memref<256xi32, #tpu.memory_space<hbm>>
    tpu.wait_dma2 semaphore(%arg17 : memref<!tpu.dma_semaphore, #tpu.memory_space<semaphore_mem>>) src(%dma_wait3A_47 : memref<256xi32, #tpu.memory_space<hbm>>) dst(%arg12 : memref<256xi32, #tpu.memory_space<vmem>>)
    %dma_wait3A_48 = tpu.memref_slice %arg4[%add3A_35] : memref<8192xf32, #tpu.memory_space<hbm>> -> memref<256xf32, #tpu.memory_space<hbm>>
    %dma_wait3A_49 = tpu.memref_slice %arg4[%add3A_35] : memref<8192xf32, #tpu.memory_space<hbm>> -> memref<256xf32, #tpu.memory_space<hbm>>
    tpu.wait_dma2 semaphore(%arg17 : memref<!tpu.dma_semaphore, #tpu.memory_space<semaphore_mem>>) src(%dma_wait3A_49 : memref<256xf32, #tpu.memory_space<hbm>>) dst(%arg13 : memref<256xf32, #tpu.memory_space<vmem>>)
    %dma_wait3A_50 = tpu.memref_slice %arg5[%add3A_35] : memref<8192xf32, #tpu.memory_space<hbm>> -> memref<256xf32, #tpu.memory_space<hbm>>
    %dma_wait3A_51 = tpu.memref_slice %arg5[%add3A_35] : memref<8192xf32, #tpu.memory_space<hbm>> -> memref<256xf32, #tpu.memory_space<hbm>>
    tpu.wait_dma2 semaphore(%arg17 : memref<!tpu.dma_semaphore, #tpu.memory_space<semaphore_mem>>) src(%dma_wait3A_51 : memref<256xf32, #tpu.memory_space<hbm>>) dst(%arg14 : memref<256xf32, #tpu.memory_space<vmem>>)
    %dma_wait3A_52 = tpu.memref_slice %arg6[%add3A_35] : memref<8192xf32, #tpu.memory_space<hbm>> -> memref<256xf32, #tpu.memory_space<hbm>>
    %dma_wait3A_53 = tpu.memref_slice %arg6[%add3A_35] : memref<8192xf32, #tpu.memory_space<hbm>> -> memref<256xf32, #tpu.memory_space<hbm>>
    tpu.wait_dma2 semaphore(%arg17 : memref<!tpu.dma_semaphore, #tpu.memory_space<semaphore_mem>>) src(%dma_wait3A_53 : memref<256xf32, #tpu.memory_space<hbm>>) dst(%arg15 : memref<256xf32, #tpu.memory_space<vmem>>)
    %scan3A = arith.constant 0 : i32
    %scan3A_54 = arith.constant 0 : i32
    %scan3A_55 = arith.constant 16 : i32
    %scan3A_56 = arith.addi %scan3A_54, %scan3A_55 : i32
    %scan3A_57 = arith.constant 1 : i32
    %scan3A_58 = scf.for %scan3A_188 = %scan3A_54 to %scan3A_56 step %scan3A_57 iter_args(%scan3A_189 = %scan3A) -> (i32)  : i32 {
      %mul3A_190 = arith.constant 16 : i32
      %mul3A_191 = arith.muli %scan3A_188, %mul3A_190 : i32
      %get3A = arith.index_cast %mul3A_191 : i32 to index
      %get3A_192 = tpu.vector_load %arg12[%get3A] {strides = array<i32>} : memref<256xi32, #tpu.memory_space<vmem>>, vector<16xi32>,
      %add3A_193 = vector.broadcast %mul3A_18 : i32 to vector<16xi32>
      %add3A_194 = arith.addi %get3A_192, %add3A_193 : vector<16xi32>
      %jit3A_195 = arith.constant 8 : i32
      %div3A_196 = arith.divsi %scan3A_188, %jit3A_195 : i32
      %sign3A_197 = arith.constant 0 : i32
      %sign3A_198 = arith.cmpi sgt, %scan3A_188, %sign3A_197 : i32
      %sign3A_199 = arith.extui %sign3A_198 : i1 to i32
      %sign3A_200 = arith.constant 0 : i32
      %sign3A_201 = arith.cmpi slt, %scan3A_188, %sign3A_200 : i32
      %sign3A_202 = arith.extui %sign3A_201 : i1 to i32
      %sign3A_203 = arith.subi %sign3A_199, %sign3A_202 : i32
      %sign3A_204 = arith.constant 0 : i32
      %sign3A_205 = arith.cmpi sgt, %jit3A_195, %sign3A_204 : i32
      %sign3A_206 = arith.extui %sign3A_205 : i1 to i32
      %sign3A_207 = arith.constant 0 : i32
      %sign3A_208 = arith.cmpi slt, %jit3A_195, %sign3A_207 : i32
      %sign3A_209 = arith.extui %sign3A_208 : i1 to i32
      %sign3A_210 = arith.subi %sign3A_206, %sign3A_209 : i32
      %ne3A_211 = arith.cmpi ne, %sign3A_203, %sign3A_210 : i32
      %rem3A_212 = arith.remsi %scan3A_188, %jit3A_195 : i32
      %ne3A_213 = arith.constant 0 : i32
      %ne3A_214 = arith.cmpi ne, %rem3A_212, %ne3A_213 : i32
      %and3A_215 = arith.andi %ne3A_211, %ne3A_214 : i1
      %sub3A_216 = arith.constant 1 : i32
      %sub3A_217 = arith.subi %div3A_196, %sub3A_216 : i32
      %select_n3A_218 = arith.select %and3A_215, %sub3A_217, %div3A_196 : i32
      %jit3A_219 = arith.constant 8 : i32
      %eq3A_220 = arith.constant 0 : i32
      %eq3A_221 = arith.cmpi eq, %jit3A_219, %eq3A_220 : i32
      %jit3A_222 = arith.constant 1 : i32
      %select_n3A_223 = arith.select %eq3A_221, %jit3A_222, %jit3A_219 : i32
      %rem3A_224 = arith.remsi %scan3A_188, %select_n3A_223 : i32
      %ne3A_225 = arith.constant 0 : i32
      %ne3A_226 = arith.cmpi ne, %rem3A_224, %ne3A_225 : i32
      %lt3A_227 = arith.constant 0 : i32
      %lt3A_228 = arith.cmpi slt, %rem3A_224, %lt3A_227 : i32
      %lt3A_229 = arith.constant 0 : i32
      %lt3A_230 = arith.cmpi slt, %select_n3A_223, %lt3A_229 : i32
      %ne3A_231 = arith.xori %lt3A_228, %lt3A_230 : i1
      %and3A_232 = arith.andi %ne3A_231, %ne3A_226 : i1
      %add3A_233 = arith.addi %rem3A_224, %select_n3A_223 : i32
      %select_n3A_234 = arith.select %and3A_232, %add3A_233, %rem3A_224 : i32
      %mul3A_235 = arith.constant 16 : i32
      %mul3A_236 = arith.muli %select_n3A_234, %mul3A_235 : i32
      %swap3A = arith.index_cast %select_n3A_218 : i32 to index
      %swap3A_237 = arith.index_cast %mul3A_236 : i32 to index
      %swap3A_238 = tpu.vector_load %arg16[%swap3A, %swap3A_237] {strides = array<i32>} : memref<2x128xi32, #tpu.memory_space<vmem>>, vector<16xi32>,
      tpu.vector_store %arg16[%swap3A, %swap3A_237], %add3A_194 {strides = array<i32>} : memref<2x128xi32, #tpu.memory_space<vmem>>, vector<16xi32>,
      %scan3A_239 = arith.constant 0 : i32
      scf.yield %scan3A_239 : i32
    }
    %scan3A_59 = arith.constant 16 : i32
    %dma_start3A_60 = arith.constant 0 : i32
    %dma_start3A_61 = arith.constant 0 : i32
    %dma_start3A_62 = tpu.memref_slice %arg11[%dma_start3A_61] : memref<256xi32, #tpu.memory_space<vmem>> -> memref<128xi32, #tpu.memory_space<vmem>>
    %dma_start3A_63 = arith.constant 0 : i32
    %dma_start3A_64 = tpu.memref_slice %arg16[%dma_start3A_60, %dma_start3A_63] : memref<2x128xi32, #tpu.memory_space<vmem>> -> memref<1x128xi32, #tpu.memory_space<vmem>>
    %dma_start3A_65 = tpu.memref_squeeze %dma_start3A_64 : memref<1x128xi32, #tpu.memory_space<vmem>> -> memref<128xi32, #tpu.memory_space<vmem>>
    %dma_start3A_66 = arith.constant 0 : i32
    %dma_start3A_67 = tpu.memref_slice %arg7[%dma_start3A_66] : memref<8192xi32, #tpu.memory_space<hbm>> -> memref<8192xi32, #tpu.memory_space<hbm>>
    tpu.enqueue_indirect_dma source(%dma_start3A_62 : memref<128xi32, #tpu.memory_space<vmem>>) target(%dma_start3A_67 : memref<8192xi32, #tpu.memory_space<hbm>>) offsets(%dma_start3A_65 : memref<128xi32, #tpu.memory_space<vmem>>) semaphore(%arg17 : memref<!tpu.dma_semaphore, #tpu.memory_space<semaphore_mem>>)
    %dma_start3A_68 = arith.constant 0 : i32
    %dma_start3A_69 = arith.constant 0 : i32
    %dma_start3A_70 = tpu.memref_slice %arg13[%dma_start3A_69] : memref<256xf32, #tpu.memory_space<vmem>> -> memref<128xf32, #tpu.memory_space<vmem>>
    %dma_start3A_71 = arith.constant 0 : i32
    %dma_start3A_72 = tpu.memref_slice %arg16[%dma_start3A_68, %dma_start3A_71] : memref<2x128xi32, #tpu.memory_space<vmem>> -> memref<1x128xi32, #tpu.memory_space<vmem>>
    %dma_start3A_73 = tpu.memref_squeeze %dma_start3A_72 : memref<1x128xi32, #tpu.memory_space<vmem>> -> memref<128xi32, #tpu.memory_space<vmem>>
    %dma_start3A_74 = arith.constant 0 : i32
    %dma_start3A_75 = tpu.memref_slice %arg8[%dma_start3A_74] : memref<8192xf32, #tpu.memory_space<hbm>> -> memref<8192xf32, #tpu.memory_space<hbm>>
    tpu.enqueue_indirect_dma source(%dma_start3A_70 : memref<128xf32, #tpu.memory_space<vmem>>) target(%dma_start3A_75 : memref<8192xf32, #tpu.memory_space<hbm>>) offsets(%dma_start3A_73 : memref<128xi32, #tpu.memory_space<vmem>>) semaphore(%arg17 : memref<!tpu.dma_semaphore, #tpu.memory_space<semaphore_mem>>)
    %dma_start3A_76 = arith.constant 0 : i32
    %dma_start3A_77 = arith.constant 0 : i32
    %dma_start3A_78 = tpu.memref_slice %arg14[%dma_start3A_77] : memref<256xf32, #tpu.memory_space<vmem>> -> memref<128xf32, #tpu.memory_space<vmem>>
    %dma_start3A_79 = arith.constant 0 : i32
    %dma_start3A_80 = tpu.memref_slice %arg16[%dma_start3A_76, %dma_start3A_79] : memref<2x128xi32, #tpu.memory_space<vmem>> -> memref<1x128xi32, #tpu.memory_space<vmem>>
    %dma_start3A_81 = tpu.memref_squeeze %dma_start3A_80 : memref<1x128xi32, #tpu.memory_space<vmem>> -> memref<128xi32, #tpu.memory_space<vmem>>
    %dma_start3A_82 = arith.constant 0 : i32
    %dma_start3A_83 = tpu.memref_slice %arg9[%dma_start3A_82] : memref<8192xf32, #tpu.memory_space<hbm>> -> memref<8192xf32, #tpu.memory_space<hbm>>
    tpu.enqueue_indirect_dma source(%dma_start3A_78 : memref<128xf32, #tpu.memory_space<vmem>>) target(%dma_start3A_83 : memref<8192xf32, #tpu.memory_space<hbm>>) offsets(%dma_start3A_81 : memref<128xi32, #tpu.memory_space<vmem>>) semaphore(%arg17 : memref<!tpu.dma_semaphore, #tpu.memory_space<semaphore_mem>>)
    %dma_start3A_84 = arith.constant 0 : i32
    %dma_start3A_85 = arith.constant 0 : i32
    %dma_start3A_86 = tpu.memref_slice %arg15[%dma_start3A_85] : memref<256xf32, #tpu.memory_space<vmem>> -> memref<128xf32, #tpu.memory_space<vmem>>
    %dma_start3A_87 = arith.constant 0 : i32
    %dma_start3A_88 = tpu.memref_slice %arg16[%dma_start3A_84, %dma_start3A_87] : memref<2x128xi32, #tpu.memory_space<vmem>> -> memref<1x128xi32, #tpu.memory_space<vmem>>
    %dma_start3A_89 = tpu.memref_squeeze %dma_start3A_88 : memref<1x128xi32, #tpu.memory_space<vmem>> -> memref<128xi32, #tpu.memory_space<vmem>>
    %dma_start3A_90 = arith.constant 0 : i32
    %dma_start3A_91 = tpu.memref_slice %arg10[%dma_start3A_90] : memref<8192xf32, #tpu.memory_space<hbm>> -> memref<8192xf32, #tpu.memory_space<hbm>>
    tpu.enqueue_indirect_dma source(%dma_start3A_86 : memref<128xf32, #tpu.memory_space<vmem>>) target(%dma_start3A_91 : memref<8192xf32, #tpu.memory_space<hbm>>) offsets(%dma_start3A_89 : memref<128xi32, #tpu.memory_space<vmem>>) semaphore(%arg17 : memref<!tpu.dma_semaphore, #tpu.memory_space<semaphore_mem>>)
    %dma_start3A_92 = arith.constant 1 : i32
    %dma_start3A_93 = arith.constant 128 : i32
    %dma_start3A_94 = tpu.memref_slice %arg11[%dma_start3A_93] : memref<256xi32, #tpu.memory_space<vmem>> -> memref<128xi32, #tpu.memory_space<vmem>>
    %dma_start3A_95 = arith.constant 0 : i32
    %dma_start3A_96 = tpu.memref_slice %arg16[%dma_start3A_92, %dma_start3A_95] : memref<2x128xi32, #tpu.memory_space<vmem>> -> memref<1x128xi32, #tpu.memory_space<vmem>>
    %dma_start3A_97 = tpu.memref_squeeze %dma_start3A_96 : memref<1x128xi32, #tpu.memory_space<vmem>> -> memref<128xi32, #tpu.memory_space<vmem>>
    %dma_start3A_98 = arith.constant 0 : i32
    %dma_start3A_99 = tpu.memref_slice %arg7[%dma_start3A_98] : memref<8192xi32, #tpu.memory_space<hbm>> -> memref<8192xi32, #tpu.memory_space<hbm>>
    tpu.enqueue_indirect_dma source(%dma_start3A_94 : memref<128xi32, #tpu.memory_space<vmem>>) target(%dma_start3A_99 : memref<8192xi32, #tpu.memory_space<hbm>>) offsets(%dma_start3A_97 : memref<128xi32, #tpu.memory_space<vmem>>) semaphore(%arg17 : memref<!tpu.dma_semaphore, #tpu.memory_space<semaphore_mem>>)
    %dma_start3A_100 = arith.constant 1 : i32
    %dma_start3A_101 = arith.constant 128 : i32
    %dma_start3A_102 = tpu.memref_slice %arg13[%dma_start3A_101] : memref<256xf32, #tpu.memory_space<vmem>> -> memref<128xf32, #tpu.memory_space<vmem>>
    %dma_start3A_103 = arith.constant 0 : i32
    %dma_start3A_104 = tpu.memref_slice %arg16[%dma_start3A_100, %dma_start3A_103] : memref<2x128xi32, #tpu.memory_space<vmem>> -> memref<1x128xi32, #tpu.memory_space<vmem>>
    %dma_start3A_105 = tpu.memref_squeeze %dma_start3A_104 : memref<1x128xi32, #tpu.memory_space<vmem>> -> memref<128xi32, #tpu.memory_space<vmem>>
    %dma_start3A_106 = arith.constant 0 : i32
    %dma_start3A_107 = tpu.memref_slice %arg8[%dma_start3A_106] : memref<8192xf32, #tpu.memory_space<hbm>> -> memref<8192xf32, #tpu.memory_space<hbm>>
    tpu.enqueue_indirect_dma source(%dma_start3A_102 : memref<128xf32, #tpu.memory_space<vmem>>) target(%dma_start3A_107 : memref<8192xf32, #tpu.memory_space<hbm>>) offsets(%dma_start3A_105 : memref<128xi32, #tpu.memory_space<vmem>>) semaphore(%arg17 : memref<!tpu.dma_semaphore, #tpu.memory_space<semaphore_mem>>)
    %dma_start3A_108 = arith.constant 1 : i32
    %dma_start3A_109 = arith.constant 128 : i32
    %dma_start3A_110 = tpu.memref_slice %arg14[%dma_start3A_109] : memref<256xf32, #tpu.memory_space<vmem>> -> memref<128xf32, #tpu.memory_space<vmem>>
    %dma_start3A_111 = arith.constant 0 : i32
    %dma_start3A_112 = tpu.memref_slice %arg16[%dma_start3A_108, %dma_start3A_111] : memref<2x128xi32, #tpu.memory_space<vmem>> -> memref<1x128xi32, #tpu.memory_space<vmem>>
    %dma_start3A_113 = tpu.memref_squeeze %dma_start3A_112 : memref<1x128xi32, #tpu.memory_space<vmem>> -> memref<128xi32, #tpu.memory_space<vmem>>
    %dma_start3A_114 = arith.constant 0 : i32
    %dma_start3A_115 = tpu.memref_slice %arg9[%dma_start3A_114] : memref<8192xf32, #tpu.memory_space<hbm>> -> memref<8192xf32, #tpu.memory_space<hbm>>
    tpu.enqueue_indirect_dma source(%dma_start3A_110 : memref<128xf32, #tpu.memory_space<vmem>>) target(%dma_start3A_115 : memref<8192xf32, #tpu.memory_space<hbm>>) offsets(%dma_start3A_113 : memref<128xi32, #tpu.memory_space<vmem>>) semaphore(%arg17 : memref<!tpu.dma_semaphore, #tpu.memory_space<semaphore_mem>>)
    %dma_start3A_116 = arith.constant 1 : i32
    %dma_start3A_117 = arith.constant 128 : i32
    %dma_start3A_118 = tpu.memref_slice %arg15[%dma_start3A_117] : memref<256xf32, #tpu.memory_space<vmem>> -> memref<128xf32, #tpu.memory_space<vmem>>
    %dma_start3A_119 = arith.constant 0 : i32
    %dma_start3A_120 = tpu.memref_slice %arg16[%dma_start3A_116, %dma_start3A_119] : memref<2x128xi32, #tpu.memory_space<vmem>> -> memref<1x128xi32, #tpu.memory_space<vmem>>
    %dma_start3A_121 = tpu.memref_squeeze %dma_start3A_120 : memref<1x128xi32, #tpu.memory_space<vmem>> -> memref<128xi32, #tpu.memory_space<vmem>>
    %dma_start3A_122 = arith.constant 0 : i32
    %dma_start3A_123 = tpu.memref_slice %arg10[%dma_start3A_122] : memref<8192xf32, #tpu.memory_space<hbm>> -> memref<8192xf32, #tpu.memory_space<hbm>>
    tpu.enqueue_indirect_dma source(%dma_start3A_118 : memref<128xf32, #tpu.memory_space<vmem>>) target(%dma_start3A_123 : memref<8192xf32, #tpu.memory_space<hbm>>) offsets(%dma_start3A_121 : memref<128xi32, #tpu.memory_space<vmem>>) semaphore(%arg17 : memref<!tpu.dma_semaphore, #tpu.memory_space<semaphore_mem>>)
    %dma_wait3A_124 = arith.constant 0 : i32
    %dma_wait3A_125 = arith.constant 0 : i32
    %dma_wait3A_126 = tpu.memref_slice %arg11[%dma_wait3A_125] : memref<256xi32, #tpu.memory_space<vmem>> -> memref<128xi32, #tpu.memory_space<vmem>>
    %dma_wait3A_127 = arith.constant 0 : i32
    %dma_wait3A_128 = tpu.memref_slice %arg16[%dma_wait3A_124, %dma_wait3A_127] : memref<2x128xi32, #tpu.memory_space<vmem>> -> memref<1x128xi32, #tpu.memory_space<vmem>>
    %dma_wait3A_129 = tpu.memref_squeeze %dma_wait3A_128 : memref<1x128xi32, #tpu.memory_space<vmem>> -> memref<128xi32, #tpu.memory_space<vmem>>
    %dma_wait3A_130 = arith.constant 0 : i32
    %dma_wait3A_131 = tpu.memref_slice %arg7[%dma_wait3A_130] : memref<8192xi32, #tpu.memory_space<hbm>> -> memref<8192xi32, #tpu.memory_space<hbm>>
    tpu.wait_indirect_dma semaphore(%arg17 : memref<!tpu.dma_semaphore, #tpu.memory_space<semaphore_mem>>) src(%dma_wait3A_126 : memref<128xi32, #tpu.memory_space<vmem>>) dst(%dma_wait3A_131 : memref<8192xi32, #tpu.memory_space<hbm>>)
    %dma_wait3A_132 = arith.constant 0 : i32
    %dma_wait3A_133 = arith.constant 0 : i32
    %dma_wait3A_134 = tpu.memref_slice %arg13[%dma_wait3A_133] : memref<256xf32, #tpu.memory_space<vmem>> -> memref<128xf32, #tpu.memory_space<vmem>>
    %dma_wait3A_135 = arith.constant 0 : i32
    %dma_wait3A_136 = tpu.memref_slice %arg16[%dma_wait3A_132, %dma_wait3A_135] : memref<2x128xi32, #tpu.memory_space<vmem>> -> memref<1x128xi32, #tpu.memory_space<vmem>>
    %dma_wait3A_137 = tpu.memref_squeeze %dma_wait3A_136 : memref<1x128xi32, #tpu.memory_space<vmem>> -> memref<128xi32, #tpu.memory_space<vmem>>
    %dma_wait3A_138 = arith.constant 0 : i32
    %dma_wait3A_139 = tpu.memref_slice %arg8[%dma_wait3A_138] : memref<8192xf32, #tpu.memory_space<hbm>> -> memref<8192xf32, #tpu.memory_space<hbm>>
    tpu.wait_indirect_dma semaphore(%arg17 : memref<!tpu.dma_semaphore, #tpu.memory_space<semaphore_mem>>) src(%dma_wait3A_134 : memref<128xf32, #tpu.memory_space<vmem>>) dst(%dma_wait3A_139 : memref<8192xf32, #tpu.memory_space<hbm>>)
    %dma_wait3A_140 = arith.constant 0 : i32
    %dma_wait3A_141 = arith.constant 0 : i32
    %dma_wait3A_142 = tpu.memref_slice %arg14[%dma_wait3A_141] : memref<256xf32, #tpu.memory_space<vmem>> -> memref<128xf32, #tpu.memory_space<vmem>>
    %dma_wait3A_143 = arith.constant 0 : i32
    %dma_wait3A_144 = tpu.memref_slice %arg16[%dma_wait3A_140, %dma_wait3A_143] : memref<2x128xi32, #tpu.memory_space<vmem>> -> memref<1x128xi32, #tpu.memory_space<vmem>>
    %dma_wait3A_145 = tpu.memref_squeeze %dma_wait3A_144 : memref<1x128xi32, #tpu.memory_space<vmem>> -> memref<128xi32, #tpu.memory_space<vmem>>
    %dma_wait3A_146 = arith.constant 0 : i32
    %dma_wait3A_147 = tpu.memref_slice %arg9[%dma_wait3A_146] : memref<8192xf32, #tpu.memory_space<hbm>> -> memref<8192xf32, #tpu.memory_space<hbm>>
    tpu.wait_indirect_dma semaphore(%arg17 : memref<!tpu.dma_semaphore, #tpu.memory_space<semaphore_mem>>) src(%dma_wait3A_142 : memref<128xf32, #tpu.memory_space<vmem>>) dst(%dma_wait3A_147 : memref<8192xf32, #tpu.memory_space<hbm>>)
    %dma_wait3A_148 = arith.constant 0 : i32
    %dma_wait3A_149 = arith.constant 0 : i32
    %dma_wait3A_150 = tpu.memref_slice %arg15[%dma_wait3A_149] : memref<256xf32, #tpu.memory_space<vmem>> -> memref<128xf32, #tpu.memory_space<vmem>>
    %dma_wait3A_151 = arith.constant 0 : i32
    %dma_wait3A_152 = tpu.memref_slice %arg16[%dma_wait3A_148, %dma_wait3A_151] : memref<2x128xi32, #tpu.memory_space<vmem>> -> memref<1x128xi32, #tpu.memory_space<vmem>>
    %dma_wait3A_153 = tpu.memref_squeeze %dma_wait3A_152 : memref<1x128xi32, #tpu.memory_space<vmem>> -> memref<128xi32, #tpu.memory_space<vmem>>
    %dma_wait3A_154 = arith.constant 0 : i32
    %dma_wait3A_155 = tpu.memref_slice %arg10[%dma_wait3A_154] : memref<8192xf32, #tpu.memory_space<hbm>> -> memref<8192xf32, #tpu.memory_space<hbm>>
    tpu.wait_indirect_dma semaphore(%arg17 : memref<!tpu.dma_semaphore, #tpu.memory_space<semaphore_mem>>) src(%dma_wait3A_150 : memref<128xf32, #tpu.memory_space<vmem>>) dst(%dma_wait3A_155 : memref<8192xf32, #tpu.memory_space<hbm>>)
    %dma_wait3A_156 = arith.constant 1 : i32
    %dma_wait3A_157 = arith.constant 128 : i32
    %dma_wait3A_158 = tpu.memref_slice %arg11[%dma_wait3A_157] : memref<256xi32, #tpu.memory_space<vmem>> -> memref<128xi32, #tpu.memory_space<vmem>>
    %dma_wait3A_159 = arith.constant 0 : i32
    %dma_wait3A_160 = tpu.memref_slice %arg16[%dma_wait3A_156, %dma_wait3A_159] : memref<2x128xi32, #tpu.memory_space<vmem>> -> memref<1x128xi32, #tpu.memory_space<vmem>>
    %dma_wait3A_161 = tpu.memref_squeeze %dma_wait3A_160 : memref<1x128xi32, #tpu.memory_space<vmem>> -> memref<128xi32, #tpu.memory_space<vmem>>
    %dma_wait3A_162 = arith.constant 0 : i32
    %dma_wait3A_163 = tpu.memref_slice %arg7[%dma_wait3A_162] : memref<8192xi32, #tpu.memory_space<hbm>> -> memref<8192xi32, #tpu.memory_space<hbm>>
    tpu.wait_indirect_dma semaphore(%arg17 : memref<!tpu.dma_semaphore, #tpu.memory_space<semaphore_mem>>) src(%dma_wait3A_158 : memref<128xi32, #tpu.memory_space<vmem>>) dst(%dma_wait3A_163 : memref<8192xi32, #tpu.memory_space<hbm>>)
    %dma_wait3A_164 = arith.constant 1 : i32
    %dma_wait3A_165 = arith.constant 128 : i32
    %dma_wait3A_166 = tpu.memref_slice %arg13[%dma_wait3A_165] : memref<256xf32, #tpu.memory_space<vmem>> -> memref<128xf32, #tpu.memory_space<vmem>>
    %dma_wait3A_167 = arith.constant 0 : i32
    %dma_wait3A_168 = tpu.memref_slice %arg16[%dma_wait3A_164, %dma_wait3A_167] : memref<2x128xi32, #tpu.memory_space<vmem>> -> memref<1x128xi32, #tpu.memory_space<vmem>>
    %dma_wait3A_169 = tpu.memref_squeeze %dma_wait3A_168 : memref<1x128xi32, #tpu.memory_space<vmem>> -> memref<128xi32, #tpu.memory_space<vmem>>
    %dma_wait3A_170 = arith.constant 0 : i32
    %dma_wait3A_171 = tpu.memref_slice %arg8[%dma_wait3A_170] : memref<8192xf32, #tpu.memory_space<hbm>> -> memref<8192xf32, #tpu.memory_space<hbm>>
    tpu.wait_indirect_dma semaphore(%arg17 : memref<!tpu.dma_semaphore, #tpu.memory_space<semaphore_mem>>) src(%dma_wait3A_166 : memref<128xf32, #tpu.memory_space<vmem>>) dst(%dma_wait3A_171 : memref<8192xf32, #tpu.memory_space<hbm>>)
    %dma_wait3A_172 = arith.constant 1 : i32
    %dma_wait3A_173 = arith.constant 128 : i32
    %dma_wait3A_174 = tpu.memref_slice %arg14[%dma_wait3A_173] : memref<256xf32, #tpu.memory_space<vmem>> -> memref<128xf32, #tpu.memory_space<vmem>>
    %dma_wait3A_175 = arith.constant 0 : i32
    %dma_wait3A_176 = tpu.memref_slice %arg16[%dma_wait3A_172, %dma_wait3A_175] : memref<2x128xi32, #tpu.memory_space<vmem>> -> memref<1x128xi32, #tpu.memory_space<vmem>>
    %dma_wait3A_177 = tpu.memref_squeeze %dma_wait3A_176 : memref<1x128xi32, #tpu.memory_space<vmem>> -> memref<128xi32, #tpu.memory_space<vmem>>
    %dma_wait3A_178 = arith.constant 0 : i32
    %dma_wait3A_179 = tpu.memref_slice %arg9[%dma_wait3A_178] : memref<8192xf32, #tpu.memory_space<hbm>> -> memref<8192xf32, #tpu.memory_space<hbm>>
    tpu.wait_indirect_dma semaphore(%arg17 : memref<!tpu.dma_semaphore, #tpu.memory_space<semaphore_mem>>) src(%dma_wait3A_174 : memref<128xf32, #tpu.memory_space<vmem>>) dst(%dma_wait3A_179 : memref<8192xf32, #tpu.memory_space<hbm>>)
    %dma_wait3A_180 = arith.constant 1 : i32
    %dma_wait3A_181 = arith.constant 128 : i32
    %dma_wait3A_182 = tpu.memref_slice %arg15[%dma_wait3A_181] : memref<256xf32, #tpu.memory_space<vmem>> -> memref<128xf32, #tpu.memory_space<vmem>>
    %dma_wait3A_183 = arith.constant 0 : i32
    %dma_wait3A_184 = tpu.memref_slice %arg16[%dma_wait3A_180, %dma_wait3A_183] : memref<2x128xi32, #tpu.memory_space<vmem>> -> memref<1x128xi32, #tpu.memory_space<vmem>>
    %dma_wait3A_185 = tpu.memref_squeeze %dma_wait3A_184 : memref<1x128xi32, #tpu.memory_space<vmem>> -> memref<128xi32, #tpu.memory_space<vmem>>
    %dma_wait3A_186 = arith.constant 0 : i32
    %dma_wait3A_187 = tpu.memref_slice %arg10[%dma_wait3A_186] : memref<8192xf32, #tpu.memory_space<hbm>> -> memref<8192xf32, #tpu.memory_space<hbm>>
    tpu.wait_indirect_dma semaphore(%arg17 : memref<!tpu.dma_semaphore, #tpu.memory_space<semaphore_mem>>) src(%dma_wait3A_182 : memref<128xf32, #tpu.memory_space<vmem>>) dst(%dma_wait3A_187 : memref<8192xf32, #tpu.memory_space<hbm>>)
    return
  }
}

module attributes {stable_mosaic.version = 14 : i64} {
  func.func @_cells_body(%arg0: memref<2x32x128xf32, #tpu.memory_space<vmem>>, %arg1: memref<2x32x128xf32, #tpu.memory_space<vmem>>, %arg2: memref<2x32x128xf32, #tpu.memory_space<vmem>>, %arg3: memref<2x32x128xi32, #tpu.memory_space<vmem>>) attributes {dimension_semantics = [], scalar_prefetch = 0 : i64, scratch_operands = 0 : i64, tpu.core_type = #tpu.core_type<tc>} {
    %get3A = arith.constant 0 : index
    %get3A_0 = arith.constant 0 : index
    %get3A_1 = arith.constant 0 : index
    %get3A_2 = vector.load %arg0[%get3A, %get3A_0, %get3A_1] : memref<2x32x128xf32, #tpu.memory_space<vmem>>, vector<1x32x128xf32>
    %get3A_3 = vector.shape_cast %get3A_2 : vector<1x32x128xf32> to vector<32x128xf32>
    %get3A_4 = arith.constant 0 : index
    %get3A_5 = arith.constant 0 : index
    %get3A_6 = arith.constant 0 : index
    %get3A_7 = vector.load %arg1[%get3A_4, %get3A_5, %get3A_6] : memref<2x32x128xf32, #tpu.memory_space<vmem>>, vector<1x32x128xf32>
    %get3A_8 = vector.shape_cast %get3A_7 : vector<1x32x128xf32> to vector<32x128xf32>
    %get3A_9 = arith.constant 0 : index
    %get3A_10 = arith.constant 0 : index
    %get3A_11 = arith.constant 0 : index
    %get3A_12 = vector.load %arg2[%get3A_9, %get3A_10, %get3A_11] : memref<2x32x128xf32, #tpu.memory_space<vmem>>, vector<1x32x128xf32>
    %get3A_13 = vector.shape_cast %get3A_12 : vector<1x32x128xf32> to vector<32x128xf32>
    %reduce_min3A = vector.shape_cast %get3A_3 : vector<32x128xf32> to vector<1x32x128xf32>
    %reduce_min3A_14 = arith.constant dense<0x7F800000> : vector<1xf32>
    %reduce_min3A_15 = vector.multi_reduction <minimumf>, %reduce_min3A, %reduce_min3A_14 [1, 2] : vector<1x32x128xf32> to vector<1xf32>
    %reduce_min3A_16 = vector.shape_cast %reduce_min3A_15 : vector<1xf32> to vector<1x1x1xf32>
    %reduce_min3A_17 = vector.extract %reduce_min3A_16[0, 0, 0] : f32 from vector<1x1x1xf32>
    %reduce_max3A = vector.shape_cast %get3A_3 : vector<32x128xf32> to vector<1x32x128xf32>
    %reduce_max3A_18 = arith.constant dense<0xFF800000> : vector<1xf32>
    %reduce_max3A_19 = vector.multi_reduction <maximumf>, %reduce_max3A, %reduce_max3A_18 [1, 2] : vector<1x32x128xf32> to vector<1xf32>
    %reduce_max3A_20 = vector.shape_cast %reduce_max3A_19 : vector<1xf32> to vector<1x1x1xf32>
    %reduce_max3A_21 = vector.extract %reduce_max3A_20[0, 0, 0] : f32 from vector<1x1x1xf32>
    %sub3A = arith.subf %reduce_max3A_21, %reduce_min3A_17 : f32
    %div3A = arith.constant 4.000000e-01 : f32
    %div3A_22 = arith.divf %sub3A, %div3A : f32
    %jit3A = arith.constant 0.000000e+00 : f32
    %jit3A_23 = arith.constant 9.600000e+01 : f32
    %max3A = arith.maximumf %jit3A, %div3A_22 : f32
    %min3A = arith.minimumf %jit3A_23, %max3A : f32
    %ceil3A = math.ceil %min3A : f32
    %add3A = arith.addf %reduce_min3A_17, %reduce_max3A_21 : f32
    %div3A_24 = arith.constant 2.000000e+00 : f32
    %div3A_25 = arith.divf %add3A, %div3A_24 : f32
    %mul3A = arith.constant 4.000000e-01 : f32
    %mul3A_26 = arith.mulf %ceil3A, %mul3A : f32
    %div3A_27 = arith.constant 2.000000e+00 : f32
    %div3A_28 = arith.divf %mul3A_26, %div3A_27 : f32
    %sub3A_29 = arith.subf %div3A_25, %div3A_28 : f32
    %sub3A_30 = vector.broadcast %sub3A_29 : f32 to vector<32x128xf32>
    %sub3A_31 = arith.subf %get3A_3, %sub3A_30 : vector<32x128xf32>
    %div3A_32 = arith.constant 4.000000e-01 : f32
    %div3A_33 = vector.broadcast %div3A_32 : f32 to vector<32x128xf32>
    %div3A_34 = arith.divf %sub3A_31, %div3A_33 : vector<32x128xf32>
    %floor3A = math.floor %div3A_34 : vector<32x128xf32>
    %sub3A_35 = arith.constant 1.000000e+00 : f32
    %sub3A_36 = arith.subf %ceil3A, %sub3A_35 : f32
    %jit3A_37 = arith.constant 0.000000e+00 : f32
    %max3A_38 = vector.broadcast %jit3A_37 : f32 to vector<32x128xf32>
    %max3A_39 = arith.maximumf %max3A_38, %floor3A : vector<32x128xf32>
    %min3A_40 = vector.broadcast %sub3A_36 : f32 to vector<32x128xf32>
    %min3A_41 = arith.minimumf %min3A_40, %max3A_39 : vector<32x128xf32>
    %convert_element_type3A = arith.fptosi %min3A_41 : vector<32x128xf32> to vector<32x128xi32>
    %reduce_min3A_42 = vector.shape_cast %get3A_8 : vector<32x128xf32> to vector<1x32x128xf32>
    %reduce_min3A_43 = arith.constant dense<0x7F800000> : vector<1xf32>
    %reduce_min3A_44 = vector.multi_reduction <minimumf>, %reduce_min3A_42, %reduce_min3A_43 [1, 2] : vector<1x32x128xf32> to vector<1xf32>
    %reduce_min3A_45 = vector.shape_cast %reduce_min3A_44 : vector<1xf32> to vector<1x1x1xf32>
    %reduce_min3A_46 = vector.extract %reduce_min3A_45[0, 0, 0] : f32 from vector<1x1x1xf32>
    %reduce_max3A_47 = vector.shape_cast %get3A_8 : vector<32x128xf32> to vector<1x32x128xf32>
    %reduce_max3A_48 = arith.constant dense<0xFF800000> : vector<1xf32>
    %reduce_max3A_49 = vector.multi_reduction <maximumf>, %reduce_max3A_47, %reduce_max3A_48 [1, 2] : vector<1x32x128xf32> to vector<1xf32>
    %reduce_max3A_50 = vector.shape_cast %reduce_max3A_49 : vector<1xf32> to vector<1x1x1xf32>
    %reduce_max3A_51 = vector.extract %reduce_max3A_50[0, 0, 0] : f32 from vector<1x1x1xf32>
    %sub3A_52 = arith.subf %reduce_max3A_51, %reduce_min3A_46 : f32
    %div3A_53 = arith.constant 4.000000e-01 : f32
    %div3A_54 = arith.divf %sub3A_52, %div3A_53 : f32
    %jit3A_55 = arith.constant 0.000000e+00 : f32
    %jit3A_56 = arith.constant 9.600000e+01 : f32
    %max3A_57 = arith.maximumf %jit3A_55, %div3A_54 : f32
    %min3A_58 = arith.minimumf %jit3A_56, %max3A_57 : f32
    %ceil3A_59 = math.ceil %min3A_58 : f32
    %add3A_60 = arith.addf %reduce_min3A_46, %reduce_max3A_51 : f32
    %div3A_61 = arith.constant 2.000000e+00 : f32
    %div3A_62 = arith.divf %add3A_60, %div3A_61 : f32
    %mul3A_63 = arith.constant 4.000000e-01 : f32
    %mul3A_64 = arith.mulf %ceil3A_59, %mul3A_63 : f32
    %div3A_65 = arith.constant 2.000000e+00 : f32
    %div3A_66 = arith.divf %mul3A_64, %div3A_65 : f32
    %sub3A_67 = arith.subf %div3A_62, %div3A_66 : f32
    %sub3A_68 = vector.broadcast %sub3A_67 : f32 to vector<32x128xf32>
    %sub3A_69 = arith.subf %get3A_8, %sub3A_68 : vector<32x128xf32>
    %div3A_70 = arith.constant 4.000000e-01 : f32
    %div3A_71 = vector.broadcast %div3A_70 : f32 to vector<32x128xf32>
    %div3A_72 = arith.divf %sub3A_69, %div3A_71 : vector<32x128xf32>
    %floor3A_73 = math.floor %div3A_72 : vector<32x128xf32>
    %sub3A_74 = arith.constant 1.000000e+00 : f32
    %sub3A_75 = arith.subf %ceil3A_59, %sub3A_74 : f32
    %jit3A_76 = arith.constant 0.000000e+00 : f32
    %max3A_77 = vector.broadcast %jit3A_76 : f32 to vector<32x128xf32>
    %max3A_78 = arith.maximumf %max3A_77, %floor3A_73 : vector<32x128xf32>
    %min3A_79 = vector.broadcast %sub3A_75 : f32 to vector<32x128xf32>
    %min3A_80 = arith.minimumf %min3A_79, %max3A_78 : vector<32x128xf32>
    %convert_element_type3A_81 = arith.fptosi %min3A_80 : vector<32x128xf32> to vector<32x128xi32>
    %convert_element_type3A_82 = arith.fptosi %ceil3A_59 : f32 to i32
    %reduce_min3A_83 = vector.shape_cast %get3A_13 : vector<32x128xf32> to vector<1x32x128xf32>
    %reduce_min3A_84 = arith.constant dense<0x7F800000> : vector<1xf32>
    %reduce_min3A_85 = vector.multi_reduction <minimumf>, %reduce_min3A_83, %reduce_min3A_84 [1, 2] : vector<1x32x128xf32> to vector<1xf32>
    %reduce_min3A_86 = vector.shape_cast %reduce_min3A_85 : vector<1xf32> to vector<1x1x1xf32>
    %reduce_min3A_87 = vector.extract %reduce_min3A_86[0, 0, 0] : f32 from vector<1x1x1xf32>
    %reduce_max3A_88 = vector.shape_cast %get3A_13 : vector<32x128xf32> to vector<1x32x128xf32>
    %reduce_max3A_89 = arith.constant dense<0xFF800000> : vector<1xf32>
    %reduce_max3A_90 = vector.multi_reduction <maximumf>, %reduce_max3A_88, %reduce_max3A_89 [1, 2] : vector<1x32x128xf32> to vector<1xf32>
    %reduce_max3A_91 = vector.shape_cast %reduce_max3A_90 : vector<1xf32> to vector<1x1x1xf32>
    %reduce_max3A_92 = vector.extract %reduce_max3A_91[0, 0, 0] : f32 from vector<1x1x1xf32>
    %sub3A_93 = arith.subf %reduce_max3A_92, %reduce_min3A_87 : f32
    %div3A_94 = arith.constant 4.000000e-01 : f32
    %div3A_95 = arith.divf %sub3A_93, %div3A_94 : f32
    %jit3A_96 = arith.constant 0.000000e+00 : f32
    %jit3A_97 = arith.constant 9.600000e+01 : f32
    %max3A_98 = arith.maximumf %jit3A_96, %div3A_95 : f32
    %min3A_99 = arith.minimumf %jit3A_97, %max3A_98 : f32
    %ceil3A_100 = math.ceil %min3A_99 : f32
    %add3A_101 = arith.addf %reduce_min3A_87, %reduce_max3A_92 : f32
    %div3A_102 = arith.constant 2.000000e+00 : f32
    %div3A_103 = arith.divf %add3A_101, %div3A_102 : f32
    %mul3A_104 = arith.constant 4.000000e-01 : f32
    %mul3A_105 = arith.mulf %ceil3A_100, %mul3A_104 : f32
    %div3A_106 = arith.constant 2.000000e+00 : f32
    %div3A_107 = arith.divf %mul3A_105, %div3A_106 : f32
    %sub3A_108 = arith.subf %div3A_103, %div3A_107 : f32
    %sub3A_109 = vector.broadcast %sub3A_108 : f32 to vector<32x128xf32>
    %sub3A_110 = arith.subf %get3A_13, %sub3A_109 : vector<32x128xf32>
    %div3A_111 = arith.constant 4.000000e-01 : f32
    %div3A_112 = vector.broadcast %div3A_111 : f32 to vector<32x128xf32>
    %div3A_113 = arith.divf %sub3A_110, %div3A_112 : vector<32x128xf32>
    %floor3A_114 = math.floor %div3A_113 : vector<32x128xf32>
    %sub3A_115 = arith.constant 1.000000e+00 : f32
    %sub3A_116 = arith.subf %ceil3A_100, %sub3A_115 : f32
    %jit3A_117 = arith.constant 0.000000e+00 : f32
    %max3A_118 = vector.broadcast %jit3A_117 : f32 to vector<32x128xf32>
    %max3A_119 = arith.maximumf %max3A_118, %floor3A_114 : vector<32x128xf32>
    %min3A_120 = vector.broadcast %sub3A_116 : f32 to vector<32x128xf32>
    %min3A_121 = arith.minimumf %min3A_120, %max3A_119 : vector<32x128xf32>
    %convert_element_type3A_122 = arith.fptosi %min3A_121 : vector<32x128xf32> to vector<32x128xi32>
    %convert_element_type3A_123 = arith.fptosi %ceil3A_100 : f32 to i32
    %mul3A_124 = vector.broadcast %convert_element_type3A_82 : i32 to vector<32x128xi32>
    %mul3A_125 = arith.muli %convert_element_type3A, %mul3A_124 : vector<32x128xi32>
    %add3A_126 = arith.addi %mul3A_125, %convert_element_type3A_81 : vector<32x128xi32>
    %mul3A_127 = vector.broadcast %convert_element_type3A_123 : i32 to vector<32x128xi32>
    %mul3A_128 = arith.muli %add3A_126, %mul3A_127 : vector<32x128xi32>
    %add3A_129 = arith.addi %mul3A_128, %convert_element_type3A_122 : vector<32x128xi32>
    %iota3A = tpu.iota {dimensions = array<i32: 0>} : vector<32x128xi32>
    %mul3A_130 = arith.constant 128 : i32
    %mul3A_131 = vector.broadcast %mul3A_130 : i32 to vector<32x128xi32>
    %mul3A_132 = arith.muli %iota3A, %mul3A_131 : vector<32x128xi32>
    %iota3A_133 = tpu.iota {dimensions = array<i32: 1>} : vector<32x128xi32>
    %add3A_134 = arith.addi %mul3A_132, %iota3A_133 : vector<32x128xi32>
    %mul3A_135 = arith.constant 4096 : i32
    %mul3A_136 = vector.broadcast %mul3A_135 : i32 to vector<32x128xi32>
    %mul3A_137 = arith.muli %add3A_129, %mul3A_136 : vector<32x128xi32>
    %add3A_138 = arith.addi %mul3A_137, %add3A_134 : vector<32x128xi32>
    %swap3A = arith.constant 0 : index
    %swap3A_139 = arith.constant 0 : index
    %swap3A_140 = arith.constant 0 : index
    %swap3A_141 = vector.load %arg3[%swap3A, %swap3A_139, %swap3A_140] : memref<2x32x128xi32, #tpu.memory_space<vmem>>, vector<1x32x128xi32>
    %swap3A_142 = vector.shape_cast %swap3A_141 : vector<1x32x128xi32> to vector<32x128xi32>
    %swap3A_143 = vector.shape_cast %add3A_138 : vector<32x128xi32> to vector<1x32x128xi32>
    tpu.vector_store %arg3[%swap3A, %swap3A_139, %swap3A_140], %swap3A_143 {strides = array<i32>} : memref<2x32x128xi32, #tpu.memory_space<vmem>>, vector<1x32x128xi32>,
    %get3A_144 = arith.constant 1 : index
    %get3A_145 = arith.constant 0 : index
    %get3A_146 = arith.constant 0 : index
    %get3A_147 = vector.load %arg0[%get3A_144, %get3A_145, %get3A_146] : memref<2x32x128xf32, #tpu.memory_space<vmem>>, vector<1x32x128xf32>
    %get3A_148 = vector.shape_cast %get3A_147 : vector<1x32x128xf32> to vector<32x128xf32>
    %get3A_149 = arith.constant 1 : index
    %get3A_150 = arith.constant 0 : index
    %get3A_151 = arith.constant 0 : index
    %get3A_152 = vector.load %arg1[%get3A_149, %get3A_150, %get3A_151] : memref<2x32x128xf32, #tpu.memory_space<vmem>>, vector<1x32x128xf32>
    %get3A_153 = vector.shape_cast %get3A_152 : vector<1x32x128xf32> to vector<32x128xf32>
    %get3A_154 = arith.constant 1 : index
    %get3A_155 = arith.constant 0 : index
    %get3A_156 = arith.constant 0 : index
    %get3A_157 = vector.load %arg2[%get3A_154, %get3A_155, %get3A_156] : memref<2x32x128xf32, #tpu.memory_space<vmem>>, vector<1x32x128xf32>
    %get3A_158 = vector.shape_cast %get3A_157 : vector<1x32x128xf32> to vector<32x128xf32>
    %reduce_min3A_159 = vector.shape_cast %get3A_148 : vector<32x128xf32> to vector<1x32x128xf32>
    %reduce_min3A_160 = arith.constant dense<0x7F800000> : vector<1xf32>
    %reduce_min3A_161 = vector.multi_reduction <minimumf>, %reduce_min3A_159, %reduce_min3A_160 [1, 2] : vector<1x32x128xf32> to vector<1xf32>
    %reduce_min3A_162 = vector.shape_cast %reduce_min3A_161 : vector<1xf32> to vector<1x1x1xf32>
    %reduce_min3A_163 = vector.extract %reduce_min3A_162[0, 0, 0] : f32 from vector<1x1x1xf32>
    %reduce_max3A_164 = vector.shape_cast %get3A_148 : vector<32x128xf32> to vector<1x32x128xf32>
    %reduce_max3A_165 = arith.constant dense<0xFF800000> : vector<1xf32>
    %reduce_max3A_166 = vector.multi_reduction <maximumf>, %reduce_max3A_164, %reduce_max3A_165 [1, 2] : vector<1x32x128xf32> to vector<1xf32>
    %reduce_max3A_167 = vector.shape_cast %reduce_max3A_166 : vector<1xf32> to vector<1x1x1xf32>
    %reduce_max3A_168 = vector.extract %reduce_max3A_167[0, 0, 0] : f32 from vector<1x1x1xf32>
    %sub3A_169 = arith.subf %reduce_max3A_168, %reduce_min3A_163 : f32
    %div3A_170 = arith.constant 4.000000e-01 : f32
    %div3A_171 = arith.divf %sub3A_169, %div3A_170 : f32
    %jit3A_172 = arith.constant 0.000000e+00 : f32
    %jit3A_173 = arith.constant 9.600000e+01 : f32
    %max3A_174 = arith.maximumf %jit3A_172, %div3A_171 : f32
    %min3A_175 = arith.minimumf %jit3A_173, %max3A_174 : f32
    %ceil3A_176 = math.ceil %min3A_175 : f32
    %add3A_177 = arith.addf %reduce_min3A_163, %reduce_max3A_168 : f32
    %div3A_178 = arith.constant 2.000000e+00 : f32
    %div3A_179 = arith.divf %add3A_177, %div3A_178 : f32
    %mul3A_180 = arith.constant 4.000000e-01 : f32
    %mul3A_181 = arith.mulf %ceil3A_176, %mul3A_180 : f32
    %div3A_182 = arith.constant 2.000000e+00 : f32
    %div3A_183 = arith.divf %mul3A_181, %div3A_182 : f32
    %sub3A_184 = arith.subf %div3A_179, %div3A_183 : f32
    %sub3A_185 = vector.broadcast %sub3A_184 : f32 to vector<32x128xf32>
    %sub3A_186 = arith.subf %get3A_148, %sub3A_185 : vector<32x128xf32>
    %div3A_187 = arith.constant 4.000000e-01 : f32
    %div3A_188 = vector.broadcast %div3A_187 : f32 to vector<32x128xf32>
    %div3A_189 = arith.divf %sub3A_186, %div3A_188 : vector<32x128xf32>
    %floor3A_190 = math.floor %div3A_189 : vector<32x128xf32>
    %sub3A_191 = arith.constant 1.000000e+00 : f32
    %sub3A_192 = arith.subf %ceil3A_176, %sub3A_191 : f32
    %jit3A_193 = arith.constant 0.000000e+00 : f32
    %max3A_194 = vector.broadcast %jit3A_193 : f32 to vector<32x128xf32>
    %max3A_195 = arith.maximumf %max3A_194, %floor3A_190 : vector<32x128xf32>
    %min3A_196 = vector.broadcast %sub3A_192 : f32 to vector<32x128xf32>
    %min3A_197 = arith.minimumf %min3A_196, %max3A_195 : vector<32x128xf32>
    %convert_element_type3A_198 = arith.fptosi %min3A_197 : vector<32x128xf32> to vector<32x128xi32>
    %reduce_min3A_199 = vector.shape_cast %get3A_153 : vector<32x128xf32> to vector<1x32x128xf32>
    %reduce_min3A_200 = arith.constant dense<0x7F800000> : vector<1xf32>
    %reduce_min3A_201 = vector.multi_reduction <minimumf>, %reduce_min3A_199, %reduce_min3A_200 [1, 2] : vector<1x32x128xf32> to vector<1xf32>
    %reduce_min3A_202 = vector.shape_cast %reduce_min3A_201 : vector<1xf32> to vector<1x1x1xf32>
    %reduce_min3A_203 = vector.extract %reduce_min3A_202[0, 0, 0] : f32 from vector<1x1x1xf32>
    %reduce_max3A_204 = vector.shape_cast %get3A_153 : vector<32x128xf32> to vector<1x32x128xf32>
    %reduce_max3A_205 = arith.constant dense<0xFF800000> : vector<1xf32>
    %reduce_max3A_206 = vector.multi_reduction <maximumf>, %reduce_max3A_204, %reduce_max3A_205 [1, 2] : vector<1x32x128xf32> to vector<1xf32>
    %reduce_max3A_207 = vector.shape_cast %reduce_max3A_206 : vector<1xf32> to vector<1x1x1xf32>
    %reduce_max3A_208 = vector.extract %reduce_max3A_207[0, 0, 0] : f32 from vector<1x1x1xf32>
    %sub3A_209 = arith.subf %reduce_max3A_208, %reduce_min3A_203 : f32
    %div3A_210 = arith.constant 4.000000e-01 : f32
    %div3A_211 = arith.divf %sub3A_209, %div3A_210 : f32
    %jit3A_212 = arith.constant 0.000000e+00 : f32
    %jit3A_213 = arith.constant 9.600000e+01 : f32
    %max3A_214 = arith.maximumf %jit3A_212, %div3A_211 : f32
    %min3A_215 = arith.minimumf %jit3A_213, %max3A_214 : f32
    %ceil3A_216 = math.ceil %min3A_215 : f32
    %add3A_217 = arith.addf %reduce_min3A_203, %reduce_max3A_208 : f32
    %div3A_218 = arith.constant 2.000000e+00 : f32
    %div3A_219 = arith.divf %add3A_217, %div3A_218 : f32
    %mul3A_220 = arith.constant 4.000000e-01 : f32
    %mul3A_221 = arith.mulf %ceil3A_216, %mul3A_220 : f32
    %div3A_222 = arith.constant 2.000000e+00 : f32
    %div3A_223 = arith.divf %mul3A_221, %div3A_222 : f32
    %sub3A_224 = arith.subf %div3A_219, %div3A_223 : f32
    %sub3A_225 = vector.broadcast %sub3A_224 : f32 to vector<32x128xf32>
    %sub3A_226 = arith.subf %get3A_153, %sub3A_225 : vector<32x128xf32>
    %div3A_227 = arith.constant 4.000000e-01 : f32
    %div3A_228 = vector.broadcast %div3A_227 : f32 to vector<32x128xf32>
    %div3A_229 = arith.divf %sub3A_226, %div3A_228 : vector<32x128xf32>
    %floor3A_230 = math.floor %div3A_229 : vector<32x128xf32>
    %sub3A_231 = arith.constant 1.000000e+00 : f32
    %sub3A_232 = arith.subf %ceil3A_216, %sub3A_231 : f32
    %jit3A_233 = arith.constant 0.000000e+00 : f32
    %max3A_234 = vector.broadcast %jit3A_233 : f32 to vector<32x128xf32>
    %max3A_235 = arith.maximumf %max3A_234, %floor3A_230 : vector<32x128xf32>
    %min3A_236 = vector.broadcast %sub3A_232 : f32 to vector<32x128xf32>
    %min3A_237 = arith.minimumf %min3A_236, %max3A_235 : vector<32x128xf32>
    %convert_element_type3A_238 = arith.fptosi %min3A_237 : vector<32x128xf32> to vector<32x128xi32>
    %convert_element_type3A_239 = arith.fptosi %ceil3A_216 : f32 to i32
    %reduce_min3A_240 = vector.shape_cast %get3A_158 : vector<32x128xf32> to vector<1x32x128xf32>
    %reduce_min3A_241 = arith.constant dense<0x7F800000> : vector<1xf32>
    %reduce_min3A_242 = vector.multi_reduction <minimumf>, %reduce_min3A_240, %reduce_min3A_241 [1, 2] : vector<1x32x128xf32> to vector<1xf32>
    %reduce_min3A_243 = vector.shape_cast %reduce_min3A_242 : vector<1xf32> to vector<1x1x1xf32>
    %reduce_min3A_244 = vector.extract %reduce_min3A_243[0, 0, 0] : f32 from vector<1x1x1xf32>
    %reduce_max3A_245 = vector.shape_cast %get3A_158 : vector<32x128xf32> to vector<1x32x128xf32>
    %reduce_max3A_246 = arith.constant dense<0xFF800000> : vector<1xf32>
    %reduce_max3A_247 = vector.multi_reduction <maximumf>, %reduce_max3A_245, %reduce_max3A_246 [1, 2] : vector<1x32x128xf32> to vector<1xf32>
    %reduce_max3A_248 = vector.shape_cast %reduce_max3A_247 : vector<1xf32> to vector<1x1x1xf32>
    %reduce_max3A_249 = vector.extract %reduce_max3A_248[0, 0, 0] : f32 from vector<1x1x1xf32>
    %sub3A_250 = arith.subf %reduce_max3A_249, %reduce_min3A_244 : f32
    %div3A_251 = arith.constant 4.000000e-01 : f32
    %div3A_252 = arith.divf %sub3A_250, %div3A_251 : f32
    %jit3A_253 = arith.constant 0.000000e+00 : f32
    %jit3A_254 = arith.constant 9.600000e+01 : f32
    %max3A_255 = arith.maximumf %jit3A_253, %div3A_252 : f32
    %min3A_256 = arith.minimumf %jit3A_254, %max3A_255 : f32
    %ceil3A_257 = math.ceil %min3A_256 : f32
    %add3A_258 = arith.addf %reduce_min3A_244, %reduce_max3A_249 : f32
    %div3A_259 = arith.constant 2.000000e+00 : f32
    %div3A_260 = arith.divf %add3A_258, %div3A_259 : f32
    %mul3A_261 = arith.constant 4.000000e-01 : f32
    %mul3A_262 = arith.mulf %ceil3A_257, %mul3A_261 : f32
    %div3A_263 = arith.constant 2.000000e+00 : f32
    %div3A_264 = arith.divf %mul3A_262, %div3A_263 : f32
    %sub3A_265 = arith.subf %div3A_260, %div3A_264 : f32
    %sub3A_266 = vector.broadcast %sub3A_265 : f32 to vector<32x128xf32>
    %sub3A_267 = arith.subf %get3A_158, %sub3A_266 : vector<32x128xf32>
    %div3A_268 = arith.constant 4.000000e-01 : f32
    %div3A_269 = vector.broadcast %div3A_268 : f32 to vector<32x128xf32>
    %div3A_270 = arith.divf %sub3A_267, %div3A_269 : vector<32x128xf32>
    %floor3A_271 = math.floor %div3A_270 : vector<32x128xf32>
    %sub3A_272 = arith.constant 1.000000e+00 : f32
    %sub3A_273 = arith.subf %ceil3A_257, %sub3A_272 : f32
    %jit3A_274 = arith.constant 0.000000e+00 : f32
    %max3A_275 = vector.broadcast %jit3A_274 : f32 to vector<32x128xf32>
    %max3A_276 = arith.maximumf %max3A_275, %floor3A_271 : vector<32x128xf32>
    %min3A_277 = vector.broadcast %sub3A_273 : f32 to vector<32x128xf32>
    %min3A_278 = arith.minimumf %min3A_277, %max3A_276 : vector<32x128xf32>
    %convert_element_type3A_279 = arith.fptosi %min3A_278 : vector<32x128xf32> to vector<32x128xi32>
    %convert_element_type3A_280 = arith.fptosi %ceil3A_257 : f32 to i32
    %mul3A_281 = vector.broadcast %convert_element_type3A_239 : i32 to vector<32x128xi32>
    %mul3A_282 = arith.muli %convert_element_type3A_198, %mul3A_281 : vector<32x128xi32>
    %add3A_283 = arith.addi %mul3A_282, %convert_element_type3A_238 : vector<32x128xi32>
    %mul3A_284 = vector.broadcast %convert_element_type3A_280 : i32 to vector<32x128xi32>
    %mul3A_285 = arith.muli %add3A_283, %mul3A_284 : vector<32x128xi32>
    %add3A_286 = arith.addi %mul3A_285, %convert_element_type3A_279 : vector<32x128xi32>
    %iota3A_287 = tpu.iota {dimensions = array<i32: 0>} : vector<32x128xi32>
    %mul3A_288 = arith.constant 128 : i32
    %mul3A_289 = vector.broadcast %mul3A_288 : i32 to vector<32x128xi32>
    %mul3A_290 = arith.muli %iota3A_287, %mul3A_289 : vector<32x128xi32>
    %iota3A_291 = tpu.iota {dimensions = array<i32: 1>} : vector<32x128xi32>
    %add3A_292 = arith.addi %mul3A_290, %iota3A_291 : vector<32x128xi32>
    %mul3A_293 = arith.constant 4096 : i32
    %mul3A_294 = vector.broadcast %mul3A_293 : i32 to vector<32x128xi32>
    %mul3A_295 = arith.muli %add3A_286, %mul3A_294 : vector<32x128xi32>
    %add3A_296 = arith.addi %mul3A_295, %add3A_292 : vector<32x128xi32>
    %swap3A_297 = arith.constant 1 : index
    %swap3A_298 = arith.constant 0 : index
    %swap3A_299 = arith.constant 0 : index
    %swap3A_300 = vector.load %arg3[%swap3A_297, %swap3A_298, %swap3A_299] : memref<2x32x128xi32, #tpu.memory_space<vmem>>, vector<1x32x128xi32>
    %swap3A_301 = vector.shape_cast %swap3A_300 : vector<1x32x128xi32> to vector<32x128xi32>
    %swap3A_302 = vector.shape_cast %add3A_296 : vector<32x128xi32> to vector<1x32x128xi32>
    tpu.vector_store %arg3[%swap3A_297, %swap3A_298, %swap3A_299], %swap3A_302 {strides = array<i32>} : memref<2x32x128xi32, #tpu.memory_space<vmem>>, vector<1x32x128xi32>,
    return
  }
}

module attributes {stable_mosaic.version = 14 : i64} {
  func.func @_rank_body(%arg0: i32, %arg1: i32, %arg2: memref<128x1xi32, #tpu.memory_space<vmem>>, %arg3: memref<1x1x4096xi32, #tpu.memory_space<vmem>>, %arg4: memref<4096x1xf32, #tpu.memory_space<vmem>>, %arg5: memref<128x1xi32, #tpu.memory_space<vmem>>) attributes {dimension_semantics = [#tpu.dimension_semantics<arbitrary>, #tpu.dimension_semantics<arbitrary>], iteration_bounds = array<i64: 2, 32>, scalar_prefetch = 0 : i64, scratch_operands = 0 : i64, tpu.core_type = #tpu.core_type<tc>, window_params = [{transform_indices = @transform_0, window_bounds = array<i64: 128, 1>}, {transform_indices = @transform_1, window_bounds = array<i64: 1, 1, 4096>}, {pipeline_mode = #tpu.pipeline_mode<synchronous>, transform_indices = @transform_2, window_bounds = array<i64: 4096, 1>}, {transform_indices = @transform_3, window_bounds = array<i64: 128, 1>}]} {
    %get3A = arith.constant 0 : index
    %get3A_0 = arith.constant 0 : index
    %get3A_1 = vector.load %arg2[%get3A, %get3A_0] : memref<128x1xi32, #tpu.memory_space<vmem>>, vector<128x1xi32>
    %xor3A = arith.constant -2147483648 : i32
    %xor3A_2 = vector.broadcast %xor3A : i32 to vector<128x1xi32>
    %xor3A_3 = arith.xori %get3A_1, %xor3A_2 : vector<128x1xi32>
    %get3A_4 = arith.constant 0 : index
    %get3A_5 = arith.constant 0 : index
    %get3A_6 = arith.constant 0 : index
    %get3A_7 = vector.load %arg3[%get3A_4, %get3A_5, %get3A_6] : memref<1x1x4096xi32, #tpu.memory_space<vmem>>, vector<1x1x4096xi32>
    %get3A_8 = vector.shape_cast %get3A_7 : vector<1x1x4096xi32> to vector<1x4096xi32>
    %xor3A_9 = arith.constant -2147483648 : i32
    %xor3A_10 = vector.broadcast %xor3A_9 : i32 to vector<1x4096xi32>
    %xor3A_11 = arith.xori %get3A_8, %xor3A_10 : vector<1x4096xi32>
    %lt3A = vector.broadcast %xor3A_11 : vector<1x4096xi32> to vector<128x4096xi32>
    %lt3A_12 = vector.broadcast %xor3A_3 : vector<128x1xi32> to vector<128x4096xi32>
    %lt3A_13 = arith.cmpi slt, %lt3A, %lt3A_12 : vector<128x4096xi32>
    %jit3A = arith.constant 1.000000e+00 : f32
    %jit3A_14 = arith.constant 0.000000e+00 : f32
    %broadcast_in_dim3A = vector.broadcast %jit3A : f32 to vector<128x4096xf32>
    %broadcast_in_dim3A_15 = vector.broadcast %jit3A_14 : f32 to vector<128x4096xf32>
    %select_n3A = arith.select %lt3A_13, %broadcast_in_dim3A, %broadcast_in_dim3A_15 : vector<128x4096xi1>, vector<128x4096xf32>
    %get3A_16 = arith.constant 0 : index
    %get3A_17 = arith.constant 0 : index
    %get3A_18 = vector.load %arg4[%get3A_16, %get3A_17] : memref<4096x1xf32, #tpu.memory_space<vmem>>, vector<4096x1xf32>
    %dot_general3A = arith.constant dense<0.000000e+00> : vector<128x1xf32>
    %dot_general3A_19 = tpu.matmul %select_n3A, %get3A_18, %dot_general3A {dimension_numbers = #tpu.dot_dimension_numbers<[1], [0], [0], [1], [0, 0, 1, 1], [], []>, transpose_lhs_hint = false} : vector<128x4096xf32>, vector<4096x1xf32>, vector<128x1xf32> -> vector<128x1xf32>
    %convert_element_type3A = arith.fptosi %dot_general3A_19 : vector<128x1xf32> to vector<128x1xi32>
    %swap3A = arith.constant 0 : index
    %swap3A_20 = arith.constant 0 : index
    %swap3A_21 = vector.load %arg5[%swap3A, %swap3A_20] : memref<128x1xi32, #tpu.memory_space<vmem>>, vector<128x1xi32>
    tpu.vector_store %arg5[%swap3A, %swap3A_20], %convert_element_type3A {strides = array<i32>} : memref<128x1xi32, #tpu.memory_space<vmem>>, vector<128x1xi32>,
    return
  }
  func.func @transform_0(%arg0: i32, %arg1: i32) -> (i32, i32) {
    %mul3A = arith.constant 32 : i32
    %mul3A_0 = arith.muli %arg0, %mul3A : i32
    %add3A = arith.addi %mul3A_0, %arg1 : i32
    %c0_i32 = arith.constant 0 : i32
    %c0_i32_1 = arith.constant 0 : i32
    return %add3A, %c0_i32 : i32, i32
  }
  func.func @transform_1(%arg0: i32, %arg1: i32) -> (i32, i32, i32) {
    %c0_i32 = arith.constant 0 : i32
    %c0_i32_0 = arith.constant 0 : i32
    %c0_i32_1 = arith.constant 0 : i32
    return %arg0, %c0_i32, %c0_i32_0 : i32, i32, i32
  }
  func.func @transform_2(%arg0: i32, %arg1: i32) -> (i32, i32) {
    %c0_i32 = arith.constant 0 : i32
    %c0_i32_0 = arith.constant 0 : i32
    %c0_i32_1 = arith.constant 0 : i32
    return %c0_i32, %c0_i32_0 : i32, i32
  }
  func.func @transform_3(%arg0: i32, %arg1: i32) -> (i32, i32) {
    %mul3A = arith.constant 32 : i32
    %mul3A_0 = arith.muli %arg0, %mul3A : i32
    %add3A = arith.addi %mul3A_0, %arg1 : i32
    %c0_i32 = arith.constant 0 : i32
    %c0_i32_1 = arith.constant 0 : i32
    return %add3A, %c0_i32 : i32, i32
  }
}

module attributes {stable_mosaic.version = 14 : i64} {
  func.func @_mask_body(%arg0: i32, %arg1: i32, %arg2: memref<1x128x3xf32, #tpu.memory_space<vmem>>, %arg3: memref<1x3x4096xf32, #tpu.memory_space<vmem>>, %arg4: memref<4096x256xf32, #tpu.memory_space<vmem>>, %arg5: memref<256x16xf32, #tpu.memory_space<vmem>>, %arg6: memref<1x128x256xi32, #tpu.memory_space<vmem>>, %arg7: memref<128x16xi32, #tpu.memory_space<vmem>>) attributes {dimension_semantics = [#tpu.dimension_semantics<arbitrary>, #tpu.dimension_semantics<arbitrary>], iteration_bounds = array<i64: 2, 32>, scalar_prefetch = 0 : i64, scratch_operands = 0 : i64, tpu.core_type = #tpu.core_type<tc>, window_params = [{transform_indices = @transform_0, window_bounds = array<i64: 1, 128, 3>}, {transform_indices = @transform_1, window_bounds = array<i64: 1, 3, 4096>}, {pipeline_mode = #tpu.pipeline_mode<synchronous>, transform_indices = @transform_2, window_bounds = array<i64: 4096, 256>}, {pipeline_mode = #tpu.pipeline_mode<synchronous>, transform_indices = @transform_3, window_bounds = array<i64: 256, 16>}, {transform_indices = @transform_4, window_bounds = array<i64: 1, 128, 256>}, {transform_indices = @transform_5, window_bounds = array<i64: 128, 16>}]} {
    %get3A = arith.constant 0 : index
    %get3A_0 = arith.constant 0 : index
    %get3A_1 = arith.constant 0 : index
    %get3A_2 = vector.load %arg2[%get3A, %get3A_0, %get3A_1] : memref<1x128x3xf32, #tpu.memory_space<vmem>>, vector<1x128x3xf32>
    %get3A_3 = vector.shape_cast %get3A_2 : vector<1x128x3xf32> to vector<128x3xf32>
    %get3A_4 = arith.constant 0 : index
    %get3A_5 = arith.constant 0 : index
    %get3A_6 = arith.constant 0 : index
    %get3A_7 = vector.load %arg3[%get3A_4, %get3A_5, %get3A_6] : memref<1x3x4096xf32, #tpu.memory_space<vmem>>, vector<1x3x4096xf32>
    %get3A_8 = vector.shape_cast %get3A_7 : vector<1x3x4096xf32> to vector<3x4096xf32>
    %slice3A = vector.extract_strided_slice %get3A_3 {offsets = [0, 0], sizes = [128, 1], strides = [1, 1]} : vector<128x3xf32> to vector<128x1xf32>
    %slice3A_9 = vector.extract_strided_slice %get3A_3 {offsets = [0, 1], sizes = [128, 1], strides = [1, 1]} : vector<128x3xf32> to vector<128x1xf32>
    %slice3A_10 = vector.extract_strided_slice %get3A_3 {offsets = [0, 2], sizes = [128, 1], strides = [1, 1]} : vector<128x3xf32> to vector<128x1xf32>
    %mul3A = arith.mulf %slice3A, %slice3A : vector<128x1xf32>
    %mul3A_11 = arith.mulf %slice3A_9, %slice3A_9 : vector<128x1xf32>
    %add3A = arith.addf %mul3A, %mul3A_11 : vector<128x1xf32>
    %mul3A_12 = arith.mulf %slice3A_10, %slice3A_10 : vector<128x1xf32>
    %add3A_13 = arith.addf %add3A, %mul3A_12 : vector<128x1xf32>
    %slice3A_14 = vector.extract_strided_slice %get3A_8 {offsets = [0, 0], sizes = [1, 4096], strides = [1, 1]} : vector<3x4096xf32> to vector<1x4096xf32>
    %slice3A_15 = vector.extract_strided_slice %get3A_8 {offsets = [1, 0], sizes = [1, 4096], strides = [1, 1]} : vector<3x4096xf32> to vector<1x4096xf32>
    %slice3A_16 = vector.extract_strided_slice %get3A_8 {offsets = [2, 0], sizes = [1, 4096], strides = [1, 1]} : vector<3x4096xf32> to vector<1x4096xf32>
    %mul3A_17 = arith.mulf %slice3A_14, %slice3A_14 : vector<1x4096xf32>
    %mul3A_18 = arith.mulf %slice3A_15, %slice3A_15 : vector<1x4096xf32>
    %add3A_19 = arith.addf %mul3A_17, %mul3A_18 : vector<1x4096xf32>
    %mul3A_20 = arith.mulf %slice3A_16, %slice3A_16 : vector<1x4096xf32>
    %add3A_21 = arith.addf %add3A_19, %mul3A_20 : vector<1x4096xf32>
    %dot_general3A = arith.constant dense<0.000000e+00> : vector<128x4096xf32>
    %dot_general3A_22 = tpu.matmul %get3A_3, %get3A_8, %dot_general3A {dimension_numbers = #tpu.dot_dimension_numbers<[1], [0], [0], [1], [0, 0, 1, 1], [], []>, transpose_lhs_hint = false} : vector<128x3xf32>, vector<3x4096xf32>, vector<128x4096xf32> -> vector<128x4096xf32>
    %add3A_23 = vector.broadcast %add3A_13 : vector<128x1xf32> to vector<128x4096xf32>
    %add3A_24 = vector.broadcast %add3A_21 : vector<1x4096xf32> to vector<128x4096xf32>
    %add3A_25 = arith.addf %add3A_23, %add3A_24 : vector<128x4096xf32>
    %mul3A_26 = arith.constant 2.000000e+00 : f32
    %mul3A_27 = vector.broadcast %mul3A_26 : f32 to vector<128x4096xf32>
    %mul3A_28 = arith.mulf %mul3A_27, %dot_general3A_22 : vector<128x4096xf32>
    %sub3A = arith.subf %add3A_25, %mul3A_28 : vector<128x4096xf32>
    %le3A = arith.constant 1.600000e-01 : f32
    %le3A_29 = vector.broadcast %le3A : f32 to vector<128x4096xf32>
    %le3A_30 = arith.cmpf ole, %sub3A, %le3A_29 : vector<128x4096xf32>
    %jit3A = arith.constant 1.000000e+00 : f32
    %jit3A_31 = arith.constant 0.000000e+00 : f32
    %broadcast_in_dim3A = vector.broadcast %jit3A : f32 to vector<128x4096xf32>
    %broadcast_in_dim3A_32 = vector.broadcast %jit3A_31 : f32 to vector<128x4096xf32>
    %select_n3A = arith.select %le3A_30, %broadcast_in_dim3A, %broadcast_in_dim3A_32 : vector<128x4096xi1>, vector<128x4096xf32>
    %get3A_33 = arith.constant 0 : index
    %get3A_34 = arith.constant 0 : index
    %get3A_35 = vector.load %arg4[%get3A_33, %get3A_34] : memref<4096x256xf32, #tpu.memory_space<vmem>>, vector<4096x256xf32>
    %dot_general3A_36 = arith.constant dense<0.000000e+00> : vector<128x256xf32>
    %dot_general3A_37 = tpu.matmul %select_n3A, %get3A_35, %dot_general3A_36 {dimension_numbers = #tpu.dot_dimension_numbers<[1], [0], [0], [1], [0, 0, 1, 1], [], []>, transpose_lhs_hint = false} : vector<128x4096xf32>, vector<4096x256xf32>, vector<128x256xf32> -> vector<128x256xf32>
    %convert_element_type3A = arith.fptosi %dot_general3A_37 : vector<128x256xf32> to vector<128x256xi32>
    %swap3A = arith.constant 0 : index
    %swap3A_38 = arith.constant 0 : index
    %swap3A_39 = arith.constant 0 : index
    %swap3A_40 = vector.load %arg6[%swap3A, %swap3A_38, %swap3A_39] : memref<1x128x256xi32, #tpu.memory_space<vmem>>, vector<1x128x256xi32>
    %swap3A_41 = vector.shape_cast %swap3A_40 : vector<1x128x256xi32> to vector<128x256xi32>
    %swap3A_42 = vector.shape_cast %convert_element_type3A : vector<128x256xi32> to vector<1x128x256xi32>
    tpu.vector_store %arg6[%swap3A, %swap3A_38, %swap3A_39], %swap3A_42 {strides = array<i32>} : memref<1x128x256xi32, #tpu.memory_space<vmem>>, vector<1x128x256xi32>,
    %ne3A = arith.constant 0.000000e+00 : f32
    %ne3A_43 = vector.broadcast %ne3A : f32 to vector<128x256xf32>
    %ne3A_44 = arith.cmpf one, %dot_general3A_37, %ne3A_43 : vector<128x256xf32>
    %jit3A_45 = arith.constant 1.000000e+00 : f32
    %jit3A_46 = arith.constant 0.000000e+00 : f32
    %broadcast_in_dim3A_47 = vector.broadcast %jit3A_45 : f32 to vector<128x256xf32>
    %broadcast_in_dim3A_48 = vector.broadcast %jit3A_46 : f32 to vector<128x256xf32>
    %select_n3A_49 = arith.select %ne3A_44, %broadcast_in_dim3A_47, %broadcast_in_dim3A_48 : vector<128x256xi1>, vector<128x256xf32>
    %get3A_50 = arith.constant 0 : index
    %get3A_51 = arith.constant 0 : index
    %get3A_52 = vector.load %arg5[%get3A_50, %get3A_51] : memref<256x16xf32, #tpu.memory_space<vmem>>, vector<256x16xf32>
    %dot_general3A_53 = arith.constant dense<0.000000e+00> : vector<128x16xf32>
    %dot_general3A_54 = tpu.matmul %select_n3A_49, %get3A_52, %dot_general3A_53 {dimension_numbers = #tpu.dot_dimension_numbers<[1], [0], [0], [1], [0, 0, 1, 1], [], []>, transpose_lhs_hint = false} : vector<128x256xf32>, vector<256x16xf32>, vector<128x16xf32> -> vector<128x16xf32>
    %convert_element_type3A_55 = arith.fptosi %dot_general3A_54 : vector<128x16xf32> to vector<128x16xi32>
    %swap3A_56 = arith.constant 0 : index
    %swap3A_57 = arith.constant 0 : index
    %swap3A_58 = vector.load %arg7[%swap3A_56, %swap3A_57] : memref<128x16xi32, #tpu.memory_space<vmem>>, vector<128x16xi32>
    tpu.vector_store %arg7[%swap3A_56, %swap3A_57], %convert_element_type3A_55 {strides = array<i32>} : memref<128x16xi32, #tpu.memory_space<vmem>>, vector<128x16xi32>,
    return
  }
  func.func @transform_0(%arg0: i32, %arg1: i32) -> (i32, i32, i32) {
    %c0_i32 = arith.constant 0 : i32
    %c0_i32_0 = arith.constant 0 : i32
    return %arg0, %arg1, %c0_i32 : i32, i32, i32
  }
  func.func @transform_1(%arg0: i32, %arg1: i32) -> (i32, i32, i32) {
    %c0_i32 = arith.constant 0 : i32
    %c0_i32_0 = arith.constant 0 : i32
    %c0_i32_1 = arith.constant 0 : i32
    return %arg0, %c0_i32, %c0_i32_0 : i32, i32, i32
  }
  func.func @transform_2(%arg0: i32, %arg1: i32) -> (i32, i32) {
    %c0_i32 = arith.constant 0 : i32
    %c0_i32_0 = arith.constant 0 : i32
    %c0_i32_1 = arith.constant 0 : i32
    return %c0_i32, %c0_i32_0 : i32, i32
  }
  func.func @transform_3(%arg0: i32, %arg1: i32) -> (i32, i32) {
    %c0_i32 = arith.constant 0 : i32
    %c0_i32_0 = arith.constant 0 : i32
    %c0_i32_1 = arith.constant 0 : i32
    return %c0_i32, %c0_i32_0 : i32, i32
  }
  func.func @transform_4(%arg0: i32, %arg1: i32) -> (i32, i32, i32) {
    %c0_i32 = arith.constant 0 : i32
    %c0_i32_0 = arith.constant 0 : i32
    return %arg0, %arg1, %c0_i32 : i32, i32, i32
  }
  func.func @transform_5(%arg0: i32, %arg1: i32) -> (i32, i32) {
    %mul3A = arith.constant 32 : i32
    %mul3A_0 = arith.muli %arg0, %mul3A : i32
    %add3A = arith.addi %mul3A_0, %arg1 : i32
    %c0_i32 = arith.constant 0 : i32
    %c0_i32_1 = arith.constant 0 : i32
    return %add3A, %c0_i32 : i32, i32
  }
}

</mosaic_0001>

<sc_bundles>
// kernel: kernel.10.cloned.1.call-start
scs
__scs_entry_jumppad:
0x0: {  	(pc) =	sbr.rel $0x88, $3  }
0x1: {  	(tag) =	ssettag $0x0;
	lr =	simm.s32 $0x1  }
0x2: {  	[smem:$0x3FA0] =	sst lr;
	_ =	strace $0xD0000000  }
0x3: {  	_ = 	snop  }
0x4: {  	_ = 	snop  }
0x5: {  	_ = 	snop  }
0x6: {  	_ = 	snop  }
0x7: {  	_ = 	snop  }
__scs_overlays_trampoline_lowered:
0x8: {  	[smem:$0x3FAF] =	sst s0  }
0x9: {  	[smem:$0x3FB0] =	sst s1  }
0xa: {  	[smem:$0x3FB1] =	sst s2  }
0xb: {  	[smem:$0x3FB2] =	sst s3  }
0xc: {  	[smem:$0x3FB3] =	sst s4  }
0xd: {  	[smem:$0x3FB4] =	sst s5  }
0xe: {  	[smem:$0x3FB5] =	sst s6  }
0xf: {  	[smem:$0x3FB6] =	sst s7  }
0x10: {  	[smem:$0x3FB7] =	sst s8  }
0x11: {  	[smem:$0x3FB8] =	sst s9;
	s0 =	simm.s32 @!p0 $0x0  }
0x12: {  	s1 =	sld [smem:$0x3F9E];
	s0 =	simm.s32 @p0 $0x1  }
0x13: {  	[smem:$0x3FB9] =	sst s0;
	s0 =	simm.s32 @!p1 $0x0  }
0x14: {  	s2 =	sld [smem:$0x3F9D];
	s0 =	simm.s32 @p1 $0x1  }
0x15: {  	[smem:$0x3FBA] =	sst s0;
	s0 =	simm.s32 @!p2 $0x0  }
0x16: {  	s3 =	sld [smem:$0x3FDB];
	s0 =	simm.s32 @p2 $0x1  }
0x17: {  	s4 =	simm.s32 $0x1BF5;
	[smem:$0x3FBC] =	sst s0  }
0x18: {  	s0 =	sld [smem:$0x3F9F];
	_ =	swait.ge [sflag:s4], $0x0  }
0x19: {  	s7 =	sld [smem:$0x3FA0]  }
0x1a: {  	s8 =	sadd.s32 $0xFFFFE003, lr  }
0x1b: {  	s9 =	sadd.s32 $0xFFFFFEF7, lr;
	s5 =	simm.s32 $0xFFFFFFFF;
	p2 =	slt.u32 s8, $0xFFFFF086  }
0x1c: {  	p1 =	slt.u32 s9, $0xF7A;
	s5 =	simm.s32 @!p2 $0x0  }
0x1d: {  	s5 =	simm.s32 @p1 $0x1;
	p0 =	seq.s32 s7, s2  }
0x1e: {  	s7 =	smul.u32 @!p0 $0xF7A, s2;
	p2 =	seq.s32 @!p0 s5, $0x0  }
0x1f: {  	s9 =	smul.u32 $0xF7A, s1;
	s8 =	simm.s32 @!p0 $0x1BF5;
	p2 =	por !p2, p0  }
0x20: {  	[sflag:s8] =	ssyncset.s32 @!p0 $0xFFFFF086;
	s6 =	sadd.s32 @!p0 s3, s7;
	s7 =	simm.s32 @!p0 $0x108  }
0x21: {  	s3 =	sadd.s32 s3, s9;
	s6 =	sadd.s32 @!p0 $0x88, s6;
	s7 =	simm.s32 @p2 $0x1082  }
0x22: {  	[simem:s7], [sflag:s8] =	dma.local @!p0 [hbm:s6], $0xF7A  }
0x23: {  	s9 =	sor.u32 $0xD0000000, s2;
	s6 =	simm.s32 $0x108;
	_ =	swait.ge @!p0 [sflag:s8], $0x0  }
0x24: {  	s3 =	sadd.s32 $0x88, s3;
	s6 =	simm.s32 @!p1 $0x1082;
	[sflag:s4] =	ssyncset.s32 $0xFFFFF086  }
0x25: {  	[simem:s6], [sflag:s4] =	dma.local [hbm:s3], $0xF7A  }
0x26: {  	[smem:$0x3FA0] =	sst s1;
	(tag) =	ssettag s2;
	_ =	strace s9  }
0x27: {  	s1 =	sld [smem:$0x3FB0]  }
0x28: {  	s2 =	sld [smem:$0x3FB1]  }
0x29: {  	s4 =	sld [smem:$0x3FB3]  }
0x2a: {  	p0 =	seq.s32 s5, $0x0;
	s5 =	sld [smem:$0x3FB4]  }
0x2b: {  	s6 =	sld [smem:$0x3FB5]  }
0x2c: {  	s7 =	sld [smem:$0x3FB6]  }
0x2d: {  	s3 =	simm.s32 $0x108;
	s8 =	sld [smem:$0x3FB7]  }
0x2e: {  	s3 =	simm.s32 @!p0 $0x1082;
	s9 =	sld [smem:$0x3FB8]  }
0x2f: {  	lr =	sadd.s32 s0, s3;
	s0 =	sld [smem:$0x3FAF]  }
0x30: {  	s3 =	sld [smem:$0x3FB2]  }
0x31: {  	[smem:$0x3FBB] =	sst s10  }
0x32: {  	s10 =	sld [smem:$0x3FB9];
	_ =	sdelay $0x3  }
0x33: {  	p0 =	seq.s32 s10, $0x1;
	s10 =	sld [smem:$0x3FBB];
	_ =	sdelay $0x3  }
0x34: {  	[smem:$0x3FBB] =	sst s10  }
0x35: {  	s10 =	sld [smem:$0x3FBA];
	_ =	sdelay $0x3  }
0x36: {  	p1 =	seq.s32 s10, $0x1;
	s10 =	sld [smem:$0x3FBB];
	_ =	sdelay $0x3  }
0x37: {  	[smem:$0x3FBB] =	sst s10  }
0x38: {  	s10 =	sld [smem:$0x3FBC]  }
0x39: {  	_ = 	snop;
	(pc) =	sbr.ind lr, $3  }
0x3a: {  	_ = 	snop  }
0x3b: {  	_ = 	snop  }
0x3c: {  	p2 =	seq.s32 s10, $0x1;
	s10 =	sld [smem:$0x3FBB]  }
0x3d: {  	_ =	shalt  }
0x3e: {  	_ =	shalt  }
0x3f: {  	_ =	shalt  }
0x40: {  	_ =	shalt  }
0x41: {  	_ =	shalt  }
0x42: {  	_ =	shalt  }
0x43: {  	_ =	shalt  }
0x44: {  	_ =	shalt  }
0x45: {  	_ =	shalt  }
0x46: {  	_ =	shalt  }
0x47: {  	_ =	shalt  }
0x48: {  	_ =	shalt  }
0x49: {  	_ =	shalt  }
0x4a: {  	_ =	shalt  }
0x4b: {  	_ =	shalt  }
0x4c: {  	_ =	shalt  }
0x4d: {  	_ =	shalt  }
0x4e: {  	_ =	shalt  }
0x4f: {  	_ =	shalt  }
0x50: {  	_ =	shalt  }
0x51: {  	_ =	shalt  }
0x52: {  	_ =	shalt  }
0x53: {  	_ =	shalt  }
0x54: {  	_ =	shalt  }
0x55: {  	_ =	shalt  }
0x56: {  	_ =	shalt  }
0x57: {  	_ =	shalt  }
0x58: {  	_ =	shalt  }
0x59: {  	_ =	shalt  }
0x5a: {  	_ =	shalt  }
0x5b: {  	_ =	shalt  }
0x5c: {  	_ =	shalt  }
0x5d: {  	_ =	shalt  }
0x5e: {  	_ =	shalt  }
0x5f: {  	_ =	shalt  }
0x60: {  	_ =	shalt  }
0x61: {  	_ =	shalt  }
0x62: {  	_ =	shalt  }
0x63: {  	_ =	shalt  }
0x64: {  	_ =	shalt  }
0x65: {  	_ =	shalt  }
0x66: {  	_ =	shalt  }
0x67: {  	_ =	shalt  }
0x68: {  	_ =	shalt  }
0x69: {  	_ =	shalt  }
0x6a: {  	_ =	shalt  }
0x6b: {  	_ =	shalt  }
0x6c: {  	_ =	shalt  }
0x6d: {  	_ =	shalt  }
0x6e: {  	_ =	shalt  }
0x6f: {  	_ =	shalt  }
0x70: {  	_ =	shalt  }
0x71: {  	_ =	shalt  }
0x72: {  	_ =	shalt  }
0x73: {  	_ =	shalt  }
0x74: {  	_ =	shalt  }
0x75: {  	_ =	shalt  }
0x76: {  	_ =	shalt  }
0x77: {  	_ =	shalt  }
0x78: {  	_ =	shalt  }
0x79: {  	_ =	shalt  }
0x7a: {  	_ =	shalt  }
0x7b: {  	_ =	shalt  }
0x7c: {  	_ =	shalt  }
0x7d: {  	_ =	shalt  }
0x7e: {  	_ =	shalt  }
0x7f: {  	_ =	shalt  }
0x80: {  	_ =	shalt  }
0x81: {  	_ =	shalt  }
0x82: {  	_ =	shalt  }
0x83: {  	_ =	shalt  }
0x84: {  	_ =	shalt  }
0x85: {  	_ =	shalt  }
0x86: {  	_ =	shalt  }
0x87: {  	_ =	shalt  }
.Lfunc_end0:
.L_simem_size_0:
called_computation.1_lowered:
.L_overlay_start_0:
0x88: {  	s2 =	sld [smem:$0x3FD9]  }
0x89: {  	s3 =	sld [smem:$0x3FFE];
	_ =	sdelay $0x1  }
0x8a: {  	s1 =	srdreg.scid  }
0x8b: {  	s0 =	sand.u32 $0x1, s1  }
0x8c: {  	s14 =	sshll.u32 s0, $0xA;
	s2 =	sadd.s32 s3, s2  }
0x8d: {  	s2 =	sadd.s32 s2, s14  }
0x8e: {  	[smem:$0x3FC7] =	sst s2  }
0x8f: {  	_ = 	snop  }
0x90: {  	s2 =	sld [smem:$0x3FD0];
	_ =	sdelay $0x2  }
0x91: {  	s15 =	simm.s32 $0xA;
	s4 =	simm.s32 $0x10  }
0x92: {  	[smem:s4], [sflag:s15] =	dma.local [hbm:s2], $0x1  }
0x93: {  	_ =	swait.eq [sflag:s15], $0x1  }
0x94: {  	[sflag:s15] =	ssyncset.done $0x0  }
0x95: {  	[sflag:s15] =	ssyncadd.s32 $0xFFFFFFFF  }
0x96: {  	s16 =	sld [smem:$0x11];
	(tm) =	ssettm $0x1  }
0x97: {  	s17 =	sld [smem:$0x3FFB];
	_ =	sdelay $0x3  }
0x98: {  	_ =	strace s17  }
0x99: {  	s3 =	sld [smem:$0x3FFC];
	_ =	sdelay $0x3  }
0x9a: {  	_ =	strace s3  }
0x9b: {  	s3 =	sld [smem:$0x3FFD];
	_ =	sdelay $0x3  }
0x9c: {  	_ =	strace s3  }
0x9d: {  	_ =	strace $0x8FFFFFFF  }
0x9e: {  	s18 =	sld [smem:$0x3FDB];
	_ =	sdelay $0x1  }
0x9f: {  	s19 =	simm.s32 $_scs_section_size  }
0xa0: {  	s5 =	simm.s32 $_size__tile_overlayer_lowered;
	s6 =	simm.s32 $_tile_overlayer_lowered  }
0xa1: {  	s22 =	simm.s32 $0x1BFF;
	s21 =	sshll.u32 s6, $0x1;
	s3 =	sadd.s32 s19, s18  }
0xa2: {  	s7 =	simm.s32 $0x0;
	s20 =	sshll.u32 s5, $0x1;
	s5 =	sadd.s32 s21, s3  }
0xa3: {  	[timem:s7], [sflag:s22] =	dma.local [hbm:s5], s20  }
0xa4: {  	_ =	swait.ge [sflag:s22], s20  }
0xa5: {  	s4 =	ssub.s32 $0x0, s20;
	[sflag:s22] =	ssyncset.done $0x0  }
0xa6: {  	[sflag:s22] =	ssyncadd.s32 s4;
	_ =	sdelay $0x1  }
0xa7: {  	s23 =	simm.s32 $0x1B8B  }
0xa8: {  	_ =	swait.ge [sflag:s23], $0x1  }
0xa9: {  	[sflag:s23] =	ssyncset.done $0x0  }
0xaa: {  	s25 =	simm.s32 $0x1B8E;
	s24 =	sld [smem:$0x3FFE];
	[sflag:s23] =	ssyncadd.s32 $0xFFFFFFFF  }
0xab: {  	s26 =	simm.s32 $execute0_lowered;
	[smem:$0x3FD2] =	sst s25  }
0xac: {  	s5 =	sshll.u32 s26, $0x1;
	_ =	strace $0x80000049;
	[dreg:$0x1] =	wrdreg $0xFFFFFFFF  }
0xad: {  	s28 =	simm.s32 $_size_execute0_lowered;
	s3 =	sadd.s32 s3, s5;
	[dreg:$0x0] =	wrdreg $0x0  }
0xae: {  	s5 =	sshll.u32 s28, $0x1;
	[dreg:$0x2] =	wrdreg s3  }
0xaf: {  	[dreg:$0x3] =	wrdreg s5  }
0xb0: {  	[dreg:$0x4] =	wrdreg $0xC0  }
0xb1: {  	_ =	task [dreg:s7], $0x5FFFF  }
0xb2: {  	[dreg:$0x1] =	wrdreg $0xFFFFFFFF  }
0xb3: {  	[dreg:$0x0] =	wrdreg $0x60  }
0xb4: {  	[dreg:$0x2] =	wrdreg s24  }
0xb5: {  	[dreg:$0x3] =	wrdreg s16  }
0xb6: {  	[dreg:$0x4] =	wrdreg $0x9  }
0xb7: {  	_ =	task.clear_ibuf [dreg:s7], $0x5FFFF;
	_ =	strace $0x90000049  }
0xb8: {  	s29 =	simm.s32 $0x9;
	_ =	strace $0x8000004B  }
0xb9: {  	_ =	swait.ge [sflag:s29], $0x1  }
0xba: {  	[sflag:s29] =	ssyncadd.s32 $0xFFFFFFFF  }
0xbb: {  	_ =	strace $0x9000004B  }
0xbc: {  	_ =	sfence  }
0xbd: {  	s30 =	sld [smem:$0x0];
	_ =	sdelay $0x2  }
0xbe: {  	s31 =	sshll.u32 s1, $0xD;
	s1 =	sshrl.u32 s1, $0x2  }
0xbf: {  	s3 =	sand.u32 $0x4000, s31;
	s1 =	sadd.s32 s1, s30  }
0xc0: {  	s0 =	sor.u32 s3, s0;
	s1 =	sshll.u32 s1, $0x11  }
0xc1: {  	s0 =	sor.u32 s1, s0  }
0xc2: {  	s0 =	sadd.s32 $0x8F2B, s0  }
0xc3: {  	[sflag:s0] =	ssyncadd.remote.s32 $0x1  }
0xc4: {  	_ =	sfence.sel $0xFFFF  }
0xc5: {  	[dreg:$0x0] =	wrdreg $0xFFFFFFFF;
	(pc) =	sbr.abs _section_cstart, $3  }
0xc6: {  	[dreg:$0x1] =	wrdreg $0xFFFFFFFF  }
0xc7: {  	_ =	task.clear_ibuf [dreg:s7], $0x2FFFF;
	_ =	strace $0x9FFFFFFF  }
0xc8: {  	(tm) =	ssettm $0x7FFFFFFF  }
0xc9: {  	_ =	shalt  }
tec
execute0_lowered:
.L_overlay_start_1:
0x0: {  	(tag) =	ssettag $0x1  }
0x1: {  	s0 =	rddreg [dreg:$0x0]  }
0x2: {  	s4 =	stileid.u32;
	s10 =	rddreg [dreg:$0x1]  }
0x3: {  	s3 =	simm.s32 $0x0;
	s2 =	srdreg.scid;
	s1 =	sshll.u32 s4, $0x9  }
0x4: {  	[smem:$0x7FF] =	sst s3;
	s5 =	sadd.s32 $0x3C00, s0;
	s7 =	sadd.s32 $0x43C00, s0  }
0x5: {  	s2 =	sand.u32 $0x1, s2;
	s4 =	sshll.u32 s4, $0x6;
	s1 =	sand.u32 $0x1000, s1  }
0x6: {  	s8 =	ssub.s32 $0x2, s2;
	s2 =	sshll.u32 s2, $0x5;
	[dreg:$0x3] =	wrdreg s1  }
0x7: {  	s4 =	sand.u32 $0x1C0, s4;
	_ =	strace $0x8000004A;
	[dreg:$0x4] =	wrdreg s5  }
0x8: {  	s11 =	sor.u32 s2, s4;
	[dreg:$0x5] =	wrdreg s7  }
0x9: {  	s12 =	sadd.s32 $0x10, s10;
	[dreg:$0x8] =	wrdreg s11  }
0xa: {  	s13 =	sadd.s32 $0x20, s10;
	[dreg:$0x9] =	wrdreg s12  }
0xb: {  	s14 =	sadd.s32 $0x30, s10;
	[dreg:$0xa] =	wrdreg s13  }
0xc: {  	s15 =	sadd.s32 $0x40, s10;
	[dreg:$0xb] =	wrdreg s14  }
0xd: {  	s16 =	sadd.s32 $0x50, s10;
	[dreg:$0xc] =	wrdreg s15  }
0xe: {  	s17 =	sadd.s32 $0x60, s10;
	[dreg:$0xd] =	wrdreg s16  }
0xf: {  	s18 =	sadd.s32 $0x70, s10;
	s19 =	sadd.s32 $0x80, s10;
	[dreg:$0xe] =	wrdreg s17  }
0x10: {  	s20 =	sadd.s32 $0x90, s10;
	s21 =	sadd.s32 $0xA0, s10;
	[dreg:$0xf] =	wrdreg s18  }
0x11: {  	s22 =	sadd.s32 $0xB0, s10;
	s23 =	sadd.s32 $0xC0, s10;
	[dreg:$0x10] =	wrdreg s19  }
0x12: {  	s24 =	sadd.s32 $0xD0, s10;
	s25 =	sadd.s32 $0xE0, s10;
	[dreg:$0x11] =	wrdreg s20  }
0x13: {  	s26 =	sadd.s32 $0xF0, s10;
	s28 =	sadd.s32 $0x110, s10;
	[dreg:$0x12] =	wrdreg s21  }
0x14: {  	v0 =	vimm.s32 $0x8040201;
	v1 =	vimm.s32 $0x80402010;
	s29 =	sadd.s32 $0x120, s10;
	s30 =	sadd.s32 $0x130, s10;
	[dreg:$0x13] =	wrdreg s22  }
0x15: {  	s31 =	sadd.s32 $0x140, s10;
	s6 =	sadd.s32 $0x1C0, s10;
	v0 =	vunpack.c.0.s8.s32 v0;
	v1 =	vunpack.c.0.s8.s32 v1;
	[dreg:$0x14] =	wrdreg s23  }
0x16: {  	vm0 =	vcmask $0xF00;
	s1 =	sshrl.u32 s1, $0x3;
	s9 =	sshrl.u32 s8, $0x1;
	[dreg:$0x15] =	wrdreg s24  }
0x17: {  	vm8 =	vcmask $0x1F10;
	s2 =	sadd.s32 $0x190, s10;
	s4 =	sadd.s32 $0x1A0, s10;
	v0 =	vnsel vm0, $0x8000, v0;
	v1 =	vand.u32 $0xFF, v1;
	[dreg:$0x16] =	wrdreg s25  }
0x18: {  	vm9 =	vcmask $0x2320;
	s1 =	sadd.s32 s1, s0;
	s0 =	sadd.s32 $0x2000, s0;
	[dreg:$0x17] =	wrdreg s26;
	v0 =	vsel vm8, v1, v0  }
0x19: {  	vm10 =	vcmask $0x2724;
	s26 =	sadd.s32 $0x100, s10;
	s25 =	sadd.s32 $0x180, s10;
	s5 =	sadd.s32 $0x1B0, s10;
	v0 =	vsel vm9, $0x100, v0  }
0x1a: {  	vm11 =	vcmask $0x2B28;
	s7 =	sadd.s32 $0x1D0, s10;
	s11 =	simm.s32 $0x2;
	s12 =	simm.s32 $0x2000;
	v0 =	vsel vm10, $0x200, v0  }
.Ltmp0:
0x1b: {  	vm12 =	vcmask $0x2F2C;
	s13 =	simm.s32 $0x4000;
	s14 =	simm.s32 $0x1;
	v0 =	vsel vm11, $0x400, v0;
	(pc) =	sbr.rel .LBB2_1-.Ltmp0, $4  }
0x1c: {  	vm13 =	vcmask $0x3330;
	s16 =	simm.s32 $0x0;
	[dreg:$0x6] =	wrdreg s0;
	s0 =	ssub.s32 s8, s9;
	v0 =	vsel vm12, $0x800, v0  }
0x1d: {  	vm14 =	vcmask $0x3734;
	s1 =	sadd.s32 $0x3800, s1;
	s8 =	sadd.s32 $0x170, s10;
	s9 =	sadd.s32 $0x1E0, s10;
	v0 =	vsel vm13, $0x1000, v0  }
0x1e: {  	vm15 =	vcmask $0x3B38;
	[dreg:$0x7] =	wrdreg s1;
	s0 =	smax.u32 s0, $0x1;
	s1 =	sadd.s32 $0x150, s10;
	v1 =	vsel vm14, $0x2000, v0  }
0x1f: {  	v2 =	vlaneseq.u32;
	[dreg:$0x18] =	wrdreg s0;
	s0 =	sadd.s32 $0x160, s10;
	s10 =	sadd.s32 $0x1F0, s10;
	v0 =	vimm.f32 $-1.000000000e+00;
	v1 =	vsel vm15, $0x4000, v1  }
.LBB2_23:
0x20: {  	s16 =	rddreg [dreg:$0x19]  }
0x21: {  	s15 =	rddreg [dreg:$0x18];
	s16 =	sadd.s32 $0x1, s16  }
0x22: {  	p0 =	sne.s32 s16, s15  }
.Ltmp1:
0x23: {  	_ = 	snop;
	(pc) =	sbr.rel @!p0 .LBB2_24-.Ltmp1, $1  }
0x24: {  	_ =	sdelay $0x3  }
.LBB2_1:
0x25: {  	[dreg:$0x19] =	wrdreg s16  }
0x26: {  	s15 =	rddreg [dreg:$0x7]  }
0x27: {  	[tilespmem:s3], [sflag:$0x2] =	stream.linear.gather [hbm4b:s15+s3], $0x1000, $0x38;
	[tilespmem:$0x6200] =	vst v63  }
0x28: {  	_ =	swait.ge [sflag:s11], $0x1000  }
0x29: {  	[sflag:s11] =	ssyncset.done $0x0  }
0x2a: {  	s15 =	simm.s32 $0x0;
	[sflag:s11] =	ssyncadd.s32 $0xFFFFF000  }
0x2b: {  	s16 =	simm.s32 $0x40;
	v3 =	vld [tilespmem:s15+$0x0]  }
.LBB2_2:
0x2c: {  	_ =	sdelay $0x1  }
0x2d: {  	p0 =	sne.s32 s16, $0x3FC0  }
.Ltmp2:
0x2e: {  	_ = 	snop;
	(pc) =	sbr.rel @p0 .LBB2_2-.Ltmp2, $4  }
0x2f: {  	v4 =	vand.u32 $0xFFF, v3  }
0x30: {  	v4 =	vcvt.s32.f32 v4  }
0x31: {  	s17 =	sshra.s32 s16, $0x2  }
0x32: {  	s16 =	sadd.s32 $0x40, s16;
	v3 =	vld [tilespmem:s17+$0x0];
	[tilespmem:s15+$0x1000] =	vst v4;
	s15 =	smov.u32 s17  }
0x33: {  	_ =	sdelay $0x2  }
.Ltmp3:
0x34: {  	_ = 	snop;
	(pc) =	sbr.rel .LBB2_4-.Ltmp3, $3  }
0x35: {  	v3 =	vand.u32 $0xFFF, v3  }
0x36: {  	v3 =	vcvt.s32.f32 v3;
	_ =	sdelay $0x1  }
0x37: {  	s16 =	simm.s32 $0x0;
	[tilespmem:s15+$0x1000] =	vst v3;
	s15 =	simm.s32 $0x0  }
.LBB2_22:
0x38: {  	s19 =	sshrl.u32 s19, $0x3;
	s20 =	rddreg [dreg:$0x6]  }
0x39: {  	s17 =	sadd.s32 $0x1000, s17;
	s19 =	sadd.s32 s20, s19  }
0x3a: {  	[hbm4b:s19+s3] =	stream.linear.scatter [tilespmem:s17], [sflag:$0x2], $0x20, $0x38;
	[tilespmem:$0x6200] =	vst v63  }
0x3b: {  	_ =	swait.ge [sflag:s11], $0x20  }
0x3c: {  	[sflag:s11] =	ssyncset.done $0x0  }
0x3d: {  	[sflag:s11] =	ssyncadd.s32 $0xFFFFFFE0  }
0x3e: {  	s17 =	sand.u32 $0x1FFFFE00, s18;
	s21 =	rddreg [dreg:$0x1]  }
0x3f: {  	s22 =	simm.s32 $0x5000;
	s23 =	rddreg [dreg:$0x9];
	s18 =	sadd.s32 s21, s17  }
0x40: {  	[hbm4b:s18+s3] =	stream.linear.scatter [tilespmem:s22], [sflag:$0x1], $0x80, $0x38;
	[tilespmem:$0x6200] =	vst v63  }
0x41: {  	s24 =	simm.s32 $0x5090;
	s19 =	rddreg [dreg:$0xa];
	s18 =	sadd.s32 s17, s23  }
0x42: {  	[hbm4b:s18+s3] =	stream.linear.scatter [tilespmem:s24], [sflag:$0x1], $0x80, $0x38;
	[tilespmem:$0x6200] =	vst v63  }
0x43: {  	s20 =	simm.s32 $0x5120;
	s21 =	rddreg [dreg:$0xb];
	s18 =	sadd.s32 s17, s19  }
0x44: {  	[hbm4b:s18+s3] =	stream.linear.scatter [tilespmem:s20], [sflag:$0x1], $0x80, $0x38;
	[tilespmem:$0x6200] =	vst v63  }
0x45: {  	s22 =	simm.s32 $0x51B0;
	s23 =	rddreg [dreg:$0xc];
	s18 =	sadd.s32 s17, s21  }
0x46: {  	[hbm4b:s18+s3] =	stream.linear.scatter [tilespmem:s22], [sflag:$0x1], $0x80, $0x38;
	[tilespmem:$0x6200] =	vst v63  }
0x47: {  	s24 =	simm.s32 $0x5240;
	s19 =	rddreg [dreg:$0xd];
	s18 =	sadd.s32 s17, s23  }
0x48: {  	[hbm4b:s18+s3] =	stream.linear.scatter [tilespmem:s24], [sflag:$0x1], $0x80, $0x38;
	[tilespmem:$0x6200] =	vst v63  }
0x49: {  	s20 =	simm.s32 $0x52D0;
	s21 =	rddreg [dreg:$0xe];
	s18 =	sadd.s32 s17, s19  }
0x4a: {  	[hbm4b:s18+s3] =	stream.linear.scatter [tilespmem:s20], [sflag:$0x1], $0x80, $0x38;
	[tilespmem:$0x6200] =	vst v63  }
0x4b: {  	s22 =	simm.s32 $0x5360;
	s23 =	rddreg [dreg:$0xf];
	s18 =	sadd.s32 s17, s21  }
0x4c: {  	[hbm4b:s18+s3] =	stream.linear.scatter [tilespmem:s22], [sflag:$0x1], $0x80, $0x38;
	[tilespmem:$0x6200] =	vst v63  }
0x4d: {  	s24 =	simm.s32 $0x53F0;
	s19 =	rddreg [dreg:$0x10];
	s18 =	sadd.s32 s17, s23  }
0x4e: {  	[hbm4b:s18+s3] =	stream.linear.scatter [tilespmem:s24], [sflag:$0x1], $0x80, $0x38;
	[tilespmem:$0x6200] =	vst v63  }
0x4f: {  	s20 =	simm.s32 $0x5480;
	s21 =	rddreg [dreg:$0x11];
	s18 =	sadd.s32 s17, s19  }
0x50: {  	[hbm4b:s18+s3] =	stream.linear.scatter [tilespmem:s20], [sflag:$0x1], $0x80, $0x38;
	[tilespmem:$0x6200] =	vst v63  }
0x51: {  	s22 =	simm.s32 $0x5510;
	s23 =	rddreg [dreg:$0x12];
	s18 =	sadd.s32 s17, s21  }
0x52: {  	[hbm4b:s18+s3] =	stream.linear.scatter [tilespmem:s22], [sflag:$0x1], $0x80, $0x38;
	[tilespmem:$0x6200] =	vst v63  }
0x53: {  	s24 =	simm.s32 $0x55A0;
	s19 =	rddreg [dreg:$0x13];
	s18 =	sadd.s32 s17, s23  }
0x54: {  	[hbm4b:s18+s3] =	stream.linear.scatter [tilespmem:s24], [sflag:$0x1], $0x80, $0x38;
	[tilespmem:$0x6200] =	vst v63  }
0x55: {  	s20 =	simm.s32 $0x5630;
	s21 =	rddreg [dreg:$0x14];
	s18 =	sadd.s32 s17, s19  }
0x56: {  	[hbm4b:s18+s3] =	stream.linear.scatter [tilespmem:s20], [sflag:$0x1], $0x80, $0x38;
	[tilespmem:$0x6200] =	vst v63  }
0x57: {  	s22 =	simm.s32 $0x56C0;
	s23 =	rddreg [dreg:$0x15];
	s18 =	sadd.s32 s17, s21  }
0x58: {  	[hbm4b:s18+s3] =	stream.linear.scatter [tilespmem:s22], [sflag:$0x1], $0x80, $0x38;
	[tilespmem:$0x6200] =	vst v63  }
0x59: {  	s24 =	simm.s32 $0x5750;
	s19 =	rddreg [dreg:$0x16];
	s18 =	sadd.s32 s17, s23  }
0x5a: {  	[hbm4b:s18+s3] =	stream.linear.scatter [tilespmem:s24], [sflag:$0x1], $0x80, $0x38;
	[tilespmem:$0x6200] =	vst v63  }
0x5b: {  	s20 =	simm.s32 $0x57E0;
	s21 =	rddreg [dreg:$0x17];
	s18 =	sadd.s32 s17, s19  }
0x5c: {  	[hbm4b:s18+s3] =	stream.linear.scatter [tilespmem:s20], [sflag:$0x1], $0x80, $0x38;
	[tilespmem:$0x6200] =	vst v63  }
0x5d: {  	s22 =	simm.s32 $0x5870;
	s18 =	sadd.s32 s17, s21  }
0x5e: {  	[hbm4b:s18+s3] =	stream.linear.scatter [tilespmem:s22], [sflag:$0x1], $0x80, $0x38;
	[tilespmem:$0x6200] =	vst v63  }
0x5f: {  	s23 =	sadd.s32 s17, s26;
	s24 =	simm.s32 $0x5900  }
0x60: {  	[hbm4b:s23+s3] =	stream.linear.scatter [tilespmem:s24], [sflag:$0x1], $0x80, $0x38;
	[tilespmem:$0x6200] =	vst v63  }
0x61: {  	s19 =	sadd.s32 s17, s28;
	s20 =	simm.s32 $0x5990  }
0x62: {  	[hbm4b:s19+s3] =	stream.linear.scatter [tilespmem:s20], [sflag:$0x1], $0x80, $0x38;
	[tilespmem:$0x6200] =	vst v63  }
0x63: {  	s21 =	sadd.s32 s17, s29;
	s22 =	simm.s32 $0x5A20  }
0x64: {  	[hbm4b:s21+s3] =	stream.linear.scatter [tilespmem:s22], [sflag:$0x1], $0x80, $0x38;
	[tilespmem:$0x6200] =	vst v63  }
0x65: {  	s23 =	sadd.s32 s17, s30;
	s24 =	simm.s32 $0x5AB0  }
0x66: {  	[hbm4b:s23+s3] =	stream.linear.scatter [tilespmem:s24], [sflag:$0x1], $0x80, $0x38;
	[tilespmem:$0x6200] =	vst v63  }
0x67: {  	s19 =	sadd.s32 s17, s31;
	s20 =	simm.s32 $0x5B40  }
0x68: {  	[hbm4b:s19+s3] =	stream.linear.scatter [tilespmem:s20], [sflag:$0x1], $0x80, $0x38;
	[tilespmem:$0x6200] =	vst v63  }
0x69: {  	s21 =	sadd.s32 s17, s1;
	s22 =	simm.s32 $0x5BD0  }
0x6a: {  	[hbm4b:s21+s3] =	stream.linear.scatter [tilespmem:s22], [sflag:$0x1], $0x80, $0x38;
	[tilespmem:$0x6200] =	vst v63  }
0x6b: {  	s23 =	sadd.s32 s17, s0;
	s24 =	simm.s32 $0x5C60  }
0x6c: {  	[hbm4b:s23+s3] =	stream.linear.scatter [tilespmem:s24], [sflag:$0x1], $0x80, $0x38;
	[tilespmem:$0x6200] =	vst v63  }
0x6d: {  	s19 =	sadd.s32 s17, s8;
	s20 =	simm.s32 $0x5CF0  }
0x6e: {  	[hbm4b:s19+s3] =	stream.linear.scatter [tilespmem:s20], [sflag:$0x1], $0x80, $0x38;
	[tilespmem:$0x6200] =	vst v63  }
0x6f: {  	s21 =	sadd.s32 s17, s25;
	s22 =	simm.s32 $0x5D80  }
0x70: {  	[hbm4b:s21+s3] =	stream.linear.scatter [tilespmem:s22], [sflag:$0x1], $0x80, $0x38;
	[tilespmem:$0x6200] =	vst v63  }
0x71: {  	s23 =	sadd.s32 s17, s2;
	s24 =	simm.s32 $0x5E10  }
0x72: {  	[hbm4b:s23+s3] =	stream.linear.scatter [tilespmem:s24], [sflag:$0x1], $0x80, $0x38;
	[tilespmem:$0x6200] =	vst v63  }
0x73: {  	s19 =	sadd.s32 s17, s4;
	s20 =	simm.s32 $0x5EA0  }
0x74: {  	[hbm4b:s19+s3] =	stream.linear.scatter [tilespmem:s20], [sflag:$0x1], $0x80, $0x38;
	[tilespmem:$0x6200] =	vst v63  }
0x75: {  	s21 =	sadd.s32 s17, s5;
	s22 =	simm.s32 $0x5F30  }
0x76: {  	[hbm4b:s21+s3] =	stream.linear.scatter [tilespmem:s22], [sflag:$0x1], $0x80, $0x38;
	[tilespmem:$0x6200] =	vst v63  }
0x77: {  	s23 =	sadd.s32 s17, s6;
	s24 =	simm.s32 $0x5FC0  }
0x78: {  	[hbm4b:s23+s3] =	stream.linear.scatter [tilespmem:s24], [sflag:$0x1], $0x80, $0x38;
	[tilespmem:$0x6200] =	vst v63  }
0x79: {  	s20 =	sadd.s32 s17, s7;
	s21 =	simm.s32 $0x6050  }
0x7a: {  	[hbm4b:s20+s3] =	stream.linear.scatter [tilespmem:s21], [sflag:$0x1], $0x80, $0x38;
	[tilespmem:$0x6200] =	vst v63  }
0x7b: {  	s22 =	sadd.s32 s17, s9;
	s23 =	simm.s32 $0x60E0  }
0x7c: {  	[hbm4b:s22+s3] =	stream.linear.scatter [tilespmem:s23], [sflag:$0x1], $0x80, $0x38;
	[tilespmem:$0x6200] =	vst v63  }
0x7d: {  	s17 =	sadd.s32 s17, s10;
	s24 =	simm.s32 $0x6170  }
0x7e: {  	[hbm4b:s17+s3] =	stream.linear.scatter [tilespmem:s24], [sflag:$0x1], $0x80, $0x38;
	[tilespmem:$0x6200] =	vst v63  }
0x7f: {  	_ =	swait.ge [sflag:s14], $0x80  }
0x80: {  	[sflag:s14] =	ssyncset.done $0x0  }
0x81: {  	[sflag:s14] =	ssyncadd.s32 $0xFFFFFF80  }
0x82: {  	_ =	swait.ge [sflag:s14], $0x80  }
0x83: {  	[sflag:s14] =	ssyncset.done $0x0  }
0x84: {  	[sflag:s14] =	ssyncadd.s32 $0xFFFFFF80  }
0x85: {  	_ =	swait.ge [sflag:s14], $0x80  }
0x86: {  	[sflag:s14] =	ssyncset.done $0x0  }
0x87: {  	[sflag:s14] =	ssyncadd.s32 $0xFFFFFF80  }
0x88: {  	_ =	swait.ge [sflag:s14], $0x80  }
0x89: {  	[sflag:s14] =	ssyncset.done $0x0  }
0x8a: {  	[sflag:s14] =	ssyncadd.s32 $0xFFFFFF80  }
0x8b: {  	_ =	swait.ge [sflag:s14], $0x80  }
0x8c: {  	[sflag:s14] =	ssyncset.done $0x0  }
0x8d: {  	[sflag:s14] =	ssyncadd.s32 $0xFFFFFF80  }
0x8e: {  	_ =	swait.ge [sflag:s14], $0x80  }
0x8f: {  	[sflag:s14] =	ssyncset.done $0x0  }
0x90: {  	[sflag:s14] =	ssyncadd.s32 $0xFFFFFF80  }
0x91: {  	_ =	swait.ge [sflag:s14], $0x80  }
0x92: {  	[sflag:s14] =	ssyncset.done $0x0  }
0x93: {  	[sflag:s14] =	ssyncadd.s32 $0xFFFFFF80  }
0x94: {  	_ =	swait.ge [sflag:s14], $0x80  }
0x95: {  	[sflag:s14] =	ssyncset.done $0x0  }
0x96: {  	[sflag:s14] =	ssyncadd.s32 $0xFFFFFF80  }
0x97: {  	_ =	swait.ge [sflag:s14], $0x80  }
0x98: {  	[sflag:s14] =	ssyncset.done $0x0  }
0x99: {  	[sflag:s14] =	ssyncadd.s32 $0xFFFFFF80  }
0x9a: {  	_ =	swait.ge [sflag:s14], $0x80  }
0x9b: {  	[sflag:s14] =	ssyncset.done $0x0  }
0x9c: {  	[sflag:s14] =	ssyncadd.s32 $0xFFFFFF80  }
0x9d: {  	_ =	swait.ge [sflag:s14], $0x80  }
0x9e: {  	[sflag:s14] =	ssyncset.done $0x0  }
0x9f: {  	[sflag:s14] =	ssyncadd.s32 $0xFFFFFF80  }
0xa0: {  	_ =	swait.ge [sflag:s14], $0x80  }
0xa1: {  	[sflag:s14] =	ssyncset.done $0x0  }
0xa2: {  	[sflag:s14] =	ssyncadd.s32 $0xFFFFFF80  }
0xa3: {  	_ =	swait.ge [sflag:s14], $0x80  }
0xa4: {  	[sflag:s14] =	ssyncset.done $0x0  }
0xa5: {  	[sflag:s14] =	ssyncadd.s32 $0xFFFFFF80  }
0xa6: {  	_ =	swait.ge [sflag:s14], $0x80  }
0xa7: {  	[sflag:s14] =	ssyncset.done $0x0  }
0xa8: {  	[sflag:s14] =	ssyncadd.s32 $0xFFFFFF80  }
0xa9: {  	_ =	swait.ge [sflag:s14], $0x80  }
0xaa: {  	[sflag:s14] =	ssyncset.done $0x0  }
0xab: {  	[sflag:s14] =	ssyncadd.s32 $0xFFFFFF80  }
0xac: {  	_ =	swait.ge [sflag:s14], $0x80  }
0xad: {  	[sflag:s14] =	ssyncset.done $0x0  }
0xae: {  	[sflag:s14] =	ssyncadd.s32 $0xFFFFFF80  }
0xaf: {  	_ =	swait.ge [sflag:s14], $0x80  }
0xb0: {  	[sflag:s14] =	ssyncset.done $0x0  }
0xb1: {  	[sflag:s14] =	ssyncadd.s32 $0xFFFFFF80  }
0xb2: {  	_ =	swait.ge [sflag:s14], $0x80  }
0xb3: {  	[sflag:s14] =	ssyncset.done $0x0  }
0xb4: {  	[sflag:s14] =	ssyncadd.s32 $0xFFFFFF80  }
0xb5: {  	_ =	swait.ge [sflag:s14], $0x80  }
0xb6: {  	[sflag:s14] =	ssyncset.done $0x0  }
0xb7: {  	[sflag:s14] =	ssyncadd.s32 $0xFFFFFF80  }
0xb8: {  	_ =	swait.ge [sflag:s14], $0x80  }
0xb9: {  	[sflag:s14] =	ssyncset.done $0x0  }
0xba: {  	[sflag:s14] =	ssyncadd.s32 $0xFFFFFF80  }
0xbb: {  	_ =	swait.ge [sflag:s14], $0x80  }
0xbc: {  	[sflag:s14] =	ssyncset.done $0x0  }
0xbd: {  	[sflag:s14] =	ssyncadd.s32 $0xFFFFFF80  }
0xbe: {  	_ =	swait.ge [sflag:s14], $0x80  }
0xbf: {  	[sflag:s14] =	ssyncset.done $0x0  }
0xc0: {  	[sflag:s14] =	ssyncadd.s32 $0xFFFFFF80  }
0xc1: {  	_ =	swait.ge [sflag:s14], $0x80  }
0xc2: {  	[sflag:s14] =	ssyncset.done $0x0  }
0xc3: {  	[sflag:s14] =	ssyncadd.s32 $0xFFFFFF80  }
0xc4: {  	_ =	swait.ge [sflag:s14], $0x80  }
0xc5: {  	[sflag:s14] =	ssyncset.done $0x0  }
0xc6: {  	[sflag:s14] =	ssyncadd.s32 $0xFFFFFF80  }
0xc7: {  	_ =	swait.ge [sflag:s14], $0x80  }
0xc8: {  	[sflag:s14] =	ssyncset.done $0x0  }
0xc9: {  	[sflag:s14] =	ssyncadd.s32 $0xFFFFFF80  }
0xca: {  	_ =	swait.ge [sflag:s14], $0x80  }
0xcb: {  	[sflag:s14] =	ssyncset.done $0x0  }
0xcc: {  	[sflag:s14] =	ssyncadd.s32 $0xFFFFFF80  }
0xcd: {  	_ =	swait.ge [sflag:s14], $0x80  }
0xce: {  	[sflag:s14] =	ssyncset.done $0x0  }
0xcf: {  	[sflag:s14] =	ssyncadd.s32 $0xFFFFFF80  }
0xd0: {  	_ =	swait.ge [sflag:s14], $0x80  }
0xd1: {  	[sflag:s14] =	ssyncset.done $0x0  }
0xd2: {  	[sflag:s14] =	ssyncadd.s32 $0xFFFFFF80  }
0xd3: {  	_ =	swait.ge [sflag:s14], $0x80  }
0xd4: {  	[sflag:s14] =	ssyncset.done $0x0  }
0xd5: {  	[sflag:s14] =	ssyncadd.s32 $0xFFFFFF80  }
0xd6: {  	_ =	swait.ge [sflag:s14], $0x80  }
0xd7: {  	[sflag:s14] =	ssyncset.done $0x0  }
0xd8: {  	s16 =	sadd.s32 $0x1, s16;
	[sflag:s14] =	ssyncadd.s32 $0xFFFFFF80  }
0xd9: {  	p0 =	sne.s32 s16, $0x8;
	_ =	swait.ge [sflag:s14], $0x80  }
.Ltmp4:
0xda: {  	[sflag:s14] =	ssyncset.done $0x0;
	(pc) =	sbr.rel @!p0 .LBB2_23-.Ltmp4, $4  }
0xdb: {  	[sflag:s14] =	ssyncadd.s32 $0xFFFFFF80  }
0xdc: {  	_ =	swait.ge [sflag:s14], $0x80  }
0xdd: {  	[sflag:s14] =	ssyncset.done $0x0  }
0xde: {  	[sflag:s14] =	ssyncadd.s32 $0xFFFFFF80  }
.LBB2_4:
0xdf: {  	s17 =	sshll.u32 s16, $0x9;
	s18 =	rddreg [dreg:$0x8]  }
0xe0: {  	s23 =	rddreg [dreg:$0x3];
	s17 =	sor.u32 s18, s17  }
0xe1: {  	s19 =	sor.u32 s23, s17  }
0xe2: {  	s20 =	rddreg [dreg:$0x4];
	s18 =	sshll.u32 s19, $0x5  }
0xe3: {  	s18 =	sadd.s32 s20, s18  }
0xe4: {  	[tilespmem:s12], [sflag:$0x1] =	stream.linear.gather [hbm4b:s18+s15], $0x2000, $0x38;
	[tilespmem:$0x6200] =	vst v63  }
0xe5: {  	s24 =	rddreg [dreg:$0x5];
	s18 =	sshll.u32 s19, $0x4  }
0xe6: {  	s20 =	sadd.s32 s24, s18  }
0xe7: {  	[tilespmem:s13], [sflag:$0x1] =	stream.linear.gather [hbm4b:s20+s15], $0x1000, $0x38;
	[tilespmem:$0x6200] =	vst v63  }
0xe8: {  	s21 =	simm.s32 $0x0;
	s20 =	simm.s32 $0x40  }
.LBB2_5:
0xe9: {  	p0 =	sne.s32 s20, $0x47C0;
	[tilespmem:s21+$0x5000] =	vst v0;
	s21 =	smov.u32 s20;
	s20 =	sadd.s32 $0x40, s20  }
.Ltmp5:
0xea: {  	(pc) =	sbr.rel @p0 .LBB2_5-.Ltmp5, $2  }
0xeb: {  	_ =	sdelay $0x2  }
0xec: {  	s21 =	sshra.s32 s21, $0x2  }
0xed: {  	[tilespmem:s21+$0x5000] =	vst v0  }
0xee: {  	_ =	swait.ge [sflag:s14], $0x2000  }
.Ltmp6:
0xef: {  	[sflag:s14] =	ssyncset.done $0x0;
	(pc) =	sbr.rel .LBB2_7-.Ltmp6, $4  }
0xf0: {  	[sflag:s14] =	ssyncadd.s32 $0xFFFFE000  }
0xf1: {  	_ =	swait.ge [sflag:s14], $0x1000  }
0xf2: {  	[sflag:s14] =	ssyncset.done $0x0  }
0xf3: {  	s20 =	simm.s32 $0x0;
	[sflag:s14] =	ssyncadd.s32 $0xFFFFF000  }
.LBB2_21:
0xf4: {  	p0 =	slt.u32 s20, $0x1E  }
.Ltmp7:
0xf5: {  	_ = 	snop;
	(pc) =	sbr.rel @!p0 .LBB2_22-.Ltmp7, $3  }
0xf6: {  	_ =	sdelay $0x1  }
0xf7: {  	s21 =	sadd.s32 $0x2, s20  }
0xf8: {  	s20 =	smov.u32 s21  }
.LBB2_7:
0xf9: {  	s21 =	sshll.u32 s20, $0x7  }
0xfa: {  	s21 =	sand.u32 $0x3FFFFF80, s21  }
0xfb: {  	v3 =	vld [tilespmem:s21+$0x4000];
	_ =	sdelay $0x4  }
0xfc: {  	vm0 =	vne.s32 v3, $0x0  }
0xfd: {  	v3 =	vmpcnt.ones.xlane vm0;
	_ =	sdelay $0x1  }
0xfe: {  	(v2sf) =	vpush v3, $0x0;
	_ =	sdelay $0xe  }
0xff: {  	s21 =	spop (v2sf)  }
0x100: {  	p0 =	slt.s32 s21, $0x1  }
.Ltmp8:
0x101: {  	_ = 	snop;
	(pc) =	sbr.rel @p0 .LBB2_14-.Ltmp8, $1  }
0x102: {  	_ =	sdelay $0x3  }
0x103: {  	s22 =	smul.u32 $0x240, s20  }
.Ltmp9:
0x104: {  	_ = 	snop;
	(pc) =	sbr.rel .LBB2_9-.Ltmp9, $4  }
0x105: {  	v4 =	vmov s20  }
0x106: {  	v3 =	vshll.u32 v4, $0x7;
	v4 =	vshll.u32 v4, $0x8;
	s22 =	sshra.s32 s22, $0x2  }
0x107: {  	v4 =	vand.u32 $0x1800, v4;
	v5 =	vand.u32 $0x300, v3;
	s23 =	sadd.s32 $0x5000, s22  }
0x108: {  	v4 =	vor.u32 v5, v4;
	s22 =	simm.s32 $0x0;
	v5 =	vmov s23  }
.LBB2_13:
0x109: {  	p0 =	sgt.s32 s22, $0x7F  }
0x10a: {  	p1 =	sgt.s32 @!p0 s21, $0x1  }
0x10b: {  	p0 =	por p0, !p1  }
.Ltmp10:
0x10c: {  	_ = 	snop;
	(pc) =	sbr.rel @p0 .LBB2_14-.Ltmp10, $3  }
0x10d: {  	_ =	sdelay $0x1  }
0x10e: {  	vm1 =	vne.s32 v6, v2  }
0x10f: {  	s21 =	sadd.s32 $0xFFFFFFFF, s21;
	vm0 =	vmand vm0, vm1  }
.LBB2_9:
0x110: {  	v6 =	vmctz.xlane vm0;
	_ =	sdelay $0x1  }
0x111: {  	v7 =	vand.u32 $0xFFFFFF80, v6  }
0x112: {  	v8 =	vand.u32 $0x7F, v6;
	v7 =	vadd.s32 v3, v7  }
0x113: {  	v7 =	vor.u32 v8, v7;
	_ =	sdelay $0x4  }
0x114: {  	v7 =	vld.idx.msk [tilespmem:v7+s13+$0x0], $0xffff;
	_ =	sdelay $0x4  }
0x115: {  	v7 =	vand.u32 v1, v7  }
0x116: {  	vm1 =	vne.s32 v7, $0x0  }
0x117: {  	v7 =	vmpcnt.ones.xlane vm1;
	_ =	sdelay $0x1  }
0x118: {  	(v2sf) =	vpush v7, $0x0;
	_ =	sdelay $0xe  }
0x119: {  	s23 =	spop (v2sf)  }
0x11a: {  	p0 =	slt.s32 s23, $0x1  }
.Ltmp11:
0x11b: {  	_ = 	snop;
	(pc) =	sbr.rel @p0 .LBB2_13-.Ltmp11, $1  }
0x11c: {  	_ =	sdelay $0x3  }
0x11d: {  	v7 =	vshll.u32 v6, $0x4  }
.LBB2_11:
0x11e: {  	v8 =	vmctz.xlane vm1;
	_ =	sdelay $0x1  }
0x11f: {  	v9 =	vadd.s32 v7, v8  }
0x120: {  	v10 =	vshll.u32 v9, $0x3  }
0x121: {  	v10 =	vand.u32 $0xFFFFFC00, v10  }
0x122: {  	v11 =	vand.u32 $0x7F, v9;
	v10 =	vadd.s32 v4, v10  }
0x123: {  	v10 =	vor.u32 v11, v10;
	_ =	sdelay $0x4  }
0x124: {  	v10 =	vld.idx.msk [tilespmem:v10+s12+$0x0], $0xffff;
	_ =	sdelay $0x4  }
0x125: {  	v10 =	vand.u32 v1, v10  }
0x126: {  	vm2 =	vne.s32 v10, $0x0  }
0x127: {  	v10 =	vmpcnt.ones.xlane vm2;
	_ =	sdelay $0x1  }
0x128: {  	(v2sf) =	vpush v10, $0x0;
	_ =	sdelay $0xb  }
0x129: {  	v9 =	vshll.u32 v9, $0x4  }
0x12a: {  	v9 =	vor.u32 v2, v9  }
0x12b: {  	v9 =	vcvt.s32.f32 v9  }
0x12c: {  	s24 =	spop (v2sf)  }
0x12d: {  	[tilespmem:v5+s22+$0x0 ss:$0x1] =	vst.idx.msk vm2, v9;
	s22 =	sadd.s32 s22, s24  }
0x12e: {  	p0 =	sgt.s32 s22, $0x7F  }
0x12f: {  	p1 =	sgt.u32 @!p0 s23, $0x1  }
0x130: {  	p1 =	por p0, !p1  }
.Ltmp12:
0x131: {  	_ = 	snop;
	(pc) =	sbr.rel @!p1 .LBB2_11-.Ltmp12, $3  }
0x132: {  	_ =	sdelay $0x1  }
0x133: {  	vm2 =	vne.s32 v8, v2  }
0x134: {  	vm1 =	vmand vm1, vm2;
	s23 =	sadd.s32 $0xFFFFFFFF, s23  }
.Ltmp13:
0x135: {  	(pc) =	sbr.rel .LBB2_13-.Ltmp13, $2  }
0x136: {  	_ =	sdelay $0x2  }
0x137: {  	s22 =	smov.u32 @p0 s22  }
.LBB2_14:
0x138: {  	s22 =	sor.u32 $0x1, s20  }
0x139: {  	s21 =	sshll.u32 s22, $0x7  }
0x13a: {  	s21 =	sand.u32 $0x3FFFFF80, s21  }
0x13b: {  	v3 =	vld [tilespmem:s21+$0x4000];
	_ =	sdelay $0x4  }
0x13c: {  	vm0 =	vne.s32 v3, $0x0  }
0x13d: {  	v3 =	vmpcnt.ones.xlane vm0;
	_ =	sdelay $0x1  }
0x13e: {  	(v2sf) =	vpush v3, $0x0;
	_ =	sdelay $0xe  }
0x13f: {  	s21 =	spop (v2sf)  }
0x140: {  	p0 =	slt.s32 s21, $0x1  }
.Ltmp14:
0x141: {  	_ = 	snop;
	(pc) =	sbr.rel @p0 .LBB2_21-.Ltmp14, $1  }
0x142: {  	_ =	sdelay $0x3  }
0x143: {  	s23 =	smul.u32 $0x240, s22  }
.Ltmp15:
0x144: {  	_ = 	snop;
	(pc) =	sbr.rel .LBB2_16-.Ltmp15, $4  }
0x145: {  	v4 =	vmov s22  }
0x146: {  	v3 =	vshll.u32 v4, $0x7;
	v4 =	vshll.u32 v4, $0x8;
	s24 =	sshra.s32 s23, $0x2  }
0x147: {  	v4 =	vand.u32 $0x1800, v4;
	v5 =	vand.u32 $0x380, v3;
	s23 =	sadd.s32 $0x5000, s24  }
0x148: {  	s22 =	simm.s32 $0x0;
	v4 =	vor.u32 v5, v4;
	v5 =	vmov s23  }
.LBB2_20:
0x149: {  	p0 =	sgt.s32 s22, $0x7F  }
0x14a: {  	p1 =	sgt.s32 @!p0 s21, $0x1  }
0x14b: {  	p0 =	por p0, !p1  }
.Ltmp16:
0x14c: {  	_ = 	snop;
	(pc) =	sbr.rel @p0 .LBB2_21-.Ltmp16, $3  }
0x14d: {  	_ =	sdelay $0x1  }
0x14e: {  	vm1 =	vne.s32 v6, v2  }
0x14f: {  	s21 =	sadd.s32 $0xFFFFFFFF, s21;
	vm0 =	vmand vm0, vm1  }
.LBB2_16:
0x150: {  	v6 =	vmctz.xlane vm0;
	_ =	sdelay $0x1  }
0x151: {  	v7 =	vand.u32 $0xFFFFFF80, v6  }
0x152: {  	v8 =	vand.u32 $0x7F, v6;
	v7 =	vadd.s32 v3, v7  }
0x153: {  	v7 =	vor.u32 v8, v7;
	_ =	sdelay $0x4  }
0x154: {  	v7 =	vld.idx.msk [tilespmem:v7+s13+$0x0], $0xffff;
	_ =	sdelay $0x4  }
0x155: {  	v7 =	vand.u32 v1, v7  }
0x156: {  	vm1 =	vne.s32 v7, $0x0  }
0x157: {  	v7 =	vmpcnt.ones.xlane vm1;
	_ =	sdelay $0x1  }
0x158: {  	(v2sf) =	vpush v7, $0x0;
	_ =	sdelay $0xe  }
0x159: {  	s23 =	spop (v2sf)  }
0x15a: {  	p0 =	slt.s32 s23, $0x1  }
.Ltmp17:
0x15b: {  	_ = 	snop;
	(pc) =	sbr.rel @p0 .LBB2_20-.Ltmp17, $1  }
0x15c: {  	_ =	sdelay $0x3  }
0x15d: {  	v7 =	vshll.u32 v6, $0x4  }
.LBB2_18:
0x15e: {  	v8 =	vmctz.xlane vm1;
	_ =	sdelay $0x1  }
0x15f: {  	v9 =	vadd.s32 v7, v8  }
0x160: {  	v10 =	vshll.u32 v9, $0x3  }
0x161: {  	v10 =	vand.u32 $0xFFFFFC00, v10  }
0x162: {  	v11 =	vand.u32 $0x7F, v9;
	v10 =	vadd.s32 v4, v10  }
0x163: {  	v10 =	vor.u32 v11, v10;
	_ =	sdelay $0x4  }
0x164: {  	v10 =	vld.idx.msk [tilespmem:v10+s12+$0x0], $0xffff;
	_ =	sdelay $0x4  }
0x165: {  	v10 =	vand.u32 v1, v10  }
0x166: {  	vm2 =	vne.s32 v10, $0x0  }
0x167: {  	v10 =	vmpcnt.ones.xlane vm2;
	_ =	sdelay $0x1  }
0x168: {  	(v2sf) =	vpush v10, $0x0;
	_ =	sdelay $0xb  }
0x169: {  	v9 =	vshll.u32 v9, $0x4  }
0x16a: {  	v9 =	vor.u32 v2, v9  }
0x16b: {  	v9 =	vcvt.s32.f32 v9  }
0x16c: {  	s24 =	spop (v2sf)  }
0x16d: {  	[tilespmem:v5+s22+$0x0 ss:$0x1] =	vst.idx.msk vm2, v9;
	s22 =	sadd.s32 s22, s24  }
0x16e: {  	p0 =	sgt.s32 s22, $0x7F  }
0x16f: {  	p1 =	sgt.u32 @!p0 s23, $0x1  }
0x170: {  	p1 =	por p0, !p1  }
.Ltmp18:
0x171: {  	_ = 	snop;
	(pc) =	sbr.rel @!p1 .LBB2_18-.Ltmp18, $3  }
0x172: {  	_ =	sdelay $0x1  }
0x173: {  	vm2 =	vne.s32 v8, v2  }
0x174: {  	vm1 =	vmand vm1, vm2;
	s23 =	sadd.s32 $0xFFFFFFFF, s23  }
.Ltmp19:
0x175: {  	(pc) =	sbr.rel .LBB2_20-.Ltmp19, $2  }
0x176: {  	_ =	sdelay $0x2  }
0x177: {  	s22 =	smov.u32 @p0 s22  }
.LBB2_24:
0x178: {  	_ =	sfence.sel $0x180000  }
0x179: {  	[bflag:$0x0] =	sbarrier.arrive $0xFFFF  }
0x17a: {  	_ =	strace $0x9000004A  }
0x17b: {  	s0 =	stileid.u32;
	[bflag:$0x2] =	sbarrier.arrive $0xFFFF  }
0x17c: {  	p0 =	sne.s32 s0, $0x0;
	s0 =	rddreg [dreg:$0x2]  }
0x17d: {  	s0 =	sadd.s32 @!p0 $0x100000, s0  }
0x17e: {  	[sflag:s0] =	ssyncadd.tile.s32 @!p0 $0x1;
	_ =	shalt  }
.Lfunc_end2:
_tile_overlayer_lowered:
.L_overlay_start_2:
0x17f: {  	(tag) =	ssettag $0x2  }
0x180: {  	s0 =	rddreg [dreg:$0x0];
	s2 =	stileid.u32  }
0x181: {  	s1 =	rddreg [dreg:$0x1];
	p0 =	sne.s32 s2, $0x0  }
0x182: {  	s3 =	rddreg [dreg:$0x2];
	[bflag:$0x3] =	sbarrier.arrive $0xFFFF;
	s2 =	simm.s32 @!p0 $0x1C02  }
0x183: {  	[timem:s3], [sflag:s2] =	dma.local @!p0 [hbm:s0], s1  }
0x184: {  	s0 =	simm.s32 @!p0 $0x2  }
0x185: {  	_ =	swait.ge @!p0 [sflag:s0], s1  }
0x186: {  	s1 =	ssub.s32 @!p0 $0x0, s1;
	[sflag:s0] =	ssyncset.done @!p0 $0x0  }
0x187: {  	[sflag:s0] =	ssyncadd.s32 @!p0 s1  }
0x188: {  	[bflag:$0x3] =	sbarrier.arrive $0xFFFF  }
0x189: {  	_ =	shalt  }

// kernel: kernel.7.cloned.1.call-start
scs
__scs_entry_jumppad:
0x0: {  	(pc) =	sbr.rel $0x88, $3  }
0x1: {  	(tag) =	ssettag $0x0;
	lr =	simm.s32 $0x1  }
0x2: {  	[smem:$0x3FA0] =	sst lr;
	_ =	strace $0xD0000000  }
0x3: {  	_ = 	snop  }
0x4: {  	_ = 	snop  }
0x5: {  	_ = 	snop  }
0x6: {  	_ = 	snop  }
0x7: {  	_ = 	snop  }
__scs_overlays_trampoline_lowered:
0x8: {  	[smem:$0x3FAF] =	sst s0  }
0x9: {  	[smem:$0x3FB0] =	sst s1  }
0xa: {  	[smem:$0x3FB1] =	sst s2  }
0xb: {  	[smem:$0x3FB2] =	sst s3  }
0xc: {  	[smem:$0x3FB3] =	sst s4  }
0xd: {  	[smem:$0x3FB4] =	sst s5  }
0xe: {  	[smem:$0x3FB5] =	sst s6  }
0xf: {  	[smem:$0x3FB6] =	sst s7  }
0x10: {  	[smem:$0x3FB7] =	sst s8  }
0x11: {  	[smem:$0x3FB8] =	sst s9;
	s0 =	simm.s32 @!p0 $0x0  }
0x12: {  	s1 =	sld [smem:$0x3F9E];
	s0 =	simm.s32 @p0 $0x1  }
0x13: {  	[smem:$0x3FB9] =	sst s0;
	s0 =	simm.s32 @!p1 $0x0  }
0x14: {  	s2 =	sld [smem:$0x3F9D];
	s0 =	simm.s32 @p1 $0x1  }
0x15: {  	[smem:$0x3FBA] =	sst s0;
	s0 =	simm.s32 @!p2 $0x0  }
0x16: {  	s3 =	sld [smem:$0x3FDB];
	s0 =	simm.s32 @p2 $0x1  }
0x17: {  	s4 =	simm.s32 $0x1BF5;
	[smem:$0x3FBC] =	sst s0  }
0x18: {  	s0 =	sld [smem:$0x3F9F];
	_ =	swait.ge [sflag:s4], $0x0  }
0x19: {  	s7 =	sld [smem:$0x3FA0]  }
0x1a: {  	s8 =	sadd.s32 $0xFFFFE003, lr  }
0x1b: {  	s9 =	sadd.s32 $0xFFFFFEF7, lr;
	s5 =	simm.s32 $0xFFFFFFFF;
	p2 =	slt.u32 s8, $0xFFFFF086  }
0x1c: {  	p1 =	slt.u32 s9, $0xF7A;
	s5 =	simm.s32 @!p2 $0x0  }
0x1d: {  	s5 =	simm.s32 @p1 $0x1;
	p0 =	seq.s32 s7, s2  }
0x1e: {  	s7 =	smul.u32 @!p0 $0xF7A, s2;
	p2 =	seq.s32 @!p0 s5, $0x0  }
0x1f: {  	s9 =	smul.u32 $0xF7A, s1;
	s8 =	simm.s32 @!p0 $0x1BF5;
	p2 =	por !p2, p0  }
0x20: {  	[sflag:s8] =	ssyncset.s32 @!p0 $0xFFFFF086;
	s6 =	sadd.s32 @!p0 s3, s7;
	s7 =	simm.s32 @!p0 $0x108  }
0x21: {  	s3 =	sadd.s32 s3, s9;
	s6 =	sadd.s32 @!p0 $0x88, s6;
	s7 =	simm.s32 @p2 $0x1082  }
0x22: {  	[simem:s7], [sflag:s8] =	dma.local @!p0 [hbm:s6], $0xF7A  }
0x23: {  	s9 =	sor.u32 $0xD0000000, s2;
	s6 =	simm.s32 $0x108;
	_ =	swait.ge @!p0 [sflag:s8], $0x0  }
0x24: {  	s3 =	sadd.s32 $0x88, s3;
	s6 =	simm.s32 @!p1 $0x1082;
	[sflag:s4] =	ssyncset.s32 $0xFFFFF086  }
0x25: {  	[simem:s6], [sflag:s4] =	dma.local [hbm:s3], $0xF7A  }
0x26: {  	[smem:$0x3FA0] =	sst s1;
	(tag) =	ssettag s2;
	_ =	strace s9  }
0x27: {  	s1 =	sld [smem:$0x3FB0]  }
0x28: {  	s2 =	sld [smem:$0x3FB1]  }
0x29: {  	s4 =	sld [smem:$0x3FB3]  }
0x2a: {  	p0 =	seq.s32 s5, $0x0;
	s5 =	sld [smem:$0x3FB4]  }
0x2b: {  	s6 =	sld [smem:$0x3FB5]  }
0x2c: {  	s7 =	sld [smem:$0x3FB6]  }
0x2d: {  	s3 =	simm.s32 $0x108;
	s8 =	sld [smem:$0x3FB7]  }
0x2e: {  	s3 =	simm.s32 @!p0 $0x1082;
	s9 =	sld [smem:$0x3FB8]  }
0x2f: {  	lr =	sadd.s32 s0, s3;
	s0 =	sld [smem:$0x3FAF]  }
0x30: {  	s3 =	sld [smem:$0x3FB2]  }
0x31: {  	[smem:$0x3FBB] =	sst s10  }
0x32: {  	s10 =	sld [smem:$0x3FB9];
	_ =	sdelay $0x3  }
0x33: {  	p0 =	seq.s32 s10, $0x1;
	s10 =	sld [smem:$0x3FBB];
	_ =	sdelay $0x3  }
0x34: {  	[smem:$0x3FBB] =	sst s10  }
0x35: {  	s10 =	sld [smem:$0x3FBA];
	_ =	sdelay $0x3  }
0x36: {  	p1 =	seq.s32 s10, $0x1;
	s10 =	sld [smem:$0x3FBB];
	_ =	sdelay $0x3  }
0x37: {  	[smem:$0x3FBB] =	sst s10  }
0x38: {  	s10 =	sld [smem:$0x3FBC]  }
0x39: {  	_ = 	snop;
	(pc) =	sbr.ind lr, $3  }
0x3a: {  	_ = 	snop  }
0x3b: {  	_ = 	snop  }
0x3c: {  	p2 =	seq.s32 s10, $0x1;
	s10 =	sld [smem:$0x3FBB]  }
0x3d: {  	_ =	shalt  }
0x3e: {  	_ =	shalt  }
0x3f: {  	_ =	shalt  }
0x40: {  	_ =	shalt  }
0x41: {  	_ =	shalt  }
0x42: {  	_ =	shalt  }
0x43: {  	_ =	shalt  }
0x44: {  	_ =	shalt  }
0x45: {  	_ =	shalt  }
0x46: {  	_ =	shalt  }
0x47: {  	_ =	shalt  }
0x48: {  	_ =	shalt  }
0x49: {  	_ =	shalt  }
0x4a: {  	_ =	shalt  }
0x4b: {  	_ =	shalt  }
0x4c: {  	_ =	shalt  }
0x4d: {  	_ =	shalt  }
0x4e: {  	_ =	shalt  }
0x4f: {  	_ =	shalt  }
0x50: {  	_ =	shalt  }
0x51: {  	_ =	shalt  }
0x52: {  	_ =	shalt  }
0x53: {  	_ =	shalt  }
0x54: {  	_ =	shalt  }
0x55: {  	_ =	shalt  }
0x56: {  	_ =	shalt  }
0x57: {  	_ =	shalt  }
0x58: {  	_ =	shalt  }
0x59: {  	_ =	shalt  }
0x5a: {  	_ =	shalt  }
0x5b: {  	_ =	shalt  }
0x5c: {  	_ =	shalt  }
0x5d: {  	_ =	shalt  }
0x5e: {  	_ =	shalt  }
0x5f: {  	_ =	shalt  }
0x60: {  	_ =	shalt  }
0x61: {  	_ =	shalt  }
0x62: {  	_ =	shalt  }
0x63: {  	_ =	shalt  }
0x64: {  	_ =	shalt  }
0x65: {  	_ =	shalt  }
0x66: {  	_ =	shalt  }
0x67: {  	_ =	shalt  }
0x68: {  	_ =	shalt  }
0x69: {  	_ =	shalt  }
0x6a: {  	_ =	shalt  }
0x6b: {  	_ =	shalt  }
0x6c: {  	_ =	shalt  }
0x6d: {  	_ =	shalt  }
0x6e: {  	_ =	shalt  }
0x6f: {  	_ =	shalt  }
0x70: {  	_ =	shalt  }
0x71: {  	_ =	shalt  }
0x72: {  	_ =	shalt  }
0x73: {  	_ =	shalt  }
0x74: {  	_ =	shalt  }
0x75: {  	_ =	shalt  }
0x76: {  	_ =	shalt  }
0x77: {  	_ =	shalt  }
0x78: {  	_ =	shalt  }
0x79: {  	_ =	shalt  }
0x7a: {  	_ =	shalt  }
0x7b: {  	_ =	shalt  }
0x7c: {  	_ =	shalt  }
0x7d: {  	_ =	shalt  }
0x7e: {  	_ =	shalt  }
0x7f: {  	_ =	shalt  }
0x80: {  	_ =	shalt  }
0x81: {  	_ =	shalt  }
0x82: {  	_ =	shalt  }
0x83: {  	_ =	shalt  }
0x84: {  	_ =	shalt  }
0x85: {  	_ =	shalt  }
0x86: {  	_ =	shalt  }
0x87: {  	_ =	shalt  }
.Lfunc_end0:
.L_simem_size_0:
called_computation_lowered:
.L_overlay_start_0:
0x88: {  	s2 =	sld [smem:$0x3FD9]  }
0x89: {  	s3 =	sld [smem:$0x3FFE];
	_ =	sdelay $0x1  }
0x8a: {  	s1 =	srdreg.scid  }
0x8b: {  	s0 =	sand.u32 $0x1, s1  }
0x8c: {  	s14 =	sshll.u32 s0, $0xA;
	s2 =	sadd.s32 s3, s2  }
0x8d: {  	s2 =	sadd.s32 s2, s14  }
0x8e: {  	[smem:$0x3FC7] =	sst s2  }
0x8f: {  	_ = 	snop  }
0x90: {  	s2 =	sld [smem:$0x3FD0];
	_ =	sdelay $0x2  }
0x91: {  	s15 =	simm.s32 $0xA;
	s4 =	simm.s32 $0x10  }
0x92: {  	[smem:s4], [sflag:s15] =	dma.local [hbm:s2], $0x1  }
0x93: {  	_ =	swait.eq [sflag:s15], $0x1  }
0x94: {  	[sflag:s15] =	ssyncset.done $0x0  }
0x95: {  	s16 =	sld [smem:$0x10];
	[sflag:s15] =	ssyncadd.s32 $0xFFFFFFFF  }
0x96: {  	s17 =	sld [smem:$0x11];
	(tm) =	ssettm $0x1  }
0x97: {  	s18 =	sld [smem:$0x3FFB];
	_ =	sdelay $0x3  }
0x98: {  	_ =	strace s18  }
0x99: {  	s4 =	sld [smem:$0x3FFC];
	_ =	sdelay $0x3  }
0x9a: {  	_ =	strace s4  }
0x9b: {  	s4 =	sld [smem:$0x3FFD];
	_ =	sdelay $0x3  }
0x9c: {  	_ =	strace s4  }
0x9d: {  	_ =	strace $0x8FFFFFFF  }
0x9e: {  	s19 =	sld [smem:$0x3FDB];
	_ =	sdelay $0x1  }
0x9f: {  	s5 =	simm.s32 $_scs_section_size  }
0xa0: {  	s6 =	simm.s32 $_size__tile_overlayer_lowered;
	s7 =	simm.s32 $_tile_overlayer_lowered  }
0xa1: {  	s22 =	simm.s32 $0x1BFF;
	s21 =	sshll.u32 s7, $0x1;
	s4 =	sadd.s32 s5, s19  }
0xa2: {  	s8 =	simm.s32 $0x0;
	s20 =	sshll.u32 s6, $0x1;
	s6 =	sadd.s32 s21, s4  }
0xa3: {  	[timem:s8], [sflag:s22] =	dma.local [hbm:s6], s20  }
0xa4: {  	_ =	swait.ge [sflag:s22], s20  }
0xa5: {  	s5 =	ssub.s32 $0x0, s20;
	[sflag:s22] =	ssyncset.done $0x0  }
0xa6: {  	[sflag:s22] =	ssyncadd.s32 s5;
	_ =	sdelay $0x1  }
0xa7: {  	s23 =	simm.s32 $0x1B8B  }
0xa8: {  	_ =	swait.ge [sflag:s23], $0x1  }
0xa9: {  	[sflag:s23] =	ssyncset.done $0x0  }
0xaa: {  	s25 =	simm.s32 $0x1B8E;
	s24 =	sld [smem:$0x3FFE];
	[sflag:s23] =	ssyncadd.s32 $0xFFFFFFFF  }
0xab: {  	s26 =	simm.s32 $execute0_lowered;
	[smem:$0x3FD2] =	sst s25  }
0xac: {  	s6 =	sshll.u32 s26, $0x1;
	_ =	strace $0x80000046;
	[dreg:$0x1] =	wrdreg $0xFFFFFFFF  }
0xad: {  	s28 =	simm.s32 $_size_execute0_lowered;
	s4 =	sadd.s32 s4, s6;
	[dreg:$0x0] =	wrdreg $0x0  }
0xae: {  	s6 =	sshll.u32 s28, $0x1;
	[dreg:$0x2] =	wrdreg s4  }
0xaf: {  	[dreg:$0x3] =	wrdreg s6  }
0xb0: {  	[dreg:$0x4] =	wrdreg $0xC0  }
0xb1: {  	_ =	task [dreg:s8], $0x5FFFF  }
0xb2: {  	[dreg:$0x1] =	wrdreg $0xFFFFFFFF  }
0xb3: {  	[dreg:$0x0] =	wrdreg $0x60  }
0xb4: {  	[dreg:$0x2] =	wrdreg s16  }
0xb5: {  	[dreg:$0x3] =	wrdreg s17  }
0xb6: {  	[dreg:$0x4] =	wrdreg s24  }
0xb7: {  	[dreg:$0x5] =	wrdreg $0x9  }
0xb8: {  	_ =	task.clear_ibuf [dreg:s8], $0x6FFFF;
	_ =	strace $0x90000046  }
0xb9: {  	s29 =	simm.s32 $0x9;
	_ =	strace $0x80000048  }
0xba: {  	_ =	swait.ge [sflag:s29], $0x1  }
0xbb: {  	[sflag:s29] =	ssyncadd.s32 $0xFFFFFFFF  }
0xbc: {  	_ =	strace $0x90000048  }
0xbd: {  	_ =	sfence  }
0xbe: {  	s30 =	sld [smem:$0x0];
	_ =	sdelay $0x2  }
0xbf: {  	s31 =	sshll.u32 s1, $0xD;
	s1 =	sshrl.u32 s1, $0x2  }
0xc0: {  	s3 =	sand.u32 $0x4000, s31;
	s1 =	sadd.s32 s1, s30  }
0xc1: {  	s0 =	sor.u32 s3, s0;
	s1 =	sshll.u32 s1, $0x11  }
0xc2: {  	s0 =	sor.u32 s1, s0  }
0xc3: {  	s0 =	sadd.s32 $0x8F2B, s0  }
0xc4: {  	[sflag:s0] =	ssyncadd.remote.s32 $0x1  }
0xc5: {  	_ =	sfence.sel $0xFFFF  }
0xc6: {  	[dreg:$0x0] =	wrdreg $0xFFFFFFFF;
	(pc) =	sbr.abs _section_cstart, $3  }
0xc7: {  	[dreg:$0x1] =	wrdreg $0xFFFFFFFF  }
0xc8: {  	_ =	task.clear_ibuf [dreg:s8], $0x2FFFF;
	_ =	strace $0x9FFFFFFF  }
0xc9: {  	(tm) =	ssettm $0x7FFFFFFF  }
tec
execute0_lowered:
.L_overlay_start_1:
0x0: {  	(tag) =	ssettag $0x1  }
0x1: {  	s0 =	stileid.u32  }
0x2: {  	s1 =	srdreg.scid;
	s2 =	sshll.u32 s0, $0x1  }
0x3: {  	s23 =	sand.u32 $0x1, s1;
	s29 =	sand.u32 $0xE, s2  }
0x4: {  	s3 =	rddreg [dreg:$0x0];
	s30 =	sshll.u32 s0, $0x9;
	s1 =	sor.u32 s23, s29  }
0x5: {  	s5 =	rddreg [dreg:$0x1];
	s13 =	sand.u32 $0x1000, s30;
	s4 =	sshll.u32 s1, $0x8  }
0x6: {  	s18 =	rddreg [dreg:$0x2];
	s2 =	simm.s32 $0x0;
	s4 =	sor.u32 s13, s4  }
0x7: {  	[smem:$0x7FF] =	sst s2;
	s6 =	sshrl.u32 s4, $0x3  }
0x8: {  	s1 =	rddreg [dreg:$0x3];
	_ =	strace $0x80000047;
	s4 =	sadd.s32 s3, s6  }
0x9: {  	[tilespmem:s2], [sflag:$0x1] =	stream.linear.gather [hbm4b:s4+s2], $0x100, $0x38;
	[tilespmem:$0x600] =	vst v63  }
0xa: {  	s31 =	sadd.s32 s6, s18;
	s5 =	sadd.s32 s5, s6;
	s6 =	simm.s32 $0x100  }
0xb: {  	[tilespmem:s6], [sflag:$0x1] =	stream.linear.gather [hbm4b:s5+s2], $0x100, $0x38;
	[tilespmem:$0x600] =	vst v63  }
0xc: {  	s8 =	simm.s32 $0x200;
	s7 =	sadd.s32 $0x2400, s31  }
0xd: {  	[tilespmem:s8], [sflag:$0x1] =	stream.linear.gather [hbm4b:s7+s2], $0x100, $0x38;
	[tilespmem:$0x600] =	vst v63  }
0xe: {  	s10 =	simm.s32 $0x300;
	s9 =	sadd.s32 $0x2800, s31  }
0xf: {  	[tilespmem:s10], [sflag:$0x1] =	stream.linear.gather [hbm4b:s9+s2], $0x100, $0x38;
	[tilespmem:$0x600] =	vst v63  }
0x10: {  	s12 =	simm.s32 $0x400;
	s3 =	simm.s32 $0x1;
	s11 =	sadd.s32 $0x2000, s31  }
0x11: {  	[tilespmem:s12], [sflag:$0x1] =	stream.linear.gather [hbm4b:s11+s2], $0x100, $0x38;
	[tilespmem:$0x600] =	vst v63  }
0x12: {  	_ =	swait.ge [sflag:s3], $0x100  }
0x13: {  	[sflag:s3] =	ssyncset.done $0x0  }
0x14: {  	[sflag:s3] =	ssyncadd.s32 $0xFFFFFF00  }
0x15: {  	_ =	swait.ge [sflag:s3], $0x100  }
0x16: {  	[sflag:s3] =	ssyncset.done $0x0  }
0x17: {  	[sflag:s3] =	ssyncadd.s32 $0xFFFFFF00  }
0x18: {  	_ =	swait.ge [sflag:s3], $0x100  }
0x19: {  	[sflag:s3] =	ssyncset.done $0x0  }
0x1a: {  	[sflag:s3] =	ssyncadd.s32 $0xFFFFFF00  }
0x1b: {  	_ =	swait.ge [sflag:s3], $0x100  }
0x1c: {  	[sflag:s3] =	ssyncset.done $0x0  }
0x1d: {  	[sflag:s3] =	ssyncadd.s32 $0xFFFFFF00  }
0x1e: {  	_ =	swait.ge [sflag:s3], $0x100  }
0x1f: {  	[sflag:s3] =	ssyncset.done $0x0  }
0x20: {  	[sflag:s3] =	ssyncadd.s32 $0xFFFFFF00  }
0x21: {  	v1 =	vld [tilespmem:$0x1F0]  }
0x22: {  	v2 =	vld [tilespmem:$0x1B0]  }
0x23: {  	v3 =	vld [tilespmem:$0x1E0]  }
0x24: {  	v4 =	vld [tilespmem:$0x1D0]  }
0x25: {  	v5 =	vld [tilespmem:$0x1C0]  }
0x26: {  	v0 =	vmov s13;
	v6 =	vld [tilespmem:$0x130]  }
0x27: {  	v1 =	vadd.s32 v0, v1  }
0x28: {  	v7 =	vld [tilespmem:$0x1A0];
	v2 =	vadd.s32 v0, v2;
	[tilespmem:$0x5F0] =	vst v1  }
0x29: {  	v58 =	vld [tilespmem:$0x150];
	v4 =	vadd.s32 v0, v4;
	[tilespmem:$0x5B0] =	vst v2  }
0x2a: {  	v5 =	vadd.s32 v0, v5;
	v1 =	vld [tilespmem:$0x190];
	[tilespmem:$0x5D0] =	vst v4  }
0x2b: {  	v57 =	vadd.s32 v0, v6;
	v2 =	vadd.s32 v0, v3;
	v3 =	vld [tilespmem:$0x180];
	[tilespmem:$0x5C0] =	vst v5  }
0x2c: {  	v62 =	vld [tilespmem:$0x120];
	[tilespmem:$0x530] =	vst v57  }
0x2d: {  	v60 =	vadd.s32 v0, v7;
	[tilespmem:$0x5E0] =	vst v2;
	v2 =	vld [tilespmem:$0x160]  }
0x2e: {  	v59 =	vld [tilespmem:$0x140];
	v6 =	vadd.s32 v0, v58;
	[tilespmem:$0x5A0] =	vst v60  }
0x2f: {  	v61 =	vld [tilespmem:$0x170];
	[tilespmem:$0x550] =	vst v6;
	v1 =	vadd.s32 v0, v1  }
0x30: {  	v3 =	vadd.s32 v0, v3;
	[tilespmem:$0x590] =	vst v1;
	v1 =	vld [tilespmem:$0x110]  }
0x31: {  	v63 =	vadd.s32 v0, v62;
	[tilespmem:$0x580] =	vst v3;
	v3 =	vld [tilespmem:$0x100]  }
0x32: {  	[tilespmem:$0x520] =	vst v63;
	v2 =	vadd.s32 v0, v2  }
0x33: {  	[tilespmem:$0x560] =	vst v2;
	v2 =	vadd.s32 v0, v59  }
0x34: {  	[tilespmem:$0x540] =	vst v2;
	v2 =	vadd.s32 v0, v61  }
0x35: {  	[tilespmem:$0x570] =	vst v2;
	v1 =	vadd.s32 v0, v1  }
0x36: {  	v2 =	vadd.s32 v0, v3;
	[tilespmem:$0x510] =	vst v1  }
0x37: {  	s14 =	simm.s32 $0x80;
	s15 =	simm.s32 $0x500;
	s13 =	sadd.s32 $0x3800, s18;
	[tilespmem:$0x500] =	vst v2  }
0x38: {  	[hbm4b:s13+s14] =	stream.indirect.scatter [tilespmem:s2], [sflag:$0x1], $0x1, s15, s14, $0xb8;
	[tilespmem:$0x600] =	vst v63  }
0x39: {  	s16 =	sadd.s32 $0x2C00, s18  }
0x3a: {  	[hbm4b:s16+s14] =	stream.indirect.scatter [tilespmem:s8], [sflag:$0x1], $0x1, s15, s14, $0xb8;
	[tilespmem:$0x600] =	vst v63  }
0x3b: {  	s17 =	sadd.s32 $0x3000, s18  }
0x3c: {  	[hbm4b:s17+s14] =	stream.indirect.scatter [tilespmem:s10], [sflag:$0x1], $0x1, s15, s14, $0xb8;
	[tilespmem:$0x600] =	vst v63  }
0x3d: {  	s18 =	sadd.s32 $0x3400, s18  }
0x3e: {  	[hbm4b:s18+s14] =	stream.indirect.scatter [tilespmem:s12], [sflag:$0x1], $0x1, s15, s14, $0xb8;
	[tilespmem:$0x600] =	vst v63  }
0x3f: {  	s19 =	simm.s32 $0x580  }
0x40: {  	[hbm4b:s13+s14] =	stream.indirect.scatter [tilespmem:s14], [sflag:$0x1], $0x1, s19, s14, $0xb8;
	[tilespmem:$0x600] =	vst v63  }
0x41: {  	s20 =	simm.s32 $0x280  }
0x42: {  	[hbm4b:s16+s14] =	stream.indirect.scatter [tilespmem:s20], [sflag:$0x1], $0x1, s19, s14, $0xb8;
	[tilespmem:$0x600] =	vst v63  }
0x43: {  	s21 =	simm.s32 $0x380;
	s23 =	ssub.s32 $0x2, s23  }
0x44: {  	[hbm4b:s17+s14] =	stream.indirect.scatter [tilespmem:s21], [sflag:$0x1], $0x1, s19, s14, $0xb8;
	[tilespmem:$0x600] =	vst v63  }
0x45: {  	s22 =	simm.s32 $0x480;
	s24 =	sshrl.u32 s23, $0x1  }
0x46: {  	[hbm4b:s18+s14] =	stream.indirect.scatter [tilespmem:s22], [sflag:$0x1], $0x1, s19, s14, $0xb8;
	[tilespmem:$0x600] =	vst v63  }
0x47: {  	s23 =	ssub.s32 s23, s24;
	_ =	swait.ge [sflag:s3], $0x80  }
0x48: {  	s23 =	smax.u32 s23, $0x1;
	[sflag:s3] =	ssyncset.done $0x0  }
0x49: {  	p0 =	sne.s32 s23, $0x1;
	[sflag:s3] =	ssyncadd.s32 $0xFFFFFF80  }
.Ltmp0:
0x4a: {  	_ =	swait.ge [sflag:s3], $0x80;
	(pc) =	sbr.rel @!p0 .LBB2_2-.Ltmp0, $4  }
0x4b: {  	[sflag:s3] =	ssyncset.done $0x0  }
0x4c: {  	[sflag:s3] =	ssyncadd.s32 $0xFFFFFF80  }
0x4d: {  	_ =	swait.ge [sflag:s3], $0x80  }
0x4e: {  	s23 =	sadd.s32 $0xFFFFFFFF, s23;
	[sflag:s3] =	ssyncset.done $0x0  }
.LBB2_1:
0x4f: {  	p0 =	sne.s32 s23, $0x1;
	s23 =	sadd.s32 $0xFFFFFFFF, s23;
	[sflag:s3] =	ssyncadd.s32 $0xFFFFFF80  }
0x50: {  	_ =	swait.ge [sflag:s3], $0x80  }
0x51: {  	[sflag:s3] =	ssyncset.done $0x0  }
0x52: {  	[sflag:s3] =	ssyncadd.s32 $0xFFFFFF80  }
0x53: {  	_ =	swait.ge [sflag:s3], $0x80  }
0x54: {  	[sflag:s3] =	ssyncset.done $0x0  }
0x55: {  	[sflag:s3] =	ssyncadd.s32 $0xFFFFFF80  }
0x56: {  	_ =	swait.ge [sflag:s3], $0x80  }
0x57: {  	[sflag:s3] =	ssyncset.done $0x0  }
0x58: {  	[sflag:s3] =	ssyncadd.s32 $0xFFFFFF80  }
0x59: {  	_ =	swait.ge [sflag:s3], $0x80  }
0x5a: {  	[sflag:s3] =	ssyncset.done $0x0  }
0x5b: {  	[sflag:s3] =	ssyncadd.s32 $0xFFFFFF80  }
0x5c: {  	_ =	swait.ge [sflag:s3], $0x80  }
0x5d: {  	[sflag:s3] =	ssyncset.done $0x0  }
0x5e: {  	[sflag:s3] =	ssyncadd.s32 $0xFFFFFF80  }
0x5f: {  	[tilespmem:s2], [sflag:$0x1] =	stream.linear.gather [hbm4b:s4+s2], $0x100, $0x38;
	[tilespmem:$0x600] =	vst v63  }
0x60: {  	_ = 	snop  }
0x61: {  	[tilespmem:s6], [sflag:$0x1] =	stream.linear.gather [hbm4b:s5+s2], $0x100, $0x38;
	[tilespmem:$0x600] =	vst v63  }
0x62: {  	_ = 	snop  }
0x63: {  	[tilespmem:s8], [sflag:$0x1] =	stream.linear.gather [hbm4b:s7+s2], $0x100, $0x38;
	[tilespmem:$0x600] =	vst v63  }
0x64: {  	_ = 	snop  }
0x65: {  	[tilespmem:s10], [sflag:$0x1] =	stream.linear.gather [hbm4b:s9+s2], $0x100, $0x38;
	[tilespmem:$0x600] =	vst v63  }
0x66: {  	_ = 	snop  }
0x67: {  	[tilespmem:s12], [sflag:$0x1] =	stream.linear.gather [hbm4b:s11+s2], $0x100, $0x38;
	[tilespmem:$0x600] =	vst v63  }
0x68: {  	_ =	swait.ge [sflag:s3], $0x100  }
0x69: {  	[sflag:s3] =	ssyncset.done $0x0  }
0x6a: {  	[sflag:s3] =	ssyncadd.s32 $0xFFFFFF00  }
0x6b: {  	_ =	swait.ge [sflag:s3], $0x100  }
0x6c: {  	[sflag:s3] =	ssyncset.done $0x0  }
0x6d: {  	[sflag:s3] =	ssyncadd.s32 $0xFFFFFF00  }
0x6e: {  	_ =	swait.ge [sflag:s3], $0x100  }
0x6f: {  	[sflag:s3] =	ssyncset.done $0x0  }
0x70: {  	[sflag:s3] =	ssyncadd.s32 $0xFFFFFF00  }
0x71: {  	_ =	swait.ge [sflag:s3], $0x100  }
0x72: {  	[sflag:s3] =	ssyncset.done $0x0  }
0x73: {  	[sflag:s3] =	ssyncadd.s32 $0xFFFFFF00  }
0x74: {  	_ =	swait.ge [sflag:s3], $0x100  }
0x75: {  	[sflag:s3] =	ssyncset.done $0x0  }
0x76: {  	[sflag:s3] =	ssyncadd.s32 $0xFFFFFF00  }
0x77: {  	v1 =	vld [tilespmem:$0x1F0]  }
0x78: {  	v2 =	vld [tilespmem:$0x1B0]  }
0x79: {  	v3 =	vld [tilespmem:$0x1E0]  }
0x7a: {  	v4 =	vld [tilespmem:$0x1D0]  }
0x7b: {  	v5 =	vld [tilespmem:$0x1C0]  }
0x7c: {  	v6 =	vld [tilespmem:$0x130];
	v1 =	vadd.s32 v0, v1  }
0x7d: {  	v7 =	vld [tilespmem:$0x1A0];
	v2 =	vadd.s32 v0, v2;
	[tilespmem:$0x5F0] =	vst v1  }
0x7e: {  	v1 =	vld [tilespmem:$0x190];
	[tilespmem:$0x5B0] =	vst v2;
	v2 =	vadd.s32 v0, v3  }
0x7f: {  	v3 =	vld [tilespmem:$0x180];
	v4 =	vadd.s32 v0, v4;
	[tilespmem:$0x5E0] =	vst v2  }
0x80: {  	v2 =	vld [tilespmem:$0x160];
	v5 =	vadd.s32 v0, v5;
	[tilespmem:$0x5D0] =	vst v4  }
0x81: {  	v4 =	vadd.s32 v0, v6;
	v6 =	vld [tilespmem:$0x150];
	[tilespmem:$0x5C0] =	vst v5  }
0x82: {  	[tilespmem:$0x530] =	vst v4;
	v4 =	vld [tilespmem:$0x140];
	v5 =	vadd.s32 v0, v7  }
0x83: {  	v7 =	vld [tilespmem:$0x170];
	v1 =	vadd.s32 v0, v1;
	[tilespmem:$0x5A0] =	vst v5  }
0x84: {  	v5 =	vld [tilespmem:$0x120];
	v3 =	vadd.s32 v0, v3;
	[tilespmem:$0x590] =	vst v1  }
0x85: {  	v1 =	vld [tilespmem:$0x110];
	v2 =	vadd.s32 v0, v2;
	[tilespmem:$0x580] =	vst v3  }
0x86: {  	v3 =	vld [tilespmem:$0x100];
	v6 =	vadd.s32 v0, v6;
	[tilespmem:$0x560] =	vst v2  }
0x87: {  	v2 =	vadd.s32 v0, v4;
	[tilespmem:$0x550] =	vst v6  }
0x88: {  	[tilespmem:$0x540] =	vst v2;
	v2 =	vadd.s32 v0, v7  }
0x89: {  	v4 =	vadd.s32 v0, v5;
	[tilespmem:$0x570] =	vst v2  }
0x8a: {  	v1 =	vadd.s32 v0, v1;
	[tilespmem:$0x520] =	vst v4  }
0x8b: {  	v2 =	vadd.s32 v0, v3;
	[tilespmem:$0x510] =	vst v1  }
0x8c: {  	[tilespmem:$0x500] =	vst v2  }
0x8d: {  	[hbm4b:s13+s14] =	stream.indirect.scatter [tilespmem:s2], [sflag:$0x1], $0x1, s15, s14, $0xb8;
	[tilespmem:$0x600] =	vst v63  }
0x8e: {  	_ = 	snop  }
0x8f: {  	[hbm4b:s16+s14] =	stream.indirect.scatter [tilespmem:s8], [sflag:$0x1], $0x1, s15, s14, $0xb8;
	[tilespmem:$0x600] =	vst v63  }
0x90: {  	_ = 	snop  }
0x91: {  	[hbm4b:s17+s14] =	stream.indirect.scatter [tilespmem:s10], [sflag:$0x1], $0x1, s15, s14, $0xb8;
	[tilespmem:$0x600] =	vst v63  }
0x92: {  	_ = 	snop  }
0x93: {  	[hbm4b:s18+s14] =	stream.indirect.scatter [tilespmem:s12], [sflag:$0x1], $0x1, s15, s14, $0xb8;
	[tilespmem:$0x600] =	vst v63  }
0x94: {  	_ = 	snop  }
0x95: {  	[hbm4b:s13+s14] =	stream.indirect.scatter [tilespmem:s14], [sflag:$0x1], $0x1, s19, s14, $0xb8;
	[tilespmem:$0x600] =	vst v63  }
0x96: {  	_ = 	snop  }
0x97: {  	[hbm4b:s16+s14] =	stream.indirect.scatter [tilespmem:s20], [sflag:$0x1], $0x1, s19, s14, $0xb8;
	[tilespmem:$0x600] =	vst v63  }
0x98: {  	_ = 	snop  }
0x99: {  	[hbm4b:s17+s14] =	stream.indirect.scatter [tilespmem:s21], [sflag:$0x1], $0x1, s19, s14, $0xb8;
	[tilespmem:$0x600] =	vst v63  }
0x9a: {  	_ = 	snop  }
0x9b: {  	[hbm4b:s18+s14] =	stream.indirect.scatter [tilespmem:s22], [sflag:$0x1], $0x1, s19, s14, $0xb8;
	[tilespmem:$0x600] =	vst v63  }
0x9c: {  	_ =	swait.ge [sflag:s3], $0x80  }
0x9d: {  	[sflag:s3] =	ssyncset.done $0x0  }
0x9e: {  	[sflag:s3] =	ssyncadd.s32 $0xFFFFFF80  }
.Ltmp1:
0x9f: {  	_ =	swait.ge [sflag:s3], $0x80;
	(pc) =	sbr.rel @p0 .LBB2_1-.Ltmp1, $4  }
0xa0: {  	[sflag:s3] =	ssyncset.done $0x0  }
0xa1: {  	[sflag:s3] =	ssyncadd.s32 $0xFFFFFF80  }
0xa2: {  	_ =	swait.ge [sflag:s3], $0x80  }
0xa3: {  	[sflag:s3] =	ssyncset.done $0x0  }
.LBB2_2:
0xa4: {  	[sflag:s3] =	ssyncadd.s32 $0xFFFFFF80  }
0xa5: {  	_ =	swait.ge [sflag:s3], $0x80  }
0xa6: {  	[sflag:s3] =	ssyncset.done $0x0  }
0xa7: {  	[sflag:s3] =	ssyncadd.s32 $0xFFFFFF80  }
0xa8: {  	_ =	swait.ge [sflag:s3], $0x80  }
0xa9: {  	[sflag:s3] =	ssyncset.done $0x0  }
0xaa: {  	[sflag:s3] =	ssyncadd.s32 $0xFFFFFF80  }
0xab: {  	_ =	swait.ge [sflag:s3], $0x80  }
0xac: {  	[sflag:s3] =	ssyncset.done $0x0  }
0xad: {  	[sflag:s3] =	ssyncadd.s32 $0xFFFFFF80  }
0xae: {  	_ =	swait.ge [sflag:s3], $0x80  }
0xaf: {  	[sflag:s3] =	ssyncset.done $0x0  }
0xb0: {  	[sflag:s3] =	ssyncadd.s32 $0xFFFFFF80  }
0xb1: {  	_ =	swait.ge [sflag:s3], $0x80  }
0xb2: {  	[sflag:s3] =	ssyncset.done $0x0  }
0xb3: {  	[sflag:s3] =	ssyncadd.s32 $0xFFFFFF80  }
0xb4: {  	_ =	sfence.sel $0x180000  }
0xb5: {  	[bflag:$0x0] =	sbarrier.arrive $0xFFFF  }
0xb6: {  	p0 =	sne.s32 s0, $0x0;
	_ =	strace $0x90000047  }
0xb7: {  	s0 =	sadd.s32 @!p0 $0x100000, s1;
	[bflag:$0x2] =	sbarrier.arrive $0xFFFF  }
0xb8: {  	[sflag:s0] =	ssyncadd.tile.s32 @!p0 $0x1;
	_ =	shalt  }
.Lfunc_end2:
_tile_overlayer_lowered:
.L_overlay_start_2:
0xb9: {  	(tag) =	ssettag $0x2  }
0xba: {  	s0 =	rddreg [dreg:$0x0];
	s2 =	stileid.u32  }
0xbb: {  	s1 =	rddreg [dreg:$0x1];
	p0 =	sne.s32 s2, $0x0  }
0xbc: {  	s3 =	rddreg [dreg:$0x2];
	[bflag:$0x3] =	sbarrier.arrive $0xFFFF;
	s2 =	simm.s32 @!p0 $0x1C02  }
0xbd: {  	[timem:s3], [sflag:s2] =	dma.local @!p0 [hbm:s0], s1  }
0xbe: {  	s0 =	simm.s32 @!p0 $0x2  }
0xbf: {  	_ =	swait.ge @!p0 [sflag:s0], s1  }
0xc0: {  	s1 =	ssub.s32 @!p0 $0x0, s1;
	[sflag:s0] =	ssyncset.done @!p0 $0x0  }
0xc1: {  	[sflag:s0] =	ssyncadd.s32 @!p0 s1  }
0xc2: {  	[bflag:$0x3] =	sbarrier.arrive $0xFFFF  }
0xc3: {  	_ =	shalt  }

</sc_bundles>
